<compile_context>
chip_gen: v7x
topology: tpu7x:2x2x1
jax: 0.10.2.dev20260603
libtpu: 0.0.44.dev20260713+nightly
codegen_flags: <defaults>
</compile_context>

<pallas_src>
import functools

import numpy as np
import jax
import jax.numpy as jnp
from jax import lax
from jax.experimental import pallas as pl
from jax.experimental.pallas import tpu as pltpu
from jax.experimental.pallas import tpu_sc as plsc

_U1 = float(np.array(1035489773, np.uint32).view(np.float32))
_FEAT = 0.02

_B, _N = 4, 32768
_NW = 32
_RPI = _NW // _B
_PW = _N // _RPI
_RCAP = 1024
_C = _RPI * _RCAP
_L = 16


def _sc_compact_body(xyzT, rgbT, refp, out_xyz, out_rgb, out_n,
                     xin, yin, zin, rin, gin, bin_,
                     xo, yo, zo, ro, go, bo, refv, cntv):
    w = lax.axis_index("s") * 2 + lax.axis_index("c")
    b = w // _RPI
    r = w % _RPI
    base = r * _PW

    pltpu.sync_copy(refp.at[pl.ds(b * _L, _L)], refv)
    ins = (xin, yin, zin, rin, gin, bin_)
    for s in range(3):
        pltpu.sync_copy(xyzT.at[pl.ds((b * 3 + s) * _N + base, _PW)], ins[s])
        pltpu.sync_copy(rgbT.at[pl.ds((b * 3 + s) * _N + base, _PW)],
                        ins[3 + s])

    outs = (xo, yo, zo, ro, go, bo)

    def zfill(i, carry):
        z = jnp.zeros((_L,), jnp.float32)
        for o in outs:
            o[pl.ds(i * _L, _L)] = z
        return carry

    lax.fori_loop(0, (_RCAP + _L) // _L, zfill, jnp.int32(0))

    rv = refv[...]
    rx = rv[0]
    ry = rv[1]
    rz = rv[2]
    def step(i, off):
        sl = pl.ds(i * _L, _L)
        xv = xin[sl]
        yv = yin[sl]
        zv = zin[sl]
        dx = xv - rx
        dy = yv - ry
        dz = zv - rz
        dd = dx * dx + dy * dy + dz * dz
        m = dd <= _U1
        mi = m.astype(jnp.int32)
        csum = plsc.cumsum(mi)
        dest = jnp.minimum(off + (csum - mi), _RCAP + _L - 1)
        plsc.store_scatter(xo, [dest], xv, mask=m)
        plsc.store_scatter(yo, [dest], yv, mask=m)
        plsc.store_scatter(zo, [dest], zv, mask=m)
        plsc.store_scatter(ro, [dest], rin[sl], mask=m)
        plsc.store_scatter(go, [dest], gin[sl], mask=m)
        plsc.store_scatter(bo, [dest], bin_[sl], mask=m)
        return off + csum[_L - 1]

    cnt = lax.fori_loop(0, _PW // _L, step, jnp.int32(0))
    cnt = jnp.minimum(cnt, _RCAP)
    cntv[...] = jnp.broadcast_to(cnt, (_L,))

    for s in range(3):
        pltpu.sync_copy(outs[s].at[pl.ds(0, _RCAP)],
                        out_xyz.at[pl.ds((b * 3 + s) * _C + r * _RCAP, _RCAP)])
        pltpu.sync_copy(outs[3 + s].at[pl.ds(0, _RCAP)],
                        out_rgb.at[pl.ds((b * 3 + s) * _C + r * _RCAP, _RCAP)])
    pltpu.sync_copy(cntv, out_n.at[pl.ds((b * _RPI + r) * _L, _L)])


def _sc_compact(xyzT, rgbT, refp):
    mesh = plsc.VectorSubcoreMesh(core_axis_name="c", subcore_axis_name="s")
    fn = pl.kernel(
        _sc_compact_body,
        out_type=[
            jax.ShapeDtypeStruct((_B * 3 * _C,), jnp.float32),
            jax.ShapeDtypeStruct((_B * 3 * _C,), jnp.float32),
            jax.ShapeDtypeStruct((_B * _RPI * _L,), jnp.int32),
        ],
        mesh=mesh,
        compiler_params=pltpu.CompilerParams(needs_layout_passes=False),
        scratch_types=[
            pltpu.VMEM((_PW,), jnp.float32),
            pltpu.VMEM((_PW,), jnp.float32),
            pltpu.VMEM((_PW,), jnp.float32),
            pltpu.VMEM((_PW,), jnp.float32),
            pltpu.VMEM((_PW,), jnp.float32),
            pltpu.VMEM((_PW,), jnp.float32),
            pltpu.VMEM((_RCAP + _L,), jnp.float32),
            pltpu.VMEM((_RCAP + _L,), jnp.float32),
            pltpu.VMEM((_RCAP + _L,), jnp.float32),
            pltpu.VMEM((_RCAP + _L,), jnp.float32),
            pltpu.VMEM((_RCAP + _L,), jnp.float32),
            pltpu.VMEM((_RCAP + _L,), jnp.float32),
            pltpu.VMEM((_L,), jnp.float32),
            pltpu.VMEM((_L,), jnp.int32),
        ],
    )
    return fn(xyzT, rgbT, refp)


_CB = 512
_BPR = _RCAP // _CB
_NB = _C // _CB


def _tc_body(cnt_ref, xyzT_ref, rgbT_ref,
             wp1, bp1, wp2, bp2, wp3, bp3,
             wo1, bo1, wo2, bo2, wo3, bo3,
             pos_ref, ori_ref, fpos_s, fori_s):
    b = pl.program_id(0)

    for j in range(_NB):
        @pl.when(cnt_ref[b, j // _BPR, 0] > (j % _BPR) * _CB)
        def _heads(j=j):
            rgbT = rgbT_ref[0, :, pl.ds(j * _CB, _CB)]
            h = jnp.maximum(
                jnp.dot(wp1[...], rgbT, preferred_element_type=jnp.float32)
                + bp1[...], 0.0)
            h = jnp.maximum(
                jnp.dot(wp2[...], h, preferred_element_type=jnp.float32)
                + bp2[...], 0.0)
            fpos_s[:, pl.ds(j * _CB, _CB)] = (
                jnp.dot(wp3[...], h, preferred_element_type=jnp.float32)
                + bp3[...])
            ho = jnp.maximum(
                jnp.dot(wo1[...], rgbT, preferred_element_type=jnp.float32)
                + bo1[...], 0.0)
            ho = jnp.maximum(
                jnp.dot(wo2[...], ho, preferred_element_type=jnp.float32)
                + bo2[...], 0.0)
            fori_s[:, pl.ds(j * _CB, _CB)] = (
                jnp.dot(wo3[...], ho, preferred_element_type=jnp.float32)
                + bo3[...])

    xyzT = xyzT_ref[0]
    iota = lax.broadcasted_iota(jnp.int32, (1, _C), 1)
    valid = None
    for r in range(_RPI):
        t = (iota >= r * _RCAP) & (iota < r * _RCAP + cnt_ref[b, r, 0])
        valid = t if valid is None else (valid | t)

    fpos = fpos_s[...]
    fori = jnp.where(valid, fori_s[...], 0.0)

    logits = jnp.where(valid, fpos, -1e9)
    mx = jnp.max(logits)
    e = jnp.where(valid, jnp.exp(logits - mx), 0.0)
    wgt = e / jnp.sum(e)
    pos = jnp.sum(xyzT * wgt, axis=1, keepdims=True)
    pos_ref[0] = pos

    dd = (xyzT - pos) ** 2
    d2 = jnp.sqrt(dd[0:1] + dd[1:2] + dd[2:3])
    m2 = valid & (d2 <= _FEAT)
    cnt2 = jnp.sum(m2.astype(jnp.float32))
    meanf = (jnp.sum(jnp.where(m2, fori, 0.0), axis=1, keepdims=True)
             / jnp.maximum(cnt2, 1.0))
    fb = jnp.sum(fori * wgt, axis=1, keepdims=True)
    ori = jnp.where(cnt2 > 0.0, meanf, fb)

    row = lax.broadcasted_iota(jnp.int32, (9, 1), 0)
    g0 = (row < 3).astype(jnp.float32)
    g1 = ((row >= 3) & (row < 6)).astype(jnp.float32)
    g2 = (row >= 6).astype(jnp.float32)
    sq = ori * ori
    n0 = jnp.sqrt(jnp.sum(sq * g0)) + 1e-8
    n1 = jnp.sqrt(jnp.sum(sq * g1)) + 1e-8
    n2 = jnp.sqrt(jnp.sum(sq * g2)) + 1e-8
    denom = n0 * g0 + n1 * g1 + n2 * g2
    ori_ref[0] = ori / denom


def _tc_pool(counts3, xyzT_c, rgbT_c, wp1, bp1, wp2, bp2, wp3, bp3,
             wo1, bo1, wo2, bo2, wo3, bo3):
    def wspec(a):
        nd = a.ndim
        return pl.BlockSpec(a.shape, lambda b, _n=nd: (0,) * _n)

    ws = (wp1, bp1, wp2, bp2, wp3, bp3, wo1, bo1, wo2, bo2, wo3, bo3)
    return pl.pallas_call(
        _tc_body,
        grid=(_B,),
        in_specs=[
            pl.BlockSpec((_B, _RPI, _L), lambda b: (0, 0, 0),
                         memory_space=pltpu.SMEM),
            pl.BlockSpec((1, 3, _C), lambda b: (b, 0, 0)),
            pl.BlockSpec((1, 3, _C), lambda b: (b, 0, 0)),
        ] + [wspec(a) for a in ws],
        out_specs=[
            pl.BlockSpec((1, 3, 1), lambda b: (b, 0, 0)),
            pl.BlockSpec((1, 9, 1), lambda b: (b, 0, 0)),
        ],
        out_shape=[
            jax.ShapeDtypeStruct((_B, 3, 1), jnp.float32),
            jax.ShapeDtypeStruct((_B, 9, 1), jnp.float32),
        ],
        scratch_shapes=[
            pltpu.VMEM((1, _C), jnp.float32),
            pltpu.VMEM((9, _C), jnp.float32),
        ],
    )(counts3, xyzT_c, rgbT_c, *ws)


def kernel(xyz, rgb, reference_point,
           Wp1, bp1, Wp2, bp2, Wp3, bp3,
           Wo1, bo1, Wo2, bo2, Wo3, bo3):
    xyzT = jnp.transpose(xyz, (0, 2, 1)).reshape(-1)
    rgbT = jnp.transpose(rgb, (0, 2, 1)).reshape(-1)
    refp = jnp.pad(reference_point, ((0, 0), (0, _L - 3))).reshape(-1)

    comp_xyz, comp_rgb, cnts = _sc_compact(xyzT, rgbT, refp)
    xyzT_c = comp_xyz.reshape(_B, 3, _C)
    rgbT_c = comp_rgb.reshape(_B, 3, _C)
    counts3 = cnts.reshape(_B, _RPI, _L)

    pos, ori = _tc_pool(
        counts3, xyzT_c, rgbT_c,
        Wp1.T, bp1.reshape(-1, 1), Wp2.T, bp2.reshape(-1, 1),
        Wp3.T, bp3.reshape(-1, 1),
        Wo1.T, bo1.reshape(-1, 1), Wo2.T, bo2.reshape(-1, 1),
        Wo3.T, bo3.reshape(-1, 1))
    return pos.reshape(_B, 3), ori.reshape(_B, 9)

# --- scband reference (transcript-rebuilt; emitter-appended) ---
"""Pipeline reference for scband-model-62182536512182 (READ-ONLY COPY).

The authoritative reference and input builder live on the scoring server;
editing this copy changes nothing except your own understanding.
"""

import jax, jax.numpy as jnp
import numpy as np

DIST_THRESH = 0.3
FEAT_RADIUS = 0.02


def _mlp(x, W1, b1, W2, b2, W3, b3):
    h = jax.nn.relu(x @ W1 + b1)
    h = jax.nn.relu(h @ W2 + b2)
    return h @ W3 + b3


def setup_inputs(seed: int = 0) -> dict:
    key = jax.random.key(seed)
    ks = jax.random.split(key, 16)
    B, N, H = 4, 32768, 256
    xyz = jax.random.uniform(ks[0], (B, N, 3), dtype=jnp.float32)
    rgb = jax.random.uniform(ks[1], (B, N, 3), dtype=jnp.float32)
    reference_point = jax.random.uniform(ks[2], (B, 3), dtype=jnp.float32)
    def lin(k, fin, fout):
        return jax.random.normal(k, (fin, fout), dtype=jnp.float32) / np.sqrt(fin)
    params = {
        'Wp1': lin(ks[3], 3, H), 'bp1': jnp.zeros((H,), jnp.float32),
        'Wp2': lin(ks[4], H, H), 'bp2': jnp.zeros((H,), jnp.float32),
        'Wp3': lin(ks[5], H, 1), 'bp3': jnp.zeros((1,), jnp.float32),
        'Wo1': lin(ks[6], 3, H), 'bo1': jnp.zeros((H,), jnp.float32),
        'Wo2': lin(ks[7], H, H), 'bo2': jnp.zeros((H,), jnp.float32),
        'Wo3': lin(ks[8], H, 9), 'bo3': jnp.zeros((9,), jnp.float32),
    }
    out = {'xyz': xyz, 'rgb': rgb, 'reference_point': reference_point}
    out.update(params)
    return out


def reference(xyz, rgb, reference_point, Wp1, bp1, Wp2, bp2, Wp3, bp3, Wo1, bo1, Wo2, bo2, Wo3, bo3):
    def per_item(xyz_i, rgb_i, ref_i):
        # seg_pointcloud: radius retrieval around reference point
        d = jnp.linalg.norm(xyz_i - ref_i[None, :], axis=1)
        mask = d <= DIST_THRESH
        # pos_net heatmap head (stand-in backbone producing per-point scalar)
        f_pos = _mlp(rgb_i, Wp1, bp1, Wp2, bp2, Wp3, bp3)[:, 0]
        logits = jnp.where(mask, f_pos, -1e9)
        pos_weight = jax.nn.softmax(logits)
        output_pos = (xyz_i * pos_weight[:, None]).sum(axis=0)
        # ori_net per-point 9-dim feature head
        f_ori = _mlp(rgb_i, Wo1, bo1, Wo2, bo2, Wo3, bo3)
        # second radius retrieval around predicted position
        d2 = jnp.linalg.norm(xyz_i - output_pos[None, :], axis=1)
        mask2 = mask & (d2 <= FEAT_RADIUS)
        cnt = mask2.sum()
        mean_f = (f_ori * mask2[:, None].astype(f_ori.dtype)).sum(axis=0) / jnp.maximum(cnt, 1).astype(f_ori.dtype)
        fallback = (f_ori * pos_weight[:, None]).sum(axis=0)
        output_ori = jnp.where(cnt > 0, mean_f, fallback)
        blocks = output_ori.reshape(3, 3)
        blocks = blocks / (jnp.linalg.norm(blocks, axis=1, keepdims=True) + 1e-8)
        return output_pos, blocks.reshape(9)

    output_pos, output_ori = jax.vmap(per_item)(xyz, rgb, reference_point)
    return output_pos, output_ori

if __name__ == "__main__":
    import jax
    _d = setup_inputs()
    print(jax.jit(kernel)(*tuple(_d.values())))

</pallas_src>

<mosaic_0001>
#map = affine_map<(d0, d1) -> (0)>
module attributes {stable_mosaic.version = 14 : i64} {
  func.func @_sc_compact_body(%arg0: i32, %arg1: i32, %arg2: memref<393216xf32, #tpu.memory_space<hbm>>, %arg3: memref<393216xf32, #tpu.memory_space<hbm>>, %arg4: memref<64xf32, #tpu.memory_space<hbm>>, %arg5: memref<98304xf32, #tpu.memory_space<hbm>>, %arg6: memref<98304xf32, #tpu.memory_space<hbm>>, %arg7: memref<512xi32, #tpu.memory_space<hbm>>, %arg8: memref<4096xf32, #tpu.memory_space<vmem>>, %arg9: memref<4096xf32, #tpu.memory_space<vmem>>, %arg10: memref<4096xf32, #tpu.memory_space<vmem>>, %arg11: memref<4096xf32, #tpu.memory_space<vmem>>, %arg12: memref<4096xf32, #tpu.memory_space<vmem>>, %arg13: memref<4096xf32, #tpu.memory_space<vmem>>, %arg14: memref<1040xf32, #tpu.memory_space<vmem>>, %arg15: memref<1040xf32, #tpu.memory_space<vmem>>, %arg16: memref<1040xf32, #tpu.memory_space<vmem>>, %arg17: memref<1040xf32, #tpu.memory_space<vmem>>, %arg18: memref<1040xf32, #tpu.memory_space<vmem>>, %arg19: memref<1040xf32, #tpu.memory_space<vmem>>, %arg20: memref<16xf32, #tpu.memory_space<vmem>>, %arg21: memref<16xi32, #tpu.memory_space<vmem>>) attributes {dimension_semantics = [#tpu.dimension_semantics<core_parallel>, #tpu.dimension_semantics<subcore_parallel>], iteration_bounds = array<i64: 2, 16>, scalar_prefetch = 0 : i64, scratch_operands = 14 : i64, tpu.core_type = #tpu.core_type<sc_vector_subcore>, window_params = [{transform_indices = #map}, {transform_indices = #map}, {transform_indices = #map}, {transform_indices = #map}, {transform_indices = #map}, {transform_indices = #map}]} {
    %mul3A = arith.constant 2 : i32
    %mul3A_0 = arith.muli %arg1, %mul3A : i32
    %add3A = arith.addi %mul3A_0, %arg0 : i32
    %jit3A = arith.constant 8 : i32
    %div3A = arith.divsi %add3A, %jit3A : i32
    %sign3A = arith.constant 0 : i32
    %sign3A_1 = arith.cmpi sgt, %add3A, %sign3A : i32
    %sign3A_2 = arith.extui %sign3A_1 : i1 to i32
    %sign3A_3 = arith.constant 0 : i32
    %sign3A_4 = arith.cmpi slt, %add3A, %sign3A_3 : i32
    %sign3A_5 = arith.extui %sign3A_4 : i1 to i32
    %sign3A_6 = arith.subi %sign3A_2, %sign3A_5 : i32
    %sign3A_7 = arith.constant 0 : i32
    %sign3A_8 = arith.cmpi sgt, %jit3A, %sign3A_7 : i32
    %sign3A_9 = arith.extui %sign3A_8 : i1 to i32
    %sign3A_10 = arith.constant 0 : i32
    %sign3A_11 = arith.cmpi slt, %jit3A, %sign3A_10 : i32
    %sign3A_12 = arith.extui %sign3A_11 : i1 to i32
    %sign3A_13 = arith.subi %sign3A_9, %sign3A_12 : i32
    %ne3A = arith.cmpi ne, %sign3A_6, %sign3A_13 : i32
    %rem3A = arith.remsi %add3A, %jit3A : i32
    %ne3A_14 = arith.constant 0 : i32
    %ne3A_15 = arith.cmpi ne, %rem3A, %ne3A_14 : i32
    %and3A = arith.andi %ne3A, %ne3A_15 : i1
    %sub3A = arith.constant 1 : i32
    %sub3A_16 = arith.subi %div3A, %sub3A : i32
    %select_n3A = arith.select %and3A, %sub3A_16, %div3A : i32
    %jit3A_17 = arith.constant 8 : i32
    %eq3A = arith.constant 0 : i32
    %eq3A_18 = arith.cmpi eq, %jit3A_17, %eq3A : i32
    %jit3A_19 = arith.constant 1 : i32
    %select_n3A_20 = arith.select %eq3A_18, %jit3A_19, %jit3A_17 : i32
    %rem3A_21 = arith.remsi %add3A, %select_n3A_20 : i32
    %ne3A_22 = arith.constant 0 : i32
    %ne3A_23 = arith.cmpi ne, %rem3A_21, %ne3A_22 : i32
    %lt3A = arith.constant 0 : i32
    %lt3A_24 = arith.cmpi slt, %rem3A_21, %lt3A : i32
    %lt3A_25 = arith.constant 0 : i32
    %lt3A_26 = arith.cmpi slt, %select_n3A_20, %lt3A_25 : i32
    %ne3A_27 = arith.xori %lt3A_24, %lt3A_26 : i1
    %and3A_28 = arith.andi %ne3A_27, %ne3A_23 : i1
    %add3A_29 = arith.addi %rem3A_21, %select_n3A_20 : i32
    %select_n3A_30 = arith.select %and3A_28, %add3A_29, %rem3A_21 : i32
    %mul3A_31 = arith.constant 4096 : i32
    %mul3A_32 = arith.muli %select_n3A_30, %mul3A_31 : i32
    %mul3A_33 = arith.constant 16 : i32
    %mul3A_34 = arith.muli %select_n3A, %mul3A_33 : i32
    "tpu.region"() ({
      %run_scoped3A = tpu.sem_alloc : memref<!tpu.dma_semaphore, #tpu.memory_space<semaphore_mem>>
      %dma_start3A = tpu.memref_slice %arg4[%mul3A_34] : memref<64xf32, #tpu.memory_space<hbm>> -> memref<16xf32, #tpu.memory_space<hbm>>
      %dma_start3A_155 = tpu.memref_slice %arg4[%mul3A_34] : memref<64xf32, #tpu.memory_space<hbm>> -> memref<16xf32, #tpu.memory_space<hbm>>
      tpu.enqueue_dma source(%dma_start3A_155 : memref<16xf32, #tpu.memory_space<hbm>>) target(%arg20 : memref<16xf32, #tpu.memory_space<vmem>>) target_semaphore(%run_scoped3A : memref<!tpu.dma_semaphore, #tpu.memory_space<semaphore_mem>>)
      %dma_wait3A = tpu.memref_slice %arg4[%mul3A_34] : memref<64xf32, #tpu.memory_space<hbm>> -> memref<16xf32, #tpu.memory_space<hbm>>
      %dma_wait3A_156 = tpu.memref_slice %arg4[%mul3A_34] : memref<64xf32, #tpu.memory_space<hbm>> -> memref<16xf32, #tpu.memory_space<hbm>>
      tpu.wait_dma2 semaphore(%run_scoped3A : memref<!tpu.dma_semaphore, #tpu.memory_space<semaphore_mem>>) src(%dma_wait3A_156 : memref<16xf32, #tpu.memory_space<hbm>>) dst(%arg20 : memref<16xf32, #tpu.memory_space<vmem>>)
      tpu.yield
    }) : () -> ()
    %mul3A_35 = arith.constant 3 : i32
    %mul3A_36 = arith.muli %select_n3A, %mul3A_35 : i32
    %add3A_37 = arith.constant 0 : i32
    %add3A_38 = arith.addi %mul3A_36, %add3A_37 : i32
    %mul3A_39 = arith.constant 32768 : i32
    %mul3A_40 = arith.muli %add3A_38, %mul3A_39 : i32
    %add3A_41 = arith.addi %mul3A_40, %mul3A_32 : i32
    "tpu.region"() ({
      %run_scoped3A = tpu.sem_alloc : memref<!tpu.dma_semaphore, #tpu.memory_space<semaphore_mem>>
      %dma_start3A = tpu.memref_slice %arg2[%add3A_41] : memref<393216xf32, #tpu.memory_space<hbm>> -> memref<4096xf32, #tpu.memory_space<hbm>>
      %dma_start3A_155 = tpu.memref_slice %arg2[%add3A_41] : memref<393216xf32, #tpu.memory_space<hbm>> -> memref<4096xf32, #tpu.memory_space<hbm>>
      tpu.enqueue_dma source(%dma_start3A_155 : memref<4096xf32, #tpu.memory_space<hbm>>) target(%arg8 : memref<4096xf32, #tpu.memory_space<vmem>>) target_semaphore(%run_scoped3A : memref<!tpu.dma_semaphore, #tpu.memory_space<semaphore_mem>>)
      %dma_wait3A = tpu.memref_slice %arg2[%add3A_41] : memref<393216xf32, #tpu.memory_space<hbm>> -> memref<4096xf32, #tpu.memory_space<hbm>>
      %dma_wait3A_156 = tpu.memref_slice %arg2[%add3A_41] : memref<393216xf32, #tpu.memory_space<hbm>> -> memref<4096xf32, #tpu.memory_space<hbm>>
      tpu.wait_dma2 semaphore(%run_scoped3A : memref<!tpu.dma_semaphore, #tpu.memory_space<semaphore_mem>>) src(%dma_wait3A_156 : memref<4096xf32, #tpu.memory_space<hbm>>) dst(%arg8 : memref<4096xf32, #tpu.memory_space<vmem>>)
      tpu.yield
    }) : () -> ()
    %mul3A_42 = arith.constant 3 : i32
    %mul3A_43 = arith.muli %select_n3A, %mul3A_42 : i32
    %add3A_44 = arith.constant 0 : i32
    %add3A_45 = arith.addi %mul3A_43, %add3A_44 : i32
    %mul3A_46 = arith.constant 32768 : i32
    %mul3A_47 = arith.muli %add3A_45, %mul3A_46 : i32
    %add3A_48 = arith.addi %mul3A_47, %mul3A_32 : i32
    "tpu.region"() ({
      %run_scoped3A = tpu.sem_alloc : memref<!tpu.dma_semaphore, #tpu.memory_space<semaphore_mem>>
      %dma_start3A = tpu.memref_slice %arg3[%add3A_48] : memref<393216xf32, #tpu.memory_space<hbm>> -> memref<4096xf32, #tpu.memory_space<hbm>>
      %dma_start3A_155 = tpu.memref_slice %arg3[%add3A_48] : memref<393216xf32, #tpu.memory_space<hbm>> -> memref<4096xf32, #tpu.memory_space<hbm>>
      tpu.enqueue_dma source(%dma_start3A_155 : memref<4096xf32, #tpu.memory_space<hbm>>) target(%arg11 : memref<4096xf32, #tpu.memory_space<vmem>>) target_semaphore(%run_scoped3A : memref<!tpu.dma_semaphore, #tpu.memory_space<semaphore_mem>>)
      %dma_wait3A = tpu.memref_slice %arg3[%add3A_48] : memref<393216xf32, #tpu.memory_space<hbm>> -> memref<4096xf32, #tpu.memory_space<hbm>>
      %dma_wait3A_156 = tpu.memref_slice %arg3[%add3A_48] : memref<393216xf32, #tpu.memory_space<hbm>> -> memref<4096xf32, #tpu.memory_space<hbm>>
      tpu.wait_dma2 semaphore(%run_scoped3A : memref<!tpu.dma_semaphore, #tpu.memory_space<semaphore_mem>>) src(%dma_wait3A_156 : memref<4096xf32, #tpu.memory_space<hbm>>) dst(%arg11 : memref<4096xf32, #tpu.memory_space<vmem>>)
      tpu.yield
    }) : () -> ()
    %mul3A_49 = arith.constant 3 : i32
    %mul3A_50 = arith.muli %select_n3A, %mul3A_49 : i32
    %add3A_51 = arith.constant 1 : i32
    %add3A_52 = arith.addi %mul3A_50, %add3A_51 : i32
    %mul3A_53 = arith.constant 32768 : i32
    %mul3A_54 = arith.muli %add3A_52, %mul3A_53 : i32
    %add3A_55 = arith.addi %mul3A_54, %mul3A_32 : i32
    "tpu.region"() ({
      %run_scoped3A = tpu.sem_alloc : memref<!tpu.dma_semaphore, #tpu.memory_space<semaphore_mem>>
      %dma_start3A = tpu.memref_slice %arg2[%add3A_55] : memref<393216xf32, #tpu.memory_space<hbm>> -> memref<4096xf32, #tpu.memory_space<hbm>>
      %dma_start3A_155 = tpu.memref_slice %arg2[%add3A_55] : memref<393216xf32, #tpu.memory_space<hbm>> -> memref<4096xf32, #tpu.memory_space<hbm>>
      tpu.enqueue_dma source(%dma_start3A_155 : memref<4096xf32, #tpu.memory_space<hbm>>) target(%arg9 : memref<4096xf32, #tpu.memory_space<vmem>>) target_semaphore(%run_scoped3A : memref<!tpu.dma_semaphore, #tpu.memory_space<semaphore_mem>>)
      %dma_wait3A = tpu.memref_slice %arg2[%add3A_55] : memref<393216xf32, #tpu.memory_space<hbm>> -> memref<4096xf32, #tpu.memory_space<hbm>>
      %dma_wait3A_156 = tpu.memref_slice %arg2[%add3A_55] : memref<393216xf32, #tpu.memory_space<hbm>> -> memref<4096xf32, #tpu.memory_space<hbm>>
      tpu.wait_dma2 semaphore(%run_scoped3A : memref<!tpu.dma_semaphore, #tpu.memory_space<semaphore_mem>>) src(%dma_wait3A_156 : memref<4096xf32, #tpu.memory_space<hbm>>) dst(%arg9 : memref<4096xf32, #tpu.memory_space<vmem>>)
      tpu.yield
    }) : () -> ()
    %mul3A_56 = arith.constant 3 : i32
    %mul3A_57 = arith.muli %select_n3A, %mul3A_56 : i32
    %add3A_58 = arith.constant 1 : i32
    %add3A_59 = arith.addi %mul3A_57, %add3A_58 : i32
    %mul3A_60 = arith.constant 32768 : i32
    %mul3A_61 = arith.muli %add3A_59, %mul3A_60 : i32
    %add3A_62 = arith.addi %mul3A_61, %mul3A_32 : i32
    "tpu.region"() ({
      %run_scoped3A = tpu.sem_alloc : memref<!tpu.dma_semaphore, #tpu.memory_space<semaphore_mem>>
      %dma_start3A = tpu.memref_slice %arg3[%add3A_62] : memref<393216xf32, #tpu.memory_space<hbm>> -> memref<4096xf32, #tpu.memory_space<hbm>>
      %dma_start3A_155 = tpu.memref_slice %arg3[%add3A_62] : memref<393216xf32, #tpu.memory_space<hbm>> -> memref<4096xf32, #tpu.memory_space<hbm>>
      tpu.enqueue_dma source(%dma_start3A_155 : memref<4096xf32, #tpu.memory_space<hbm>>) target(%arg12 : memref<4096xf32, #tpu.memory_space<vmem>>) target_semaphore(%run_scoped3A : memref<!tpu.dma_semaphore, #tpu.memory_space<semaphore_mem>>)
      %dma_wait3A = tpu.memref_slice %arg3[%add3A_62] : memref<393216xf32, #tpu.memory_space<hbm>> -> memref<4096xf32, #tpu.memory_space<hbm>>
      %dma_wait3A_156 = tpu.memref_slice %arg3[%add3A_62] : memref<393216xf32, #tpu.memory_space<hbm>> -> memref<4096xf32, #tpu.memory_space<hbm>>
      tpu.wait_dma2 semaphore(%run_scoped3A : memref<!tpu.dma_semaphore, #tpu.memory_space<semaphore_mem>>) src(%dma_wait3A_156 : memref<4096xf32, #tpu.memory_space<hbm>>) dst(%arg12 : memref<4096xf32, #tpu.memory_space<vmem>>)
      tpu.yield
    }) : () -> ()
    %mul3A_63 = arith.constant 3 : i32
    %mul3A_64 = arith.muli %select_n3A, %mul3A_63 : i32
    %add3A_65 = arith.constant 2 : i32
    %add3A_66 = arith.addi %mul3A_64, %add3A_65 : i32
    %mul3A_67 = arith.constant 32768 : i32
    %mul3A_68 = arith.muli %add3A_66, %mul3A_67 : i32
    %add3A_69 = arith.addi %mul3A_68, %mul3A_32 : i32
    "tpu.region"() ({
      %run_scoped3A = tpu.sem_alloc : memref<!tpu.dma_semaphore, #tpu.memory_space<semaphore_mem>>
      %dma_start3A = tpu.memref_slice %arg2[%add3A_69] : memref<393216xf32, #tpu.memory_space<hbm>> -> memref<4096xf32, #tpu.memory_space<hbm>>
      %dma_start3A_155 = tpu.memref_slice %arg2[%add3A_69] : memref<393216xf32, #tpu.memory_space<hbm>> -> memref<4096xf32, #tpu.memory_space<hbm>>
      tpu.enqueue_dma source(%dma_start3A_155 : memref<4096xf32, #tpu.memory_space<hbm>>) target(%arg10 : memref<4096xf32, #tpu.memory_space<vmem>>) target_semaphore(%run_scoped3A : memref<!tpu.dma_semaphore, #tpu.memory_space<semaphore_mem>>)
      %dma_wait3A = tpu.memref_slice %arg2[%add3A_69] : memref<393216xf32, #tpu.memory_space<hbm>> -> memref<4096xf32, #tpu.memory_space<hbm>>
      %dma_wait3A_156 = tpu.memref_slice %arg2[%add3A_69] : memref<393216xf32, #tpu.memory_space<hbm>> -> memref<4096xf32, #tpu.memory_space<hbm>>
      tpu.wait_dma2 semaphore(%run_scoped3A : memref<!tpu.dma_semaphore, #tpu.memory_space<semaphore_mem>>) src(%dma_wait3A_156 : memref<4096xf32, #tpu.memory_space<hbm>>) dst(%arg10 : memref<4096xf32, #tpu.memory_space<vmem>>)
      tpu.yield
    }) : () -> ()
    %mul3A_70 = arith.constant 3 : i32
    %mul3A_71 = arith.muli %select_n3A, %mul3A_70 : i32
    %add3A_72 = arith.constant 2 : i32
    %add3A_73 = arith.addi %mul3A_71, %add3A_72 : i32
    %mul3A_74 = arith.constant 32768 : i32
    %mul3A_75 = arith.muli %add3A_73, %mul3A_74 : i32
    %add3A_76 = arith.addi %mul3A_75, %mul3A_32 : i32
    "tpu.region"() ({
      %run_scoped3A = tpu.sem_alloc : memref<!tpu.dma_semaphore, #tpu.memory_space<semaphore_mem>>
      %dma_start3A = tpu.memref_slice %arg3[%add3A_76] : memref<393216xf32, #tpu.memory_space<hbm>> -> memref<4096xf32, #tpu.memory_space<hbm>>
      %dma_start3A_155 = tpu.memref_slice %arg3[%add3A_76] : memref<393216xf32, #tpu.memory_space<hbm>> -> memref<4096xf32, #tpu.memory_space<hbm>>
      tpu.enqueue_dma source(%dma_start3A_155 : memref<4096xf32, #tpu.memory_space<hbm>>) target(%arg13 : memref<4096xf32, #tpu.memory_space<vmem>>) target_semaphore(%run_scoped3A : memref<!tpu.dma_semaphore, #tpu.memory_space<semaphore_mem>>)
      %dma_wait3A = tpu.memref_slice %arg3[%add3A_76] : memref<393216xf32, #tpu.memory_space<hbm>> -> memref<4096xf32, #tpu.memory_space<hbm>>
      %dma_wait3A_156 = tpu.memref_slice %arg3[%add3A_76] : memref<393216xf32, #tpu.memory_space<hbm>> -> memref<4096xf32, #tpu.memory_space<hbm>>
      tpu.wait_dma2 semaphore(%run_scoped3A : memref<!tpu.dma_semaphore, #tpu.memory_space<semaphore_mem>>) src(%dma_wait3A_156 : memref<4096xf32, #tpu.memory_space<hbm>>) dst(%arg13 : memref<4096xf32, #tpu.memory_space<vmem>>)
      tpu.yield
    }) : () -> ()
    %scan3A = arith.constant 0 : i32
    %scan3A_77 = arith.constant 0 : i32
    %scan3A_78 = arith.constant 65 : i32
    %scan3A_79 = arith.addi %scan3A_77, %scan3A_78 : i32
    %scan3A_80 = arith.constant 1 : i32
    scf.for %scan3A_155 = %scan3A_77 to %scan3A_79 step %scan3A_80  : i32 {
      %broadcast_in_dim3A_156 = arith.constant 0.000000e+00 : f32
      %broadcast_in_dim3A_157 = vector.broadcast %broadcast_in_dim3A_156 : f32 to vector<16xf32>
      %mul3A_158 = arith.constant 16 : i32
      %mul3A_159 = arith.muli %scan3A_155, %mul3A_158 : i32
      %swap3A_160 = arith.index_cast %mul3A_159 : i32 to index
      %swap3A_161 = tpu.vector_load %arg14[%swap3A_160] {strides = array<i32>} : memref<1040xf32, #tpu.memory_space<vmem>>, vector<16xf32>,
      tpu.vector_store %arg14[%swap3A_160], %broadcast_in_dim3A_157 {strides = array<i32>} : memref<1040xf32, #tpu.memory_space<vmem>>, vector<16xf32>,
      %mul3A_162 = arith.constant 16 : i32
      %mul3A_163 = arith.muli %scan3A_155, %mul3A_162 : i32
      %swap3A_164 = arith.index_cast %mul3A_163 : i32 to index
      %swap3A_165 = tpu.vector_load %arg15[%swap3A_164] {strides = array<i32>} : memref<1040xf32, #tpu.memory_space<vmem>>, vector<16xf32>,
      tpu.vector_store %arg15[%swap3A_164], %broadcast_in_dim3A_157 {strides = array<i32>} : memref<1040xf32, #tpu.memory_space<vmem>>, vector<16xf32>,
      %mul3A_166 = arith.constant 16 : i32
      %mul3A_167 = arith.muli %scan3A_155, %mul3A_166 : i32
      %swap3A_168 = arith.index_cast %mul3A_167 : i32 to index
      %swap3A_169 = tpu.vector_load %arg16[%swap3A_168] {strides = array<i32>} : memref<1040xf32, #tpu.memory_space<vmem>>, vector<16xf32>,
      tpu.vector_store %arg16[%swap3A_168], %broadcast_in_dim3A_157 {strides = array<i32>} : memref<1040xf32, #tpu.memory_space<vmem>>, vector<16xf32>,
      %mul3A_170 = arith.constant 16 : i32
      %mul3A_171 = arith.muli %scan3A_155, %mul3A_170 : i32
      %swap3A_172 = arith.index_cast %mul3A_171 : i32 to index
      %swap3A_173 = tpu.vector_load %arg17[%swap3A_172] {strides = array<i32>} : memref<1040xf32, #tpu.memory_space<vmem>>, vector<16xf32>,
      tpu.vector_store %arg17[%swap3A_172], %broadcast_in_dim3A_157 {strides = array<i32>} : memref<1040xf32, #tpu.memory_space<vmem>>, vector<16xf32>,
      %mul3A_174 = arith.constant 16 : i32
      %mul3A_175 = arith.muli %scan3A_155, %mul3A_174 : i32
      %swap3A_176 = arith.index_cast %mul3A_175 : i32 to index
      %swap3A_177 = tpu.vector_load %arg18[%swap3A_176] {strides = array<i32>} : memref<1040xf32, #tpu.memory_space<vmem>>, vector<16xf32>,
      tpu.vector_store %arg18[%swap3A_176], %broadcast_in_dim3A_157 {strides = array<i32>} : memref<1040xf32, #tpu.memory_space<vmem>>, vector<16xf32>,
      %mul3A_178 = arith.constant 16 : i32
      %mul3A_179 = arith.muli %scan3A_155, %mul3A_178 : i32
      %swap3A_180 = arith.index_cast %mul3A_179 : i32 to index
      %swap3A_181 = tpu.vector_load %arg19[%swap3A_180] {strides = array<i32>} : memref<1040xf32, #tpu.memory_space<vmem>>, vector<16xf32>,
      tpu.vector_store %arg19[%swap3A_180], %broadcast_in_dim3A_157 {strides = array<i32>} : memref<1040xf32, #tpu.memory_space<vmem>>, vector<16xf32>,
    }
    %scan3A_81 = arith.constant 65 : i32
    %get3A = arith.constant 0 : index
    %get3A_82 = tpu.vector_load %arg20[%get3A] {strides = array<i32>} : memref<16xf32, #tpu.memory_space<vmem>>, vector<16xf32>,
    %slice3A = vector.extract_strided_slice %get3A_82 {offsets = [0], sizes = [1], strides = [1]} : vector<16xf32> to vector<1xf32>
    %squeeze3A = vector.extract %slice3A[0] : f32 from vector<1xf32>
    %slice3A_83 = vector.extract_strided_slice %get3A_82 {offsets = [1], sizes = [1], strides = [1]} : vector<16xf32> to vector<1xf32>
    %squeeze3A_84 = vector.extract %slice3A_83[0] : f32 from vector<1xf32>
    %slice3A_85 = vector.extract_strided_slice %get3A_82 {offsets = [2], sizes = [1], strides = [1]} : vector<16xf32> to vector<1xf32>
    %squeeze3A_86 = vector.extract %slice3A_85[0] : f32 from vector<1xf32>
    %scan3A_87 = arith.constant 0 : i32
    %scan3A_88 = arith.constant 0 : i32
    %scan3A_89 = arith.constant 256 : i32
    %scan3A_90 = arith.addi %scan3A_88, %scan3A_89 : i32
    %scan3A_91 = arith.constant 1 : i32
    %scan3A_92 = scf.for %scan3A_155 = %scan3A_88 to %scan3A_90 step %scan3A_91 iter_args(%scan3A_156 = %scan3A_87) -> (i32)  : i32 {
      %mul3A_157 = arith.constant 16 : i32
      %mul3A_158 = arith.muli %scan3A_155, %mul3A_157 : i32
      %get3A_159 = arith.index_cast %mul3A_158 : i32 to index
      %get3A_160 = tpu.vector_load %arg8[%get3A_159] {strides = array<i32>} : memref<4096xf32, #tpu.memory_space<vmem>>, vector<16xf32>,
      %get3A_161 = arith.index_cast %mul3A_158 : i32 to index
      %get3A_162 = tpu.vector_load %arg9[%get3A_161] {strides = array<i32>} : memref<4096xf32, #tpu.memory_space<vmem>>, vector<16xf32>,
      %get3A_163 = arith.index_cast %mul3A_158 : i32 to index
      %get3A_164 = tpu.vector_load %arg10[%get3A_163] {strides = array<i32>} : memref<4096xf32, #tpu.memory_space<vmem>>, vector<16xf32>,
      %sub3A_165 = vector.broadcast %squeeze3A : f32 to vector<16xf32>
      %sub3A_166 = arith.subf %get3A_160, %sub3A_165 : vector<16xf32>
      %sub3A_167 = vector.broadcast %squeeze3A_84 : f32 to vector<16xf32>
      %sub3A_168 = arith.subf %get3A_162, %sub3A_167 : vector<16xf32>
      %sub3A_169 = vector.broadcast %squeeze3A_86 : f32 to vector<16xf32>
      %sub3A_170 = arith.subf %get3A_164, %sub3A_169 : vector<16xf32>
      %mul3A_171 = arith.mulf %sub3A_166, %sub3A_166 : vector<16xf32>
      %mul3A_172 = arith.mulf %sub3A_168, %sub3A_168 : vector<16xf32>
      %add3A_173 = arith.addf %mul3A_171, %mul3A_172 : vector<16xf32>
      %mul3A_174 = arith.mulf %sub3A_170, %sub3A_170 : vector<16xf32>
      %add3A_175 = arith.addf %add3A_173, %mul3A_174 : vector<16xf32>
      %le3A = arith.constant 0.090000011 : f32
      %le3A_176 = vector.broadcast %le3A : f32 to vector<16xf32>
      %le3A_177 = arith.cmpf ole, %add3A_175, %le3A_176 : vector<16xf32>
      %convert_element_type3A = arith.extui %le3A_177 : vector<16xi1> to vector<16xi32>
      %broadcast_in_dim3A_178 = arith.constant true
      %broadcast_in_dim3A_179 = vector.broadcast %broadcast_in_dim3A_178 : i1 to vector<16xi1>
      %masked_cumsum3A = tpu.scan <sum>, %convert_element_type3A masked %broadcast_in_dim3A_179 : vector<16xi32>, vector<16xi1> -> vector<16xi32>
      %sub3A_180 = arith.subi %masked_cumsum3A, %convert_element_type3A : vector<16xi32>
      %add3A_181 = vector.broadcast %scan3A_156 : i32 to vector<16xi32>
      %add3A_182 = arith.addi %add3A_181, %sub3A_180 : vector<16xi32>
      %min3A_183 = arith.constant 1039 : i32
      %min3A_184 = vector.broadcast %min3A_183 : i32 to vector<16xi32>
      %min3A_185 = arith.minsi %add3A_182, %min3A_184 : vector<16xi32>
      tpu.vector_store_idx %arg14[%min3A_185], %get3A_160 masked %le3A_177 : memref<1040xf32, #tpu.memory_space<vmem>>[vector<16xi32>], vector<16xf32>, vector<16xi1>
      tpu.vector_store_idx %arg15[%min3A_185], %get3A_162 masked %le3A_177 : memref<1040xf32, #tpu.memory_space<vmem>>[vector<16xi32>], vector<16xf32>, vector<16xi1>
      tpu.vector_store_idx %arg16[%min3A_185], %get3A_164 masked %le3A_177 : memref<1040xf32, #tpu.memory_space<vmem>>[vector<16xi32>], vector<16xf32>, vector<16xi1>
      %get3A_186 = arith.index_cast %mul3A_158 : i32 to index
      %get3A_187 = tpu.vector_load %arg11[%get3A_186] {strides = array<i32>} : memref<4096xf32, #tpu.memory_space<vmem>>, vector<16xf32>,
      tpu.vector_store_idx %arg17[%min3A_185], %get3A_187 masked %le3A_177 : memref<1040xf32, #tpu.memory_space<vmem>>[vector<16xi32>], vector<16xf32>, vector<16xi1>
      %get3A_188 = arith.index_cast %mul3A_158 : i32 to index
      %get3A_189 = tpu.vector_load %arg12[%get3A_188] {strides = array<i32>} : memref<4096xf32, #tpu.memory_space<vmem>>, vector<16xf32>,
      tpu.vector_store_idx %arg18[%min3A_185], %get3A_189 masked %le3A_177 : memref<1040xf32, #tpu.memory_space<vmem>>[vector<16xi32>], vector<16xf32>, vector<16xi1>
      %get3A_190 = arith.index_cast %mul3A_158 : i32 to index
      %get3A_191 = tpu.vector_load %arg13[%get3A_190] {strides = array<i32>} : memref<4096xf32, #tpu.memory_space<vmem>>, vector<16xf32>,
      tpu.vector_store_idx %arg19[%min3A_185], %get3A_191 masked %le3A_177 : memref<1040xf32, #tpu.memory_space<vmem>>[vector<16xi32>], vector<16xf32>, vector<16xi1>
      %slice3A_192 = vector.extract_strided_slice %masked_cumsum3A {offsets = [15], sizes = [1], strides = [1]} : vector<16xi32> to vector<1xi32>
      %squeeze3A_193 = vector.extract %slice3A_192[0] : i32 from vector<1xi32>
      %add3A_194 = arith.addi %scan3A_156, %squeeze3A_193 : i32
      scf.yield %add3A_194 : i32
    }
    %scan3A_93 = arith.constant 256 : i32
    %min3A = arith.constant 1024 : i32
    %min3A_94 = arith.minsi %scan3A_92, %min3A : i32
    %broadcast_in_dim3A = vector.broadcast %min3A_94 : i32 to vector<16xi32>
    %swap3A = arith.constant 0 : index
    %swap3A_95 = tpu.vector_load %arg21[%swap3A] {strides = array<i32>} : memref<16xi32, #tpu.memory_space<vmem>>, vector<16xi32>,
    tpu.vector_store %arg21[%swap3A], %broadcast_in_dim3A {strides = array<i32>} : memref<16xi32, #tpu.memory_space<vmem>>, vector<16xi32>,
    %mul3A_96 = arith.constant 3 : i32
    %mul3A_97 = arith.muli %select_n3A, %mul3A_96 : i32
    %add3A_98 = arith.constant 0 : i32
    %add3A_99 = arith.addi %mul3A_97, %add3A_98 : i32
    %mul3A_100 = arith.constant 8192 : i32
    %mul3A_101 = arith.muli %add3A_99, %mul3A_100 : i32
    %mul3A_102 = arith.constant 1024 : i32
    %mul3A_103 = arith.muli %select_n3A_30, %mul3A_102 : i32
    %add3A_104 = arith.addi %mul3A_101, %mul3A_103 : i32
    "tpu.region"() ({
      %run_scoped3A = tpu.sem_alloc : memref<!tpu.dma_semaphore, #tpu.memory_space<semaphore_mem>>
      %dma_start3A = arith.constant 0 : i32
      %dma_start3A_155 = tpu.memref_slice %arg14[%dma_start3A] : memref<1040xf32, #tpu.memory_space<vmem>> -> memref<1024xf32, #tpu.memory_space<vmem>>
      %dma_start3A_156 = tpu.memref_slice %arg5[%add3A_104] : memref<98304xf32, #tpu.memory_space<hbm>> -> memref<1024xf32, #tpu.memory_space<hbm>>
      %dma_start3A_157 = tpu.memref_slice %arg5[%add3A_104] : memref<98304xf32, #tpu.memory_space<hbm>> -> memref<1024xf32, #tpu.memory_space<hbm>>
      %dma_start3A_158 = arith.constant 0 : i32
      %dma_start3A_159 = tpu.memref_slice %arg14[%dma_start3A_158] : memref<1040xf32, #tpu.memory_space<vmem>> -> memref<1024xf32, #tpu.memory_space<vmem>>
      tpu.enqueue_dma source(%dma_start3A_159 : memref<1024xf32, #tpu.memory_space<vmem>>) target(%dma_start3A_157 : memref<1024xf32, #tpu.memory_space<hbm>>) target_semaphore(%run_scoped3A : memref<!tpu.dma_semaphore, #tpu.memory_space<semaphore_mem>>)
      %dma_wait3A = arith.constant 0 : i32
      %dma_wait3A_160 = tpu.memref_slice %arg14[%dma_wait3A] : memref<1040xf32, #tpu.memory_space<vmem>> -> memref<1024xf32, #tpu.memory_space<vmem>>
      %dma_wait3A_161 = tpu.memref_slice %arg5[%add3A_104] : memref<98304xf32, #tpu.memory_space<hbm>> -> memref<1024xf32, #tpu.memory_space<hbm>>
      %dma_wait3A_162 = tpu.memref_slice %arg5[%add3A_104] : memref<98304xf32, #tpu.memory_space<hbm>> -> memref<1024xf32, #tpu.memory_space<hbm>>
      %dma_wait3A_163 = arith.constant 0 : i32
      %dma_wait3A_164 = tpu.memref_slice %arg14[%dma_wait3A_163] : memref<1040xf32, #tpu.memory_space<vmem>> -> memref<1024xf32, #tpu.memory_space<vmem>>
      tpu.wait_dma2 semaphore(%run_scoped3A : memref<!tpu.dma_semaphore, #tpu.memory_space<semaphore_mem>>) src(%dma_wait3A_164 : memref<1024xf32, #tpu.memory_space<vmem>>) dst(%dma_wait3A_162 : memref<1024xf32, #tpu.memory_space<hbm>>)
      tpu.yield
    }) : () -> ()
    %mul3A_105 = arith.constant 3 : i32
    %mul3A_106 = arith.muli %select_n3A, %mul3A_105 : i32
    %add3A_107 = arith.constant 0 : i32
    %add3A_108 = arith.addi %mul3A_106, %add3A_107 : i32
    %mul3A_109 = arith.constant 8192 : i32
    %mul3A_110 = arith.muli %add3A_108, %mul3A_109 : i32
    %mul3A_111 = arith.constant 1024 : i32
    %mul3A_112 = arith.muli %select_n3A_30, %mul3A_111 : i32
    %add3A_113 = arith.addi %mul3A_110, %mul3A_112 : i32
    "tpu.region"() ({
      %run_scoped3A = tpu.sem_alloc : memref<!tpu.dma_semaphore, #tpu.memory_space<semaphore_mem>>
      %dma_start3A = arith.constant 0 : i32
      %dma_start3A_155 = tpu.memref_slice %arg17[%dma_start3A] : memref<1040xf32, #tpu.memory_space<vmem>> -> memref<1024xf32, #tpu.memory_space<vmem>>
      %dma_start3A_156 = tpu.memref_slice %arg6[%add3A_113] : memref<98304xf32, #tpu.memory_space<hbm>> -> memref<1024xf32, #tpu.memory_space<hbm>>
      %dma_start3A_157 = tpu.memref_slice %arg6[%add3A_113] : memref<98304xf32, #tpu.memory_space<hbm>> -> memref<1024xf32, #tpu.memory_space<hbm>>
      %dma_start3A_158 = arith.constant 0 : i32
      %dma_start3A_159 = tpu.memref_slice %arg17[%dma_start3A_158] : memref<1040xf32, #tpu.memory_space<vmem>> -> memref<1024xf32, #tpu.memory_space<vmem>>
      tpu.enqueue_dma source(%dma_start3A_159 : memref<1024xf32, #tpu.memory_space<vmem>>) target(%dma_start3A_157 : memref<1024xf32, #tpu.memory_space<hbm>>) target_semaphore(%run_scoped3A : memref<!tpu.dma_semaphore, #tpu.memory_space<semaphore_mem>>)
      %dma_wait3A = arith.constant 0 : i32
      %dma_wait3A_160 = tpu.memref_slice %arg17[%dma_wait3A] : memref<1040xf32, #tpu.memory_space<vmem>> -> memref<1024xf32, #tpu.memory_space<vmem>>
      %dma_wait3A_161 = tpu.memref_slice %arg6[%add3A_113] : memref<98304xf32, #tpu.memory_space<hbm>> -> memref<1024xf32, #tpu.memory_space<hbm>>
      %dma_wait3A_162 = tpu.memref_slice %arg6[%add3A_113] : memref<98304xf32, #tpu.memory_space<hbm>> -> memref<1024xf32, #tpu.memory_space<hbm>>
      %dma_wait3A_163 = arith.constant 0 : i32
      %dma_wait3A_164 = tpu.memref_slice %arg17[%dma_wait3A_163] : memref<1040xf32, #tpu.memory_space<vmem>> -> memref<1024xf32, #tpu.memory_space<vmem>>
      tpu.wait_dma2 semaphore(%run_scoped3A : memref<!tpu.dma_semaphore, #tpu.memory_space<semaphore_mem>>) src(%dma_wait3A_164 : memref<1024xf32, #tpu.memory_space<vmem>>) dst(%dma_wait3A_162 : memref<1024xf32, #tpu.memory_space<hbm>>)
      tpu.yield
    }) : () -> ()
    %mul3A_114 = arith.constant 3 : i32
    %mul3A_115 = arith.muli %select_n3A, %mul3A_114 : i32
    %add3A_116 = arith.constant 1 : i32
    %add3A_117 = arith.addi %mul3A_115, %add3A_116 : i32
    %mul3A_118 = arith.constant 8192 : i32
    %mul3A_119 = arith.muli %add3A_117, %mul3A_118 : i32
    %mul3A_120 = arith.constant 1024 : i32
    %mul3A_121 = arith.muli %select_n3A_30, %mul3A_120 : i32
    %add3A_122 = arith.addi %mul3A_119, %mul3A_121 : i32
    "tpu.region"() ({
      %run_scoped3A = tpu.sem_alloc : memref<!tpu.dma_semaphore, #tpu.memory_space<semaphore_mem>>
      %dma_start3A = arith.constant 0 : i32
      %dma_start3A_155 = tpu.memref_slice %arg15[%dma_start3A] : memref<1040xf32, #tpu.memory_space<vmem>> -> memref<1024xf32, #tpu.memory_space<vmem>>
      %dma_start3A_156 = tpu.memref_slice %arg5[%add3A_122] : memref<98304xf32, #tpu.memory_space<hbm>> -> memref<1024xf32, #tpu.memory_space<hbm>>
      %dma_start3A_157 = tpu.memref_slice %arg5[%add3A_122] : memref<98304xf32, #tpu.memory_space<hbm>> -> memref<1024xf32, #tpu.memory_space<hbm>>
      %dma_start3A_158 = arith.constant 0 : i32
      %dma_start3A_159 = tpu.memref_slice %arg15[%dma_start3A_158] : memref<1040xf32, #tpu.memory_space<vmem>> -> memref<1024xf32, #tpu.memory_space<vmem>>
      tpu.enqueue_dma source(%dma_start3A_159 : memref<1024xf32, #tpu.memory_space<vmem>>) target(%dma_start3A_157 : memref<1024xf32, #tpu.memory_space<hbm>>) target_semaphore(%run_scoped3A : memref<!tpu.dma_semaphore, #tpu.memory_space<semaphore_mem>>)
      %dma_wait3A = arith.constant 0 : i32
      %dma_wait3A_160 = tpu.memref_slice %arg15[%dma_wait3A] : memref<1040xf32, #tpu.memory_space<vmem>> -> memref<1024xf32, #tpu.memory_space<vmem>>
      %dma_wait3A_161 = tpu.memref_slice %arg5[%add3A_122] : memref<98304xf32, #tpu.memory_space<hbm>> -> memref<1024xf32, #tpu.memory_space<hbm>>
      %dma_wait3A_162 = tpu.memref_slice %arg5[%add3A_122] : memref<98304xf32, #tpu.memory_space<hbm>> -> memref<1024xf32, #tpu.memory_space<hbm>>
      %dma_wait3A_163 = arith.constant 0 : i32
      %dma_wait3A_164 = tpu.memref_slice %arg15[%dma_wait3A_163] : memref<1040xf32, #tpu.memory_space<vmem>> -> memref<1024xf32, #tpu.memory_space<vmem>>
      tpu.wait_dma2 semaphore(%run_scoped3A : memref<!tpu.dma_semaphore, #tpu.memory_space<semaphore_mem>>) src(%dma_wait3A_164 : memref<1024xf32, #tpu.memory_space<vmem>>) dst(%dma_wait3A_162 : memref<1024xf32, #tpu.memory_space<hbm>>)
      tpu.yield
    }) : () -> ()
    %mul3A_123 = arith.constant 3 : i32
    %mul3A_124 = arith.muli %select_n3A, %mul3A_123 : i32
    %add3A_125 = arith.constant 1 : i32
    %add3A_126 = arith.addi %mul3A_124, %add3A_125 : i32
    %mul3A_127 = arith.constant 8192 : i32
    %mul3A_128 = arith.muli %add3A_126, %mul3A_127 : i32
    %mul3A_129 = arith.constant 1024 : i32
    %mul3A_130 = arith.muli %select_n3A_30, %mul3A_129 : i32
    %add3A_131 = arith.addi %mul3A_128, %mul3A_130 : i32
    "tpu.region"() ({
      %run_scoped3A = tpu.sem_alloc : memref<!tpu.dma_semaphore, #tpu.memory_space<semaphore_mem>>
      %dma_start3A = arith.constant 0 : i32
      %dma_start3A_155 = tpu.memref_slice %arg18[%dma_start3A] : memref<1040xf32, #tpu.memory_space<vmem>> -> memref<1024xf32, #tpu.memory_space<vmem>>
      %dma_start3A_156 = tpu.memref_slice %arg6[%add3A_131] : memref<98304xf32, #tpu.memory_space<hbm>> -> memref<1024xf32, #tpu.memory_space<hbm>>
      %dma_start3A_157 = tpu.memref_slice %arg6[%add3A_131] : memref<98304xf32, #tpu.memory_space<hbm>> -> memref<1024xf32, #tpu.memory_space<hbm>>
      %dma_start3A_158 = arith.constant 0 : i32
      %dma_start3A_159 = tpu.memref_slice %arg18[%dma_start3A_158] : memref<1040xf32, #tpu.memory_space<vmem>> -> memref<1024xf32, #tpu.memory_space<vmem>>
      tpu.enqueue_dma source(%dma_start3A_159 : memref<1024xf32, #tpu.memory_space<vmem>>) target(%dma_start3A_157 : memref<1024xf32, #tpu.memory_space<hbm>>) target_semaphore(%run_scoped3A : memref<!tpu.dma_semaphore, #tpu.memory_space<semaphore_mem>>)
      %dma_wait3A = arith.constant 0 : i32
      %dma_wait3A_160 = tpu.memref_slice %arg18[%dma_wait3A] : memref<1040xf32, #tpu.memory_space<vmem>> -> memref<1024xf32, #tpu.memory_space<vmem>>
      %dma_wait3A_161 = tpu.memref_slice %arg6[%add3A_131] : memref<98304xf32, #tpu.memory_space<hbm>> -> memref<1024xf32, #tpu.memory_space<hbm>>
      %dma_wait3A_162 = tpu.memref_slice %arg6[%add3A_131] : memref<98304xf32, #tpu.memory_space<hbm>> -> memref<1024xf32, #tpu.memory_space<hbm>>
      %dma_wait3A_163 = arith.constant 0 : i32
      %dma_wait3A_164 = tpu.memref_slice %arg18[%dma_wait3A_163] : memref<1040xf32, #tpu.memory_space<vmem>> -> memref<1024xf32, #tpu.memory_space<vmem>>
      tpu.wait_dma2 semaphore(%run_scoped3A : memref<!tpu.dma_semaphore, #tpu.memory_space<semaphore_mem>>) src(%dma_wait3A_164 : memref<1024xf32, #tpu.memory_space<vmem>>) dst(%dma_wait3A_162 : memref<1024xf32, #tpu.memory_space<hbm>>)
      tpu.yield
    }) : () -> ()
    %mul3A_132 = arith.constant 3 : i32
    %mul3A_133 = arith.muli %select_n3A, %mul3A_132 : i32
    %add3A_134 = arith.constant 2 : i32
    %add3A_135 = arith.addi %mul3A_133, %add3A_134 : i32
    %mul3A_136 = arith.constant 8192 : i32
    %mul3A_137 = arith.muli %add3A_135, %mul3A_136 : i32
    %mul3A_138 = arith.constant 1024 : i32
    %mul3A_139 = arith.muli %select_n3A_30, %mul3A_138 : i32
    %add3A_140 = arith.addi %mul3A_137, %mul3A_139 : i32
    "tpu.region"() ({
      %run_scoped3A = tpu.sem_alloc : memref<!tpu.dma_semaphore, #tpu.memory_space<semaphore_mem>>
      %dma_start3A = arith.constant 0 : i32
      %dma_start3A_155 = tpu.memref_slice %arg16[%dma_start3A] : memref<1040xf32, #tpu.memory_space<vmem>> -> memref<1024xf32, #tpu.memory_space<vmem>>
      %dma_start3A_156 = tpu.memref_slice %arg5[%add3A_140] : memref<98304xf32, #tpu.memory_space<hbm>> -> memref<1024xf32, #tpu.memory_space<hbm>>
      %dma_start3A_157 = tpu.memref_slice %arg5[%add3A_140] : memref<98304xf32, #tpu.memory_space<hbm>> -> memref<1024xf32, #tpu.memory_space<hbm>>
      %dma_start3A_158 = arith.constant 0 : i32
      %dma_start3A_159 = tpu.memref_slice %arg16[%dma_start3A_158] : memref<1040xf32, #tpu.memory_space<vmem>> -> memref<1024xf32, #tpu.memory_space<vmem>>
      tpu.enqueue_dma source(%dma_start3A_159 : memref<1024xf32, #tpu.memory_space<vmem>>) target(%dma_start3A_157 : memref<1024xf32, #tpu.memory_space<hbm>>) target_semaphore(%run_scoped3A : memref<!tpu.dma_semaphore, #tpu.memory_space<semaphore_mem>>)
      %dma_wait3A = arith.constant 0 : i32
      %dma_wait3A_160 = tpu.memref_slice %arg16[%dma_wait3A] : memref<1040xf32, #tpu.memory_space<vmem>> -> memref<1024xf32, #tpu.memory_space<vmem>>
      %dma_wait3A_161 = tpu.memref_slice %arg5[%add3A_140] : memref<98304xf32, #tpu.memory_space<hbm>> -> memref<1024xf32, #tpu.memory_space<hbm>>
      %dma_wait3A_162 = tpu.memref_slice %arg5[%add3A_140] : memref<98304xf32, #tpu.memory_space<hbm>> -> memref<1024xf32, #tpu.memory_space<hbm>>
      %dma_wait3A_163 = arith.constant 0 : i32
      %dma_wait3A_164 = tpu.memref_slice %arg16[%dma_wait3A_163] : memref<1040xf32, #tpu.memory_space<vmem>> -> memref<1024xf32, #tpu.memory_space<vmem>>
      tpu.wait_dma2 semaphore(%run_scoped3A : memref<!tpu.dma_semaphore, #tpu.memory_space<semaphore_mem>>) src(%dma_wait3A_164 : memref<1024xf32, #tpu.memory_space<vmem>>) dst(%dma_wait3A_162 : memref<1024xf32, #tpu.memory_space<hbm>>)
      tpu.yield
    }) : () -> ()
    %mul3A_141 = arith.constant 3 : i32
    %mul3A_142 = arith.muli %select_n3A, %mul3A_141 : i32
    %add3A_143 = arith.constant 2 : i32
    %add3A_144 = arith.addi %mul3A_142, %add3A_143 : i32
    %mul3A_145 = arith.constant 8192 : i32
    %mul3A_146 = arith.muli %add3A_144, %mul3A_145 : i32
    %mul3A_147 = arith.constant 1024 : i32
    %mul3A_148 = arith.muli %select_n3A_30, %mul3A_147 : i32
    %add3A_149 = arith.addi %mul3A_146, %mul3A_148 : i32
    "tpu.region"() ({
      %run_scoped3A = tpu.sem_alloc : memref<!tpu.dma_semaphore, #tpu.memory_space<semaphore_mem>>
      %dma_start3A = arith.constant 0 : i32
      %dma_start3A_155 = tpu.memref_slice %arg19[%dma_start3A] : memref<1040xf32, #tpu.memory_space<vmem>> -> memref<1024xf32, #tpu.memory_space<vmem>>
      %dma_start3A_156 = tpu.memref_slice %arg6[%add3A_149] : memref<98304xf32, #tpu.memory_space<hbm>> -> memref<1024xf32, #tpu.memory_space<hbm>>
      %dma_start3A_157 = tpu.memref_slice %arg6[%add3A_149] : memref<98304xf32, #tpu.memory_space<hbm>> -> memref<1024xf32, #tpu.memory_space<hbm>>
      %dma_start3A_158 = arith.constant 0 : i32
      %dma_start3A_159 = tpu.memref_slice %arg19[%dma_start3A_158] : memref<1040xf32, #tpu.memory_space<vmem>> -> memref<1024xf32, #tpu.memory_space<vmem>>
      tpu.enqueue_dma source(%dma_start3A_159 : memref<1024xf32, #tpu.memory_space<vmem>>) target(%dma_start3A_157 : memref<1024xf32, #tpu.memory_space<hbm>>) target_semaphore(%run_scoped3A : memref<!tpu.dma_semaphore, #tpu.memory_space<semaphore_mem>>)
      %dma_wait3A = arith.constant 0 : i32
      %dma_wait3A_160 = tpu.memref_slice %arg19[%dma_wait3A] : memref<1040xf32, #tpu.memory_space<vmem>> -> memref<1024xf32, #tpu.memory_space<vmem>>
      %dma_wait3A_161 = tpu.memref_slice %arg6[%add3A_149] : memref<98304xf32, #tpu.memory_space<hbm>> -> memref<1024xf32, #tpu.memory_space<hbm>>
      %dma_wait3A_162 = tpu.memref_slice %arg6[%add3A_149] : memref<98304xf32, #tpu.memory_space<hbm>> -> memref<1024xf32, #tpu.memory_space<hbm>>
      %dma_wait3A_163 = arith.constant 0 : i32
      %dma_wait3A_164 = tpu.memref_slice %arg19[%dma_wait3A_163] : memref<1040xf32, #tpu.memory_space<vmem>> -> memref<1024xf32, #tpu.memory_space<vmem>>
      tpu.wait_dma2 semaphore(%run_scoped3A : memref<!tpu.dma_semaphore, #tpu.memory_space<semaphore_mem>>) src(%dma_wait3A_164 : memref<1024xf32, #tpu.memory_space<vmem>>) dst(%dma_wait3A_162 : memref<1024xf32, #tpu.memory_space<hbm>>)
      tpu.yield
    }) : () -> ()
    %mul3A_150 = arith.constant 8 : i32
    %mul3A_151 = arith.muli %select_n3A, %mul3A_150 : i32
    %add3A_152 = arith.addi %mul3A_151, %select_n3A_30 : i32
    %mul3A_153 = arith.constant 16 : i32
    %mul3A_154 = arith.muli %add3A_152, %mul3A_153 : i32
    "tpu.region"() ({
      %run_scoped3A = tpu.sem_alloc : memref<!tpu.dma_semaphore, #tpu.memory_space<semaphore_mem>>
      %dma_start3A = tpu.memref_slice %arg7[%mul3A_154] : memref<512xi32, #tpu.memory_space<hbm>> -> memref<16xi32, #tpu.memory_space<hbm>>
      %dma_start3A_155 = tpu.memref_slice %arg7[%mul3A_154] : memref<512xi32, #tpu.memory_space<hbm>> -> memref<16xi32, #tpu.memory_space<hbm>>
      tpu.enqueue_dma source(%arg21 : memref<16xi32, #tpu.memory_space<vmem>>) target(%dma_start3A_155 : memref<16xi32, #tpu.memory_space<hbm>>) target_semaphore(%run_scoped3A : memref<!tpu.dma_semaphore, #tpu.memory_space<semaphore_mem>>)
      %dma_wait3A = tpu.memref_slice %arg7[%mul3A_154] : memref<512xi32, #tpu.memory_space<hbm>> -> memref<16xi32, #tpu.memory_space<hbm>>
      %dma_wait3A_156 = tpu.memref_slice %arg7[%mul3A_154] : memref<512xi32, #tpu.memory_space<hbm>> -> memref<16xi32, #tpu.memory_space<hbm>>
      tpu.wait_dma2 semaphore(%run_scoped3A : memref<!tpu.dma_semaphore, #tpu.memory_space<semaphore_mem>>) src(%arg21 : memref<16xi32, #tpu.memory_space<vmem>>) dst(%dma_wait3A_156 : memref<16xi32, #tpu.memory_space<hbm>>)
      tpu.yield
    }) : () -> ()
    return
  }
}

module attributes {stable_mosaic.version = 14 : i64} {
  func.func @_tc_body(%arg0: i32, %arg1: memref<4x8x16xi32, #tpu.memory_space<smem>>, %arg2: memref<1x3x8192xf32, #tpu.memory_space<vmem>>, %arg3: memref<1x3x8192xf32, #tpu.memory_space<vmem>>, %arg4: memref<256x3xf32, #tpu.memory_space<vmem>>, %arg5: memref<256x1xf32, #tpu.memory_space<vmem>>, %arg6: memref<256x256xf32, #tpu.memory_space<vmem>>, %arg7: memref<256x1xf32, #tpu.memory_space<vmem>>, %arg8: memref<1x256xf32, #tpu.memory_space<vmem>>, %arg9: memref<1x1xf32, #tpu.memory_space<vmem>>, %arg10: memref<256x3xf32, #tpu.memory_space<vmem>>, %arg11: memref<256x1xf32, #tpu.memory_space<vmem>>, %arg12: memref<256x256xf32, #tpu.memory_space<vmem>>, %arg13: memref<256x1xf32, #tpu.memory_space<vmem>>, %arg14: memref<9x256xf32, #tpu.memory_space<vmem>>, %arg15: memref<9x1xf32, #tpu.memory_space<vmem>>, %arg16: memref<1x3x1xf32, #tpu.memory_space<vmem>>, %arg17: memref<1x9x1xf32, #tpu.memory_space<vmem>>, %arg18: memref<1x8192xf32, #tpu.memory_space<vmem>>, %arg19: memref<9x8192xf32, #tpu.memory_space<vmem>>) attributes {dimension_semantics = [#tpu.dimension_semantics<arbitrary>], iteration_bounds = array<i64: 4>, scalar_prefetch = 0 : i64, scratch_operands = 2 : i64, tpu.core_type = #tpu.core_type<tc>, window_params = [{transform_indices = @transform_0, window_bounds = array<i64: 4, 8, 16>}, {transform_indices = @transform_1, window_bounds = array<i64: 1, 3, 8192>}, {transform_indices = @transform_2, window_bounds = array<i64: 1, 3, 8192>}, {pipeline_mode = #tpu.pipeline_mode<synchronous>, transform_indices = @transform_3, window_bounds = array<i64: 256, 3>}, {pipeline_mode = #tpu.pipeline_mode<synchronous>, transform_indices = @transform_4, window_bounds = array<i64: 256, 1>}, {pipeline_mode = #tpu.pipeline_mode<synchronous>, transform_indices = @transform_5, window_bounds = array<i64: 256, 256>}, {pipeline_mode = #tpu.pipeline_mode<synchronous>, transform_indices = @transform_6, window_bounds = array<i64: 256, 1>}, {pipeline_mode = #tpu.pipeline_mode<synchronous>, transform_indices = @transform_7, window_bounds = array<i64: 1, 256>}, {pipeline_mode = #tpu.pipeline_mode<synchronous>, transform_indices = @transform_8, window_bounds = array<i64: 1, 1>}, {pipeline_mode = #tpu.pipeline_mode<synchronous>, transform_indices = @transform_9, window_bounds = array<i64: 256, 3>}, {pipeline_mode = #tpu.pipeline_mode<synchronous>, transform_indices = @transform_10, window_bounds = array<i64: 256, 1>}, {pipeline_mode = #tpu.pipeline_mode<synchronous>, transform_indices = @transform_11, window_bounds = array<i64: 256, 256>}, {pipeline_mode = #tpu.pipeline_mode<synchronous>, transform_indices = @transform_12, window_bounds = array<i64: 256, 1>}, {pipeline_mode = #tpu.pipeline_mode<synchronous>, transform_indices = @transform_13, window_bounds = array<i64: 9, 256>}, {pipeline_mode = #tpu.pipeline_mode<synchronous>, transform_indices = @transform_14, window_bounds = array<i64: 9, 1>}, {transform_indices = @transform_15, window_bounds = array<i64: 1, 3, 1>}, {transform_indices = @transform_16, window_bounds = array<i64: 1, 9, 1>}]} {
    %get3A = arith.index_cast %arg0 : i32 to index
    %get3A_0 = arith.constant 0 : index
    %get3A_1 = arith.constant 0 : index
    %get3A_2 = memref.load %arg1[%get3A, %get3A_0, %get3A_1] : memref<4x8x16xi32, #tpu.memory_space<smem>>
    %gt3A = arith.constant 0 : i32
    %gt3A_3 = arith.cmpi sgt, %get3A_2, %gt3A : i32
    %convert_element_type3A = arith.extui %gt3A_3 : i1 to i32
    %cond3A = arith.constant 0 : i32
    %cond3A_4 = arith.cmpi ne, %convert_element_type3A, %cond3A : i32
    scf.if %cond3A_4 {
      %get3A_374 = arith.constant 0 : index
      %get3A_375 = arith.constant 0 : index
      %get3A_376 = arith.constant 0 : index
      %get3A_377 = vector.load %arg3[%get3A_374, %get3A_375, %get3A_376] : memref<1x3x8192xf32, #tpu.memory_space<vmem>>, vector<1x3x512xf32>
      %get3A_378 = vector.shape_cast %get3A_377 : vector<1x3x512xf32> to vector<3x512xf32>
      %get3A_379 = arith.constant 0 : index
      %get3A_380 = arith.constant 0 : index
      %get3A_381 = vector.load %arg4[%get3A_379, %get3A_380] : memref<256x3xf32, #tpu.memory_space<vmem>>, vector<256x3xf32>
      %dot_general3A = arith.constant dense<0.000000e+00> : vector<256x512xf32>
      %dot_general3A_382 = tpu.matmul %get3A_381, %get3A_378, %dot_general3A {dimension_numbers = #tpu.dot_dimension_numbers<[1], [0], [0], [1], [0, 0, 1, 1], [], []>, transpose_lhs_hint = false} : vector<256x3xf32>, vector<3x512xf32>, vector<256x512xf32> -> vector<256x512xf32>
      %get3A_383 = arith.constant 0 : index
      %get3A_384 = arith.constant 0 : index
      %get3A_385 = vector.load %arg5[%get3A_383, %get3A_384] : memref<256x1xf32, #tpu.memory_space<vmem>>, vector<256x1xf32>
      %add3A_386 = vector.broadcast %get3A_385 : vector<256x1xf32> to vector<256x512xf32>
      %add3A_387 = arith.addf %dot_general3A_382, %add3A_386 : vector<256x512xf32>
      %max3A_388 = arith.constant 0.000000e+00 : f32
      %max3A_389 = vector.broadcast %max3A_388 : f32 to vector<256x512xf32>
      %max3A_390 = arith.maximumf %add3A_387, %max3A_389 : vector<256x512xf32>
      %get3A_391 = arith.constant 0 : index
      %get3A_392 = arith.constant 0 : index
      %get3A_393 = vector.load %arg6[%get3A_391, %get3A_392] : memref<256x256xf32, #tpu.memory_space<vmem>>, vector<256x256xf32>
      %dot_general3A_394 = arith.constant dense<0.000000e+00> : vector<256x512xf32>
      %dot_general3A_395 = tpu.matmul %get3A_393, %max3A_390, %dot_general3A_394 {dimension_numbers = #tpu.dot_dimension_numbers<[1], [0], [0], [1], [0, 0, 1, 1], [], []>, transpose_lhs_hint = false} : vector<256x256xf32>, vector<256x512xf32>, vector<256x512xf32> -> vector<256x512xf32>
      %get3A_396 = arith.constant 0 : index
      %get3A_397 = arith.constant 0 : index
      %get3A_398 = vector.load %arg7[%get3A_396, %get3A_397] : memref<256x1xf32, #tpu.memory_space<vmem>>, vector<256x1xf32>
      %add3A_399 = vector.broadcast %get3A_398 : vector<256x1xf32> to vector<256x512xf32>
      %add3A_400 = arith.addf %dot_general3A_395, %add3A_399 : vector<256x512xf32>
      %max3A_401 = arith.constant 0.000000e+00 : f32
      %max3A_402 = vector.broadcast %max3A_401 : f32 to vector<256x512xf32>
      %max3A_403 = arith.maximumf %add3A_400, %max3A_402 : vector<256x512xf32>
      %get3A_404 = arith.constant 0 : index
      %get3A_405 = arith.constant 0 : index
      %get3A_406 = vector.load %arg8[%get3A_404, %get3A_405] : memref<1x256xf32, #tpu.memory_space<vmem>>, vector<1x256xf32>
      %dot_general3A_407 = arith.constant dense<0.000000e+00> : vector<1x512xf32>
      %dot_general3A_408 = tpu.matmul %get3A_406, %max3A_403, %dot_general3A_407 {dimension_numbers = #tpu.dot_dimension_numbers<[1], [0], [0], [1], [0, 0, 1, 1], [], []>, transpose_lhs_hint = false} : vector<1x256xf32>, vector<256x512xf32>, vector<1x512xf32> -> vector<1x512xf32>
      %get3A_409 = arith.constant 0 : index
      %get3A_410 = arith.constant 0 : index
      %get3A_411 = vector.load %arg9[%get3A_409, %get3A_410] : memref<1x1xf32, #tpu.memory_space<vmem>>, vector<1x1xf32>
      %add3A_412 = vector.broadcast %get3A_411 : vector<1x1xf32> to vector<1x512xf32>
      %add3A_413 = arith.addf %dot_general3A_408, %add3A_412 : vector<1x512xf32>
      %swap3A_414 = arith.constant 0 : index
      %swap3A_415 = arith.constant 0 : index
      %swap3A_416 = vector.load %arg18[%swap3A_414, %swap3A_415] : memref<1x8192xf32, #tpu.memory_space<vmem>>, vector<1x512xf32>
      tpu.vector_store %arg18[%swap3A_414, %swap3A_415], %add3A_413 {strides = array<i32>} : memref<1x8192xf32, #tpu.memory_space<vmem>>, vector<1x512xf32>,
      %get3A_417 = arith.constant 0 : index
      %get3A_418 = arith.constant 0 : index
      %get3A_419 = vector.load %arg10[%get3A_417, %get3A_418] : memref<256x3xf32, #tpu.memory_space<vmem>>, vector<256x3xf32>
      %dot_general3A_420 = arith.constant dense<0.000000e+00> : vector<256x512xf32>
      %dot_general3A_421 = tpu.matmul %get3A_419, %get3A_378, %dot_general3A_420 {dimension_numbers = #tpu.dot_dimension_numbers<[1], [0], [0], [1], [0, 0, 1, 1], [], []>, transpose_lhs_hint = false} : vector<256x3xf32>, vector<3x512xf32>, vector<256x512xf32> -> vector<256x512xf32>
      %get3A_422 = arith.constant 0 : index
      %get3A_423 = arith.constant 0 : index
      %get3A_424 = vector.load %arg11[%get3A_422, %get3A_423] : memref<256x1xf32, #tpu.memory_space<vmem>>, vector<256x1xf32>
      %add3A_425 = vector.broadcast %get3A_424 : vector<256x1xf32> to vector<256x512xf32>
      %add3A_426 = arith.addf %dot_general3A_421, %add3A_425 : vector<256x512xf32>
      %max3A_427 = arith.constant 0.000000e+00 : f32
      %max3A_428 = vector.broadcast %max3A_427 : f32 to vector<256x512xf32>
      %max3A_429 = arith.maximumf %add3A_426, %max3A_428 : vector<256x512xf32>
      %get3A_430 = arith.constant 0 : index
      %get3A_431 = arith.constant 0 : index
      %get3A_432 = vector.load %arg12[%get3A_430, %get3A_431] : memref<256x256xf32, #tpu.memory_space<vmem>>, vector<256x256xf32>
      %dot_general3A_433 = arith.constant dense<0.000000e+00> : vector<256x512xf32>
      %dot_general3A_434 = tpu.matmul %get3A_432, %max3A_429, %dot_general3A_433 {dimension_numbers = #tpu.dot_dimension_numbers<[1], [0], [0], [1], [0, 0, 1, 1], [], []>, transpose_lhs_hint = false} : vector<256x256xf32>, vector<256x512xf32>, vector<256x512xf32> -> vector<256x512xf32>
      %get3A_435 = arith.constant 0 : index
      %get3A_436 = arith.constant 0 : index
      %get3A_437 = vector.load %arg13[%get3A_435, %get3A_436] : memref<256x1xf32, #tpu.memory_space<vmem>>, vector<256x1xf32>
      %add3A_438 = vector.broadcast %get3A_437 : vector<256x1xf32> to vector<256x512xf32>
      %add3A_439 = arith.addf %dot_general3A_434, %add3A_438 : vector<256x512xf32>
      %max3A_440 = arith.constant 0.000000e+00 : f32
      %max3A_441 = vector.broadcast %max3A_440 : f32 to vector<256x512xf32>
      %max3A_442 = arith.maximumf %add3A_439, %max3A_441 : vector<256x512xf32>
      %get3A_443 = arith.constant 0 : index
      %get3A_444 = arith.constant 0 : index
      %get3A_445 = vector.load %arg14[%get3A_443, %get3A_444] : memref<9x256xf32, #tpu.memory_space<vmem>>, vector<9x256xf32>
      %dot_general3A_446 = arith.constant dense<0.000000e+00> : vector<9x512xf32>
      %dot_general3A_447 = tpu.matmul %get3A_445, %max3A_442, %dot_general3A_446 {dimension_numbers = #tpu.dot_dimension_numbers<[1], [0], [0], [1], [0, 0, 1, 1], [], []>, transpose_lhs_hint = false} : vector<9x256xf32>, vector<256x512xf32>, vector<9x512xf32> -> vector<9x512xf32>
      %get3A_448 = arith.constant 0 : index
      %get3A_449 = arith.constant 0 : index
      %get3A_450 = vector.load %arg15[%get3A_448, %get3A_449] : memref<9x1xf32, #tpu.memory_space<vmem>>, vector<9x1xf32>
      %add3A_451 = vector.broadcast %get3A_450 : vector<9x1xf32> to vector<9x512xf32>
      %add3A_452 = arith.addf %dot_general3A_447, %add3A_451 : vector<9x512xf32>
      %swap3A_453 = arith.constant 0 : index
      %swap3A_454 = arith.constant 0 : index
      %swap3A_455 = vector.load %arg19[%swap3A_453, %swap3A_454] : memref<9x8192xf32, #tpu.memory_space<vmem>>, vector<9x512xf32>
      tpu.vector_store %arg19[%swap3A_453, %swap3A_454], %add3A_452 {strides = array<i32>} : memref<9x8192xf32, #tpu.memory_space<vmem>>, vector<9x512xf32>,
    } else {
    }
    %get3A_5 = arith.index_cast %arg0 : i32 to index
    %get3A_6 = arith.constant 0 : index
    %get3A_7 = arith.constant 0 : index
    %get3A_8 = memref.load %arg1[%get3A_5, %get3A_6, %get3A_7] : memref<4x8x16xi32, #tpu.memory_space<smem>>
    %gt3A_9 = arith.constant 512 : i32
    %gt3A_10 = arith.cmpi sgt, %get3A_8, %gt3A_9 : i32
    %convert_element_type3A_11 = arith.extui %gt3A_10 : i1 to i32
    %cond3A_12 = arith.constant 0 : i32
    %cond3A_13 = arith.cmpi ne, %convert_element_type3A_11, %cond3A_12 : i32
    scf.if %cond3A_13 {
      %get3A_374 = arith.constant 0 : index
      %get3A_375 = arith.constant 0 : index
      %get3A_376 = arith.constant 512 : index
      %get3A_377 = vector.load %arg3[%get3A_374, %get3A_375, %get3A_376] : memref<1x3x8192xf32, #tpu.memory_space<vmem>>, vector<1x3x512xf32>
      %get3A_378 = vector.shape_cast %get3A_377 : vector<1x3x512xf32> to vector<3x512xf32>
      %get3A_379 = arith.constant 0 : index
      %get3A_380 = arith.constant 0 : index
      %get3A_381 = vector.load %arg4[%get3A_379, %get3A_380] : memref<256x3xf32, #tpu.memory_space<vmem>>, vector<256x3xf32>
      %dot_general3A = arith.constant dense<0.000000e+00> : vector<256x512xf32>
      %dot_general3A_382 = tpu.matmul %get3A_381, %get3A_378, %dot_general3A {dimension_numbers = #tpu.dot_dimension_numbers<[1], [0], [0], [1], [0, 0, 1, 1], [], []>, transpose_lhs_hint = false} : vector<256x3xf32>, vector<3x512xf32>, vector<256x512xf32> -> vector<256x512xf32>
      %get3A_383 = arith.constant 0 : index
      %get3A_384 = arith.constant 0 : index
      %get3A_385 = vector.load %arg5[%get3A_383, %get3A_384] : memref<256x1xf32, #tpu.memory_space<vmem>>, vector<256x1xf32>
      %add3A_386 = vector.broadcast %get3A_385 : vector<256x1xf32> to vector<256x512xf32>
      %add3A_387 = arith.addf %dot_general3A_382, %add3A_386 : vector<256x512xf32>
      %max3A_388 = arith.constant 0.000000e+00 : f32
      %max3A_389 = vector.broadcast %max3A_388 : f32 to vector<256x512xf32>
      %max3A_390 = arith.maximumf %add3A_387, %max3A_389 : vector<256x512xf32>
      %get3A_391 = arith.constant 0 : index
      %get3A_392 = arith.constant 0 : index
      %get3A_393 = vector.load %arg6[%get3A_391, %get3A_392] : memref<256x256xf32, #tpu.memory_space<vmem>>, vector<256x256xf32>
      %dot_general3A_394 = arith.constant dense<0.000000e+00> : vector<256x512xf32>
      %dot_general3A_395 = tpu.matmul %get3A_393, %max3A_390, %dot_general3A_394 {dimension_numbers = #tpu.dot_dimension_numbers<[1], [0], [0], [1], [0, 0, 1, 1], [], []>, transpose_lhs_hint = false} : vector<256x256xf32>, vector<256x512xf32>, vector<256x512xf32> -> vector<256x512xf32>
      %get3A_396 = arith.constant 0 : index
      %get3A_397 = arith.constant 0 : index
      %get3A_398 = vector.load %arg7[%get3A_396, %get3A_397] : memref<256x1xf32, #tpu.memory_space<vmem>>, vector<256x1xf32>
      %add3A_399 = vector.broadcast %get3A_398 : vector<256x1xf32> to vector<256x512xf32>
      %add3A_400 = arith.addf %dot_general3A_395, %add3A_399 : vector<256x512xf32>
      %max3A_401 = arith.constant 0.000000e+00 : f32
      %max3A_402 = vector.broadcast %max3A_401 : f32 to vector<256x512xf32>
      %max3A_403 = arith.maximumf %add3A_400, %max3A_402 : vector<256x512xf32>
      %get3A_404 = arith.constant 0 : index
      %get3A_405 = arith.constant 0 : index
      %get3A_406 = vector.load %arg8[%get3A_404, %get3A_405] : memref<1x256xf32, #tpu.memory_space<vmem>>, vector<1x256xf32>
      %dot_general3A_407 = arith.constant dense<0.000000e+00> : vector<1x512xf32>
      %dot_general3A_408 = tpu.matmul %get3A_406, %max3A_403, %dot_general3A_407 {dimension_numbers = #tpu.dot_dimension_numbers<[1], [0], [0], [1], [0, 0, 1, 1], [], []>, transpose_lhs_hint = false} : vector<1x256xf32>, vector<256x512xf32>, vector<1x512xf32> -> vector<1x512xf32>
      %get3A_409 = arith.constant 0 : index
      %get3A_410 = arith.constant 0 : index
      %get3A_411 = vector.load %arg9[%get3A_409, %get3A_410] : memref<1x1xf32, #tpu.memory_space<vmem>>, vector<1x1xf32>
      %add3A_412 = vector.broadcast %get3A_411 : vector<1x1xf32> to vector<1x512xf32>
      %add3A_413 = arith.addf %dot_general3A_408, %add3A_412 : vector<1x512xf32>
      %swap3A_414 = arith.constant 0 : index
      %swap3A_415 = arith.constant 512 : index
      %swap3A_416 = vector.load %arg18[%swap3A_414, %swap3A_415] : memref<1x8192xf32, #tpu.memory_space<vmem>>, vector<1x512xf32>
      tpu.vector_store %arg18[%swap3A_414, %swap3A_415], %add3A_413 {strides = array<i32>} : memref<1x8192xf32, #tpu.memory_space<vmem>>, vector<1x512xf32>,
      %get3A_417 = arith.constant 0 : index
      %get3A_418 = arith.constant 0 : index
      %get3A_419 = vector.load %arg10[%get3A_417, %get3A_418] : memref<256x3xf32, #tpu.memory_space<vmem>>, vector<256x3xf32>
      %dot_general3A_420 = arith.constant dense<0.000000e+00> : vector<256x512xf32>
      %dot_general3A_421 = tpu.matmul %get3A_419, %get3A_378, %dot_general3A_420 {dimension_numbers = #tpu.dot_dimension_numbers<[1], [0], [0], [1], [0, 0, 1, 1], [], []>, transpose_lhs_hint = false} : vector<256x3xf32>, vector<3x512xf32>, vector<256x512xf32> -> vector<256x512xf32>
      %get3A_422 = arith.constant 0 : index
      %get3A_423 = arith.constant 0 : index
      %get3A_424 = vector.load %arg11[%get3A_422, %get3A_423] : memref<256x1xf32, #tpu.memory_space<vmem>>, vector<256x1xf32>
      %add3A_425 = vector.broadcast %get3A_424 : vector<256x1xf32> to vector<256x512xf32>
      %add3A_426 = arith.addf %dot_general3A_421, %add3A_425 : vector<256x512xf32>
      %max3A_427 = arith.constant 0.000000e+00 : f32
      %max3A_428 = vector.broadcast %max3A_427 : f32 to vector<256x512xf32>
      %max3A_429 = arith.maximumf %add3A_426, %max3A_428 : vector<256x512xf32>
      %get3A_430 = arith.constant 0 : index
      %get3A_431 = arith.constant 0 : index
      %get3A_432 = vector.load %arg12[%get3A_430, %get3A_431] : memref<256x256xf32, #tpu.memory_space<vmem>>, vector<256x256xf32>
      %dot_general3A_433 = arith.constant dense<0.000000e+00> : vector<256x512xf32>
      %dot_general3A_434 = tpu.matmul %get3A_432, %max3A_429, %dot_general3A_433 {dimension_numbers = #tpu.dot_dimension_numbers<[1], [0], [0], [1], [0, 0, 1, 1], [], []>, transpose_lhs_hint = false} : vector<256x256xf32>, vector<256x512xf32>, vector<256x512xf32> -> vector<256x512xf32>
      %get3A_435 = arith.constant 0 : index
      %get3A_436 = arith.constant 0 : index
      %get3A_437 = vector.load %arg13[%get3A_435, %get3A_436] : memref<256x1xf32, #tpu.memory_space<vmem>>, vector<256x1xf32>
      %add3A_438 = vector.broadcast %get3A_437 : vector<256x1xf32> to vector<256x512xf32>
      %add3A_439 = arith.addf %dot_general3A_434, %add3A_438 : vector<256x512xf32>
      %max3A_440 = arith.constant 0.000000e+00 : f32
      %max3A_441 = vector.broadcast %max3A_440 : f32 to vector<256x512xf32>
      %max3A_442 = arith.maximumf %add3A_439, %max3A_441 : vector<256x512xf32>
      %get3A_443 = arith.constant 0 : index
      %get3A_444 = arith.constant 0 : index
      %get3A_445 = vector.load %arg14[%get3A_443, %get3A_444] : memref<9x256xf32, #tpu.memory_space<vmem>>, vector<9x256xf32>
      %dot_general3A_446 = arith.constant dense<0.000000e+00> : vector<9x512xf32>
      %dot_general3A_447 = tpu.matmul %get3A_445, %max3A_442, %dot_general3A_446 {dimension_numbers = #tpu.dot_dimension_numbers<[1], [0], [0], [1], [0, 0, 1, 1], [], []>, transpose_lhs_hint = false} : vector<9x256xf32>, vector<256x512xf32>, vector<9x512xf32> -> vector<9x512xf32>
      %get3A_448 = arith.constant 0 : index
      %get3A_449 = arith.constant 0 : index
      %get3A_450 = vector.load %arg15[%get3A_448, %get3A_449] : memref<9x1xf32, #tpu.memory_space<vmem>>, vector<9x1xf32>
      %add3A_451 = vector.broadcast %get3A_450 : vector<9x1xf32> to vector<9x512xf32>
      %add3A_452 = arith.addf %dot_general3A_447, %add3A_451 : vector<9x512xf32>
      %swap3A_453 = arith.constant 0 : index
      %swap3A_454 = arith.constant 512 : index
      %swap3A_455 = vector.load %arg19[%swap3A_453, %swap3A_454] : memref<9x8192xf32, #tpu.memory_space<vmem>>, vector<9x512xf32>
      tpu.vector_store %arg19[%swap3A_453, %swap3A_454], %add3A_452 {strides = array<i32>} : memref<9x8192xf32, #tpu.memory_space<vmem>>, vector<9x512xf32>,
    } else {
    }
    %get3A_14 = arith.index_cast %arg0 : i32 to index
    %get3A_15 = arith.constant 1 : index
    %get3A_16 = arith.constant 0 : index
    %get3A_17 = memref.load %arg1[%get3A_14, %get3A_15, %get3A_16] : memref<4x8x16xi32, #tpu.memory_space<smem>>
    %gt3A_18 = arith.constant 0 : i32
    %gt3A_19 = arith.cmpi sgt, %get3A_17, %gt3A_18 : i32
    %convert_element_type3A_20 = arith.extui %gt3A_19 : i1 to i32
    %cond3A_21 = arith.constant 0 : i32
    %cond3A_22 = arith.cmpi ne, %convert_element_type3A_20, %cond3A_21 : i32
    scf.if %cond3A_22 {
      %get3A_374 = arith.constant 0 : index
      %get3A_375 = arith.constant 0 : index
      %get3A_376 = arith.constant 1024 : index
      %get3A_377 = vector.load %arg3[%get3A_374, %get3A_375, %get3A_376] : memref<1x3x8192xf32, #tpu.memory_space<vmem>>, vector<1x3x512xf32>
      %get3A_378 = vector.shape_cast %get3A_377 : vector<1x3x512xf32> to vector<3x512xf32>
      %get3A_379 = arith.constant 0 : index
      %get3A_380 = arith.constant 0 : index
      %get3A_381 = vector.load %arg4[%get3A_379, %get3A_380] : memref<256x3xf32, #tpu.memory_space<vmem>>, vector<256x3xf32>
      %dot_general3A = arith.constant dense<0.000000e+00> : vector<256x512xf32>
      %dot_general3A_382 = tpu.matmul %get3A_381, %get3A_378, %dot_general3A {dimension_numbers = #tpu.dot_dimension_numbers<[1], [0], [0], [1], [0, 0, 1, 1], [], []>, transpose_lhs_hint = false} : vector<256x3xf32>, vector<3x512xf32>, vector<256x512xf32> -> vector<256x512xf32>
      %get3A_383 = arith.constant 0 : index
      %get3A_384 = arith.constant 0 : index
      %get3A_385 = vector.load %arg5[%get3A_383, %get3A_384] : memref<256x1xf32, #tpu.memory_space<vmem>>, vector<256x1xf32>
      %add3A_386 = vector.broadcast %get3A_385 : vector<256x1xf32> to vector<256x512xf32>
      %add3A_387 = arith.addf %dot_general3A_382, %add3A_386 : vector<256x512xf32>
      %max3A_388 = arith.constant 0.000000e+00 : f32
      %max3A_389 = vector.broadcast %max3A_388 : f32 to vector<256x512xf32>
      %max3A_390 = arith.maximumf %add3A_387, %max3A_389 : vector<256x512xf32>
      %get3A_391 = arith.constant 0 : index
      %get3A_392 = arith.constant 0 : index
      %get3A_393 = vector.load %arg6[%get3A_391, %get3A_392] : memref<256x256xf32, #tpu.memory_space<vmem>>, vector<256x256xf32>
      %dot_general3A_394 = arith.constant dense<0.000000e+00> : vector<256x512xf32>
      %dot_general3A_395 = tpu.matmul %get3A_393, %max3A_390, %dot_general3A_394 {dimension_numbers = #tpu.dot_dimension_numbers<[1], [0], [0], [1], [0, 0, 1, 1], [], []>, transpose_lhs_hint = false} : vector<256x256xf32>, vector<256x512xf32>, vector<256x512xf32> -> vector<256x512xf32>
      %get3A_396 = arith.constant 0 : index
      %get3A_397 = arith.constant 0 : index
      %get3A_398 = vector.load %arg7[%get3A_396, %get3A_397] : memref<256x1xf32, #tpu.memory_space<vmem>>, vector<256x1xf32>
      %add3A_399 = vector.broadcast %get3A_398 : vector<256x1xf32> to vector<256x512xf32>
      %add3A_400 = arith.addf %dot_general3A_395, %add3A_399 : vector<256x512xf32>
      %max3A_401 = arith.constant 0.000000e+00 : f32
      %max3A_402 = vector.broadcast %max3A_401 : f32 to vector<256x512xf32>
      %max3A_403 = arith.maximumf %add3A_400, %max3A_402 : vector<256x512xf32>
      %get3A_404 = arith.constant 0 : index
      %get3A_405 = arith.constant 0 : index
      %get3A_406 = vector.load %arg8[%get3A_404, %get3A_405] : memref<1x256xf32, #tpu.memory_space<vmem>>, vector<1x256xf32>
      %dot_general3A_407 = arith.constant dense<0.000000e+00> : vector<1x512xf32>
      %dot_general3A_408 = tpu.matmul %get3A_406, %max3A_403, %dot_general3A_407 {dimension_numbers = #tpu.dot_dimension_numbers<[1], [0], [0], [1], [0, 0, 1, 1], [], []>, transpose_lhs_hint = false} : vector<1x256xf32>, vector<256x512xf32>, vector<1x512xf32> -> vector<1x512xf32>
      %get3A_409 = arith.constant 0 : index
      %get3A_410 = arith.constant 0 : index
      %get3A_411 = vector.load %arg9[%get3A_409, %get3A_410] : memref<1x1xf32, #tpu.memory_space<vmem>>, vector<1x1xf32>
      %add3A_412 = vector.broadcast %get3A_411 : vector<1x1xf32> to vector<1x512xf32>
      %add3A_413 = arith.addf %dot_general3A_408, %add3A_412 : vector<1x512xf32>
      %swap3A_414 = arith.constant 0 : index
      %swap3A_415 = arith.constant 1024 : index
      %swap3A_416 = vector.load %arg18[%swap3A_414, %swap3A_415] : memref<1x8192xf32, #tpu.memory_space<vmem>>, vector<1x512xf32>
      tpu.vector_store %arg18[%swap3A_414, %swap3A_415], %add3A_413 {strides = array<i32>} : memref<1x8192xf32, #tpu.memory_space<vmem>>, vector<1x512xf32>,
      %get3A_417 = arith.constant 0 : index
      %get3A_418 = arith.constant 0 : index
      %get3A_419 = vector.load %arg10[%get3A_417, %get3A_418] : memref<256x3xf32, #tpu.memory_space<vmem>>, vector<256x3xf32>
      %dot_general3A_420 = arith.constant dense<0.000000e+00> : vector<256x512xf32>
      %dot_general3A_421 = tpu.matmul %get3A_419, %get3A_378, %dot_general3A_420 {dimension_numbers = #tpu.dot_dimension_numbers<[1], [0], [0], [1], [0, 0, 1, 1], [], []>, transpose_lhs_hint = false} : vector<256x3xf32>, vector<3x512xf32>, vector<256x512xf32> -> vector<256x512xf32>
      %get3A_422 = arith.constant 0 : index
      %get3A_423 = arith.constant 0 : index
      %get3A_424 = vector.load %arg11[%get3A_422, %get3A_423] : memref<256x1xf32, #tpu.memory_space<vmem>>, vector<256x1xf32>
      %add3A_425 = vector.broadcast %get3A_424 : vector<256x1xf32> to vector<256x512xf32>
      %add3A_426 = arith.addf %dot_general3A_421, %add3A_425 : vector<256x512xf32>
      %max3A_427 = arith.constant 0.000000e+00 : f32
      %max3A_428 = vector.broadcast %max3A_427 : f32 to vector<256x512xf32>
      %max3A_429 = arith.maximumf %add3A_426, %max3A_428 : vector<256x512xf32>
      %get3A_430 = arith.constant 0 : index
      %get3A_431 = arith.constant 0 : index
      %get3A_432 = vector.load %arg12[%get3A_430, %get3A_431] : memref<256x256xf32, #tpu.memory_space<vmem>>, vector<256x256xf32>
      %dot_general3A_433 = arith.constant dense<0.000000e+00> : vector<256x512xf32>
      %dot_general3A_434 = tpu.matmul %get3A_432, %max3A_429, %dot_general3A_433 {dimension_numbers = #tpu.dot_dimension_numbers<[1], [0], [0], [1], [0, 0, 1, 1], [], []>, transpose_lhs_hint = false} : vector<256x256xf32>, vector<256x512xf32>, vector<256x512xf32> -> vector<256x512xf32>
      %get3A_435 = arith.constant 0 : index
      %get3A_436 = arith.constant 0 : index
      %get3A_437 = vector.load %arg13[%get3A_435, %get3A_436] : memref<256x1xf32, #tpu.memory_space<vmem>>, vector<256x1xf32>
      %add3A_438 = vector.broadcast %get3A_437 : vector<256x1xf32> to vector<256x512xf32>
      %add3A_439 = arith.addf %dot_general3A_434, %add3A_438 : vector<256x512xf32>
      %max3A_440 = arith.constant 0.000000e+00 : f32
      %max3A_441 = vector.broadcast %max3A_440 : f32 to vector<256x512xf32>
      %max3A_442 = arith.maximumf %add3A_439, %max3A_441 : vector<256x512xf32>
      %get3A_443 = arith.constant 0 : index
      %get3A_444 = arith.constant 0 : index
      %get3A_445 = vector.load %arg14[%get3A_443, %get3A_444] : memref<9x256xf32, #tpu.memory_space<vmem>>, vector<9x256xf32>
      %dot_general3A_446 = arith.constant dense<0.000000e+00> : vector<9x512xf32>
      %dot_general3A_447 = tpu.matmul %get3A_445, %max3A_442, %dot_general3A_446 {dimension_numbers = #tpu.dot_dimension_numbers<[1], [0], [0], [1], [0, 0, 1, 1], [], []>, transpose_lhs_hint = false} : vector<9x256xf32>, vector<256x512xf32>, vector<9x512xf32> -> vector<9x512xf32>
      %get3A_448 = arith.constant 0 : index
      %get3A_449 = arith.constant 0 : index
      %get3A_450 = vector.load %arg15[%get3A_448, %get3A_449] : memref<9x1xf32, #tpu.memory_space<vmem>>, vector<9x1xf32>
      %add3A_451 = vector.broadcast %get3A_450 : vector<9x1xf32> to vector<9x512xf32>
      %add3A_452 = arith.addf %dot_general3A_447, %add3A_451 : vector<9x512xf32>
      %swap3A_453 = arith.constant 0 : index
      %swap3A_454 = arith.constant 1024 : index
      %swap3A_455 = vector.load %arg19[%swap3A_453, %swap3A_454] : memref<9x8192xf32, #tpu.memory_space<vmem>>, vector<9x512xf32>
      tpu.vector_store %arg19[%swap3A_453, %swap3A_454], %add3A_452 {strides = array<i32>} : memref<9x8192xf32, #tpu.memory_space<vmem>>, vector<9x512xf32>,
    } else {
    }
    %get3A_23 = arith.index_cast %arg0 : i32 to index
    %get3A_24 = arith.constant 1 : index
    %get3A_25 = arith.constant 0 : index
    %get3A_26 = memref.load %arg1[%get3A_23, %get3A_24, %get3A_25] : memref<4x8x16xi32, #tpu.memory_space<smem>>
    %gt3A_27 = arith.constant 512 : i32
    %gt3A_28 = arith.cmpi sgt, %get3A_26, %gt3A_27 : i32
    %convert_element_type3A_29 = arith.extui %gt3A_28 : i1 to i32
    %cond3A_30 = arith.constant 0 : i32
    %cond3A_31 = arith.cmpi ne, %convert_element_type3A_29, %cond3A_30 : i32
    scf.if %cond3A_31 {
      %get3A_374 = arith.constant 0 : index
      %get3A_375 = arith.constant 0 : index
      %get3A_376 = arith.constant 1536 : index
      %get3A_377 = vector.load %arg3[%get3A_374, %get3A_375, %get3A_376] : memref<1x3x8192xf32, #tpu.memory_space<vmem>>, vector<1x3x512xf32>
      %get3A_378 = vector.shape_cast %get3A_377 : vector<1x3x512xf32> to vector<3x512xf32>
      %get3A_379 = arith.constant 0 : index
      %get3A_380 = arith.constant 0 : index
      %get3A_381 = vector.load %arg4[%get3A_379, %get3A_380] : memref<256x3xf32, #tpu.memory_space<vmem>>, vector<256x3xf32>
      %dot_general3A = arith.constant dense<0.000000e+00> : vector<256x512xf32>
      %dot_general3A_382 = tpu.matmul %get3A_381, %get3A_378, %dot_general3A {dimension_numbers = #tpu.dot_dimension_numbers<[1], [0], [0], [1], [0, 0, 1, 1], [], []>, transpose_lhs_hint = false} : vector<256x3xf32>, vector<3x512xf32>, vector<256x512xf32> -> vector<256x512xf32>
      %get3A_383 = arith.constant 0 : index
      %get3A_384 = arith.constant 0 : index
      %get3A_385 = vector.load %arg5[%get3A_383, %get3A_384] : memref<256x1xf32, #tpu.memory_space<vmem>>, vector<256x1xf32>
      %add3A_386 = vector.broadcast %get3A_385 : vector<256x1xf32> to vector<256x512xf32>
      %add3A_387 = arith.addf %dot_general3A_382, %add3A_386 : vector<256x512xf32>
      %max3A_388 = arith.constant 0.000000e+00 : f32
      %max3A_389 = vector.broadcast %max3A_388 : f32 to vector<256x512xf32>
      %max3A_390 = arith.maximumf %add3A_387, %max3A_389 : vector<256x512xf32>
      %get3A_391 = arith.constant 0 : index
      %get3A_392 = arith.constant 0 : index
      %get3A_393 = vector.load %arg6[%get3A_391, %get3A_392] : memref<256x256xf32, #tpu.memory_space<vmem>>, vector<256x256xf32>
      %dot_general3A_394 = arith.constant dense<0.000000e+00> : vector<256x512xf32>
      %dot_general3A_395 = tpu.matmul %get3A_393, %max3A_390, %dot_general3A_394 {dimension_numbers = #tpu.dot_dimension_numbers<[1], [0], [0], [1], [0, 0, 1, 1], [], []>, transpose_lhs_hint = false} : vector<256x256xf32>, vector<256x512xf32>, vector<256x512xf32> -> vector<256x512xf32>
      %get3A_396 = arith.constant 0 : index
      %get3A_397 = arith.constant 0 : index
      %get3A_398 = vector.load %arg7[%get3A_396, %get3A_397] : memref<256x1xf32, #tpu.memory_space<vmem>>, vector<256x1xf32>
      %add3A_399 = vector.broadcast %get3A_398 : vector<256x1xf32> to vector<256x512xf32>
      %add3A_400 = arith.addf %dot_general3A_395, %add3A_399 : vector<256x512xf32>
      %max3A_401 = arith.constant 0.000000e+00 : f32
      %max3A_402 = vector.broadcast %max3A_401 : f32 to vector<256x512xf32>
      %max3A_403 = arith.maximumf %add3A_400, %max3A_402 : vector<256x512xf32>
      %get3A_404 = arith.constant 0 : index
      %get3A_405 = arith.constant 0 : index
      %get3A_406 = vector.load %arg8[%get3A_404, %get3A_405] : memref<1x256xf32, #tpu.memory_space<vmem>>, vector<1x256xf32>
      %dot_general3A_407 = arith.constant dense<0.000000e+00> : vector<1x512xf32>
      %dot_general3A_408 = tpu.matmul %get3A_406, %max3A_403, %dot_general3A_407 {dimension_numbers = #tpu.dot_dimension_numbers<[1], [0], [0], [1], [0, 0, 1, 1], [], []>, transpose_lhs_hint = false} : vector<1x256xf32>, vector<256x512xf32>, vector<1x512xf32> -> vector<1x512xf32>
      %get3A_409 = arith.constant 0 : index
      %get3A_410 = arith.constant 0 : index
      %get3A_411 = vector.load %arg9[%get3A_409, %get3A_410] : memref<1x1xf32, #tpu.memory_space<vmem>>, vector<1x1xf32>
      %add3A_412 = vector.broadcast %get3A_411 : vector<1x1xf32> to vector<1x512xf32>
      %add3A_413 = arith.addf %dot_general3A_408, %add3A_412 : vector<1x512xf32>
      %swap3A_414 = arith.constant 0 : index
      %swap3A_415 = arith.constant 1536 : index
      %swap3A_416 = vector.load %arg18[%swap3A_414, %swap3A_415] : memref<1x8192xf32, #tpu.memory_space<vmem>>, vector<1x512xf32>
      tpu.vector_store %arg18[%swap3A_414, %swap3A_415], %add3A_413 {strides = array<i32>} : memref<1x8192xf32, #tpu.memory_space<vmem>>, vector<1x512xf32>,
      %get3A_417 = arith.constant 0 : index
      %get3A_418 = arith.constant 0 : index
      %get3A_419 = vector.load %arg10[%get3A_417, %get3A_418] : memref<256x3xf32, #tpu.memory_space<vmem>>, vector<256x3xf32>
      %dot_general3A_420 = arith.constant dense<0.000000e+00> : vector<256x512xf32>
      %dot_general3A_421 = tpu.matmul %get3A_419, %get3A_378, %dot_general3A_420 {dimension_numbers = #tpu.dot_dimension_numbers<[1], [0], [0], [1], [0, 0, 1, 1], [], []>, transpose_lhs_hint = false} : vector<256x3xf32>, vector<3x512xf32>, vector<256x512xf32> -> vector<256x512xf32>
      %get3A_422 = arith.constant 0 : index
      %get3A_423 = arith.constant 0 : index
      %get3A_424 = vector.load %arg11[%get3A_422, %get3A_423] : memref<256x1xf32, #tpu.memory_space<vmem>>, vector<256x1xf32>
      %add3A_425 = vector.broadcast %get3A_424 : vector<256x1xf32> to vector<256x512xf32>
      %add3A_426 = arith.addf %dot_general3A_421, %add3A_425 : vector<256x512xf32>
      %max3A_427 = arith.constant 0.000000e+00 : f32
      %max3A_428 = vector.broadcast %max3A_427 : f32 to vector<256x512xf32>
      %max3A_429 = arith.maximumf %add3A_426, %max3A_428 : vector<256x512xf32>
      %get3A_430 = arith.constant 0 : index
      %get3A_431 = arith.constant 0 : index
      %get3A_432 = vector.load %arg12[%get3A_430, %get3A_431] : memref<256x256xf32, #tpu.memory_space<vmem>>, vector<256x256xf32>
      %dot_general3A_433 = arith.constant dense<0.000000e+00> : vector<256x512xf32>
      %dot_general3A_434 = tpu.matmul %get3A_432, %max3A_429, %dot_general3A_433 {dimension_numbers = #tpu.dot_dimension_numbers<[1], [0], [0], [1], [0, 0, 1, 1], [], []>, transpose_lhs_hint = false} : vector<256x256xf32>, vector<256x512xf32>, vector<256x512xf32> -> vector<256x512xf32>
      %get3A_435 = arith.constant 0 : index
      %get3A_436 = arith.constant 0 : index
      %get3A_437 = vector.load %arg13[%get3A_435, %get3A_436] : memref<256x1xf32, #tpu.memory_space<vmem>>, vector<256x1xf32>
      %add3A_438 = vector.broadcast %get3A_437 : vector<256x1xf32> to vector<256x512xf32>
      %add3A_439 = arith.addf %dot_general3A_434, %add3A_438 : vector<256x512xf32>
      %max3A_440 = arith.constant 0.000000e+00 : f32
      %max3A_441 = vector.broadcast %max3A_440 : f32 to vector<256x512xf32>
      %max3A_442 = arith.maximumf %add3A_439, %max3A_441 : vector<256x512xf32>
      %get3A_443 = arith.constant 0 : index
      %get3A_444 = arith.constant 0 : index
      %get3A_445 = vector.load %arg14[%get3A_443, %get3A_444] : memref<9x256xf32, #tpu.memory_space<vmem>>, vector<9x256xf32>
      %dot_general3A_446 = arith.constant dense<0.000000e+00> : vector<9x512xf32>
      %dot_general3A_447 = tpu.matmul %get3A_445, %max3A_442, %dot_general3A_446 {dimension_numbers = #tpu.dot_dimension_numbers<[1], [0], [0], [1], [0, 0, 1, 1], [], []>, transpose_lhs_hint = false} : vector<9x256xf32>, vector<256x512xf32>, vector<9x512xf32> -> vector<9x512xf32>
      %get3A_448 = arith.constant 0 : index
      %get3A_449 = arith.constant 0 : index
      %get3A_450 = vector.load %arg15[%get3A_448, %get3A_449] : memref<9x1xf32, #tpu.memory_space<vmem>>, vector<9x1xf32>
      %add3A_451 = vector.broadcast %get3A_450 : vector<9x1xf32> to vector<9x512xf32>
      %add3A_452 = arith.addf %dot_general3A_447, %add3A_451 : vector<9x512xf32>
      %swap3A_453 = arith.constant 0 : index
      %swap3A_454 = arith.constant 1536 : index
      %swap3A_455 = vector.load %arg19[%swap3A_453, %swap3A_454] : memref<9x8192xf32, #tpu.memory_space<vmem>>, vector<9x512xf32>
      tpu.vector_store %arg19[%swap3A_453, %swap3A_454], %add3A_452 {strides = array<i32>} : memref<9x8192xf32, #tpu.memory_space<vmem>>, vector<9x512xf32>,
    } else {
    }
    %get3A_32 = arith.index_cast %arg0 : i32 to index
    %get3A_33 = arith.constant 2 : index
    %get3A_34 = arith.constant 0 : index
    %get3A_35 = memref.load %arg1[%get3A_32, %get3A_33, %get3A_34] : memref<4x8x16xi32, #tpu.memory_space<smem>>
    %gt3A_36 = arith.constant 0 : i32
    %gt3A_37 = arith.cmpi sgt, %get3A_35, %gt3A_36 : i32
    %convert_element_type3A_38 = arith.extui %gt3A_37 : i1 to i32
    %cond3A_39 = arith.constant 0 : i32
    %cond3A_40 = arith.cmpi ne, %convert_element_type3A_38, %cond3A_39 : i32
    scf.if %cond3A_40 {
      %get3A_374 = arith.constant 0 : index
      %get3A_375 = arith.constant 0 : index
      %get3A_376 = arith.constant 2048 : index
      %get3A_377 = vector.load %arg3[%get3A_374, %get3A_375, %get3A_376] : memref<1x3x8192xf32, #tpu.memory_space<vmem>>, vector<1x3x512xf32>
      %get3A_378 = vector.shape_cast %get3A_377 : vector<1x3x512xf32> to vector<3x512xf32>
      %get3A_379 = arith.constant 0 : index
      %get3A_380 = arith.constant 0 : index
      %get3A_381 = vector.load %arg4[%get3A_379, %get3A_380] : memref<256x3xf32, #tpu.memory_space<vmem>>, vector<256x3xf32>
      %dot_general3A = arith.constant dense<0.000000e+00> : vector<256x512xf32>
      %dot_general3A_382 = tpu.matmul %get3A_381, %get3A_378, %dot_general3A {dimension_numbers = #tpu.dot_dimension_numbers<[1], [0], [0], [1], [0, 0, 1, 1], [], []>, transpose_lhs_hint = false} : vector<256x3xf32>, vector<3x512xf32>, vector<256x512xf32> -> vector<256x512xf32>
      %get3A_383 = arith.constant 0 : index
      %get3A_384 = arith.constant 0 : index
      %get3A_385 = vector.load %arg5[%get3A_383, %get3A_384] : memref<256x1xf32, #tpu.memory_space<vmem>>, vector<256x1xf32>
      %add3A_386 = vector.broadcast %get3A_385 : vector<256x1xf32> to vector<256x512xf32>
      %add3A_387 = arith.addf %dot_general3A_382, %add3A_386 : vector<256x512xf32>
      %max3A_388 = arith.constant 0.000000e+00 : f32
      %max3A_389 = vector.broadcast %max3A_388 : f32 to vector<256x512xf32>
      %max3A_390 = arith.maximumf %add3A_387, %max3A_389 : vector<256x512xf32>
      %get3A_391 = arith.constant 0 : index
      %get3A_392 = arith.constant 0 : index
      %get3A_393 = vector.load %arg6[%get3A_391, %get3A_392] : memref<256x256xf32, #tpu.memory_space<vmem>>, vector<256x256xf32>
      %dot_general3A_394 = arith.constant dense<0.000000e+00> : vector<256x512xf32>
      %dot_general3A_395 = tpu.matmul %get3A_393, %max3A_390, %dot_general3A_394 {dimension_numbers = #tpu.dot_dimension_numbers<[1], [0], [0], [1], [0, 0, 1, 1], [], []>, transpose_lhs_hint = false} : vector<256x256xf32>, vector<256x512xf32>, vector<256x512xf32> -> vector<256x512xf32>
      %get3A_396 = arith.constant 0 : index
      %get3A_397 = arith.constant 0 : index
      %get3A_398 = vector.load %arg7[%get3A_396, %get3A_397] : memref<256x1xf32, #tpu.memory_space<vmem>>, vector<256x1xf32>
      %add3A_399 = vector.broadcast %get3A_398 : vector<256x1xf32> to vector<256x512xf32>
      %add3A_400 = arith.addf %dot_general3A_395, %add3A_399 : vector<256x512xf32>
      %max3A_401 = arith.constant 0.000000e+00 : f32
      %max3A_402 = vector.broadcast %max3A_401 : f32 to vector<256x512xf32>
      %max3A_403 = arith.maximumf %add3A_400, %max3A_402 : vector<256x512xf32>
      %get3A_404 = arith.constant 0 : index
      %get3A_405 = arith.constant 0 : index
      %get3A_406 = vector.load %arg8[%get3A_404, %get3A_405] : memref<1x256xf32, #tpu.memory_space<vmem>>, vector<1x256xf32>
      %dot_general3A_407 = arith.constant dense<0.000000e+00> : vector<1x512xf32>
      %dot_general3A_408 = tpu.matmul %get3A_406, %max3A_403, %dot_general3A_407 {dimension_numbers = #tpu.dot_dimension_numbers<[1], [0], [0], [1], [0, 0, 1, 1], [], []>, transpose_lhs_hint = false} : vector<1x256xf32>, vector<256x512xf32>, vector<1x512xf32> -> vector<1x512xf32>
      %get3A_409 = arith.constant 0 : index
      %get3A_410 = arith.constant 0 : index
      %get3A_411 = vector.load %arg9[%get3A_409, %get3A_410] : memref<1x1xf32, #tpu.memory_space<vmem>>, vector<1x1xf32>
      %add3A_412 = vector.broadcast %get3A_411 : vector<1x1xf32> to vector<1x512xf32>
      %add3A_413 = arith.addf %dot_general3A_408, %add3A_412 : vector<1x512xf32>
      %swap3A_414 = arith.constant 0 : index
      %swap3A_415 = arith.constant 2048 : index
      %swap3A_416 = vector.load %arg18[%swap3A_414, %swap3A_415] : memref<1x8192xf32, #tpu.memory_space<vmem>>, vector<1x512xf32>
      tpu.vector_store %arg18[%swap3A_414, %swap3A_415], %add3A_413 {strides = array<i32>} : memref<1x8192xf32, #tpu.memory_space<vmem>>, vector<1x512xf32>,
      %get3A_417 = arith.constant 0 : index
      %get3A_418 = arith.constant 0 : index
      %get3A_419 = vector.load %arg10[%get3A_417, %get3A_418] : memref<256x3xf32, #tpu.memory_space<vmem>>, vector<256x3xf32>
      %dot_general3A_420 = arith.constant dense<0.000000e+00> : vector<256x512xf32>
      %dot_general3A_421 = tpu.matmul %get3A_419, %get3A_378, %dot_general3A_420 {dimension_numbers = #tpu.dot_dimension_numbers<[1], [0], [0], [1], [0, 0, 1, 1], [], []>, transpose_lhs_hint = false} : vector<256x3xf32>, vector<3x512xf32>, vector<256x512xf32> -> vector<256x512xf32>
      %get3A_422 = arith.constant 0 : index
      %get3A_423 = arith.constant 0 : index
      %get3A_424 = vector.load %arg11[%get3A_422, %get3A_423] : memref<256x1xf32, #tpu.memory_space<vmem>>, vector<256x1xf32>
      %add3A_425 = vector.broadcast %get3A_424 : vector<256x1xf32> to vector<256x512xf32>
      %add3A_426 = arith.addf %dot_general3A_421, %add3A_425 : vector<256x512xf32>
      %max3A_427 = arith.constant 0.000000e+00 : f32
      %max3A_428 = vector.broadcast %max3A_427 : f32 to vector<256x512xf32>
      %max3A_429 = arith.maximumf %add3A_426, %max3A_428 : vector<256x512xf32>
      %get3A_430 = arith.constant 0 : index
      %get3A_431 = arith.constant 0 : index
      %get3A_432 = vector.load %arg12[%get3A_430, %get3A_431] : memref<256x256xf32, #tpu.memory_space<vmem>>, vector<256x256xf32>
      %dot_general3A_433 = arith.constant dense<0.000000e+00> : vector<256x512xf32>
      %dot_general3A_434 = tpu.matmul %get3A_432, %max3A_429, %dot_general3A_433 {dimension_numbers = #tpu.dot_dimension_numbers<[1], [0], [0], [1], [0, 0, 1, 1], [], []>, transpose_lhs_hint = false} : vector<256x256xf32>, vector<256x512xf32>, vector<256x512xf32> -> vector<256x512xf32>
      %get3A_435 = arith.constant 0 : index
      %get3A_436 = arith.constant 0 : index
      %get3A_437 = vector.load %arg13[%get3A_435, %get3A_436] : memref<256x1xf32, #tpu.memory_space<vmem>>, vector<256x1xf32>
      %add3A_438 = vector.broadcast %get3A_437 : vector<256x1xf32> to vector<256x512xf32>
      %add3A_439 = arith.addf %dot_general3A_434, %add3A_438 : vector<256x512xf32>
      %max3A_440 = arith.constant 0.000000e+00 : f32
      %max3A_441 = vector.broadcast %max3A_440 : f32 to vector<256x512xf32>
      %max3A_442 = arith.maximumf %add3A_439, %max3A_441 : vector<256x512xf32>
      %get3A_443 = arith.constant 0 : index
      %get3A_444 = arith.constant 0 : index
      %get3A_445 = vector.load %arg14[%get3A_443, %get3A_444] : memref<9x256xf32, #tpu.memory_space<vmem>>, vector<9x256xf32>
      %dot_general3A_446 = arith.constant dense<0.000000e+00> : vector<9x512xf32>
      %dot_general3A_447 = tpu.matmul %get3A_445, %max3A_442, %dot_general3A_446 {dimension_numbers = #tpu.dot_dimension_numbers<[1], [0], [0], [1], [0, 0, 1, 1], [], []>, transpose_lhs_hint = false} : vector<9x256xf32>, vector<256x512xf32>, vector<9x512xf32> -> vector<9x512xf32>
      %get3A_448 = arith.constant 0 : index
      %get3A_449 = arith.constant 0 : index
      %get3A_450 = vector.load %arg15[%get3A_448, %get3A_449] : memref<9x1xf32, #tpu.memory_space<vmem>>, vector<9x1xf32>
      %add3A_451 = vector.broadcast %get3A_450 : vector<9x1xf32> to vector<9x512xf32>
      %add3A_452 = arith.addf %dot_general3A_447, %add3A_451 : vector<9x512xf32>
      %swap3A_453 = arith.constant 0 : index
      %swap3A_454 = arith.constant 2048 : index
      %swap3A_455 = vector.load %arg19[%swap3A_453, %swap3A_454] : memref<9x8192xf32, #tpu.memory_space<vmem>>, vector<9x512xf32>
      tpu.vector_store %arg19[%swap3A_453, %swap3A_454], %add3A_452 {strides = array<i32>} : memref<9x8192xf32, #tpu.memory_space<vmem>>, vector<9x512xf32>,
    } else {
    }
    %get3A_41 = arith.index_cast %arg0 : i32 to index
    %get3A_42 = arith.constant 2 : index
    %get3A_43 = arith.constant 0 : index
    %get3A_44 = memref.load %arg1[%get3A_41, %get3A_42, %get3A_43] : memref<4x8x16xi32, #tpu.memory_space<smem>>
    %gt3A_45 = arith.constant 512 : i32
    %gt3A_46 = arith.cmpi sgt, %get3A_44, %gt3A_45 : i32
    %convert_element_type3A_47 = arith.extui %gt3A_46 : i1 to i32
    %cond3A_48 = arith.constant 0 : i32
    %cond3A_49 = arith.cmpi ne, %convert_element_type3A_47, %cond3A_48 : i32
    scf.if %cond3A_49 {
      %get3A_374 = arith.constant 0 : index
      %get3A_375 = arith.constant 0 : index
      %get3A_376 = arith.constant 2560 : index
      %get3A_377 = vector.load %arg3[%get3A_374, %get3A_375, %get3A_376] : memref<1x3x8192xf32, #tpu.memory_space<vmem>>, vector<1x3x512xf32>
      %get3A_378 = vector.shape_cast %get3A_377 : vector<1x3x512xf32> to vector<3x512xf32>
      %get3A_379 = arith.constant 0 : index
      %get3A_380 = arith.constant 0 : index
      %get3A_381 = vector.load %arg4[%get3A_379, %get3A_380] : memref<256x3xf32, #tpu.memory_space<vmem>>, vector<256x3xf32>
      %dot_general3A = arith.constant dense<0.000000e+00> : vector<256x512xf32>
      %dot_general3A_382 = tpu.matmul %get3A_381, %get3A_378, %dot_general3A {dimension_numbers = #tpu.dot_dimension_numbers<[1], [0], [0], [1], [0, 0, 1, 1], [], []>, transpose_lhs_hint = false} : vector<256x3xf32>, vector<3x512xf32>, vector<256x512xf32> -> vector<256x512xf32>
      %get3A_383 = arith.constant 0 : index
      %get3A_384 = arith.constant 0 : index
      %get3A_385 = vector.load %arg5[%get3A_383, %get3A_384] : memref<256x1xf32, #tpu.memory_space<vmem>>, vector<256x1xf32>
      %add3A_386 = vector.broadcast %get3A_385 : vector<256x1xf32> to vector<256x512xf32>
      %add3A_387 = arith.addf %dot_general3A_382, %add3A_386 : vector<256x512xf32>
      %max3A_388 = arith.constant 0.000000e+00 : f32
      %max3A_389 = vector.broadcast %max3A_388 : f32 to vector<256x512xf32>
      %max3A_390 = arith.maximumf %add3A_387, %max3A_389 : vector<256x512xf32>
      %get3A_391 = arith.constant 0 : index
      %get3A_392 = arith.constant 0 : index
      %get3A_393 = vector.load %arg6[%get3A_391, %get3A_392] : memref<256x256xf32, #tpu.memory_space<vmem>>, vector<256x256xf32>
      %dot_general3A_394 = arith.constant dense<0.000000e+00> : vector<256x512xf32>
      %dot_general3A_395 = tpu.matmul %get3A_393, %max3A_390, %dot_general3A_394 {dimension_numbers = #tpu.dot_dimension_numbers<[1], [0], [0], [1], [0, 0, 1, 1], [], []>, transpose_lhs_hint = false} : vector<256x256xf32>, vector<256x512xf32>, vector<256x512xf32> -> vector<256x512xf32>
      %get3A_396 = arith.constant 0 : index
      %get3A_397 = arith.constant 0 : index
      %get3A_398 = vector.load %arg7[%get3A_396, %get3A_397] : memref<256x1xf32, #tpu.memory_space<vmem>>, vector<256x1xf32>
      %add3A_399 = vector.broadcast %get3A_398 : vector<256x1xf32> to vector<256x512xf32>
      %add3A_400 = arith.addf %dot_general3A_395, %add3A_399 : vector<256x512xf32>
      %max3A_401 = arith.constant 0.000000e+00 : f32
      %max3A_402 = vector.broadcast %max3A_401 : f32 to vector<256x512xf32>
      %max3A_403 = arith.maximumf %add3A_400, %max3A_402 : vector<256x512xf32>
      %get3A_404 = arith.constant 0 : index
      %get3A_405 = arith.constant 0 : index
      %get3A_406 = vector.load %arg8[%get3A_404, %get3A_405] : memref<1x256xf32, #tpu.memory_space<vmem>>, vector<1x256xf32>
      %dot_general3A_407 = arith.constant dense<0.000000e+00> : vector<1x512xf32>
      %dot_general3A_408 = tpu.matmul %get3A_406, %max3A_403, %dot_general3A_407 {dimension_numbers = #tpu.dot_dimension_numbers<[1], [0], [0], [1], [0, 0, 1, 1], [], []>, transpose_lhs_hint = false} : vector<1x256xf32>, vector<256x512xf32>, vector<1x512xf32> -> vector<1x512xf32>
      %get3A_409 = arith.constant 0 : index
      %get3A_410 = arith.constant 0 : index
      %get3A_411 = vector.load %arg9[%get3A_409, %get3A_410] : memref<1x1xf32, #tpu.memory_space<vmem>>, vector<1x1xf32>
      %add3A_412 = vector.broadcast %get3A_411 : vector<1x1xf32> to vector<1x512xf32>
      %add3A_413 = arith.addf %dot_general3A_408, %add3A_412 : vector<1x512xf32>
      %swap3A_414 = arith.constant 0 : index
      %swap3A_415 = arith.constant 2560 : index
      %swap3A_416 = vector.load %arg18[%swap3A_414, %swap3A_415] : memref<1x8192xf32, #tpu.memory_space<vmem>>, vector<1x512xf32>
      tpu.vector_store %arg18[%swap3A_414, %swap3A_415], %add3A_413 {strides = array<i32>} : memref<1x8192xf32, #tpu.memory_space<vmem>>, vector<1x512xf32>,
      %get3A_417 = arith.constant 0 : index
      %get3A_418 = arith.constant 0 : index
      %get3A_419 = vector.load %arg10[%get3A_417, %get3A_418] : memref<256x3xf32, #tpu.memory_space<vmem>>, vector<256x3xf32>
      %dot_general3A_420 = arith.constant dense<0.000000e+00> : vector<256x512xf32>
      %dot_general3A_421 = tpu.matmul %get3A_419, %get3A_378, %dot_general3A_420 {dimension_numbers = #tpu.dot_dimension_numbers<[1], [0], [0], [1], [0, 0, 1, 1], [], []>, transpose_lhs_hint = false} : vector<256x3xf32>, vector<3x512xf32>, vector<256x512xf32> -> vector<256x512xf32>
      %get3A_422 = arith.constant 0 : index
      %get3A_423 = arith.constant 0 : index
      %get3A_424 = vector.load %arg11[%get3A_422, %get3A_423] : memref<256x1xf32, #tpu.memory_space<vmem>>, vector<256x1xf32>
      %add3A_425 = vector.broadcast %get3A_424 : vector<256x1xf32> to vector<256x512xf32>
      %add3A_426 = arith.addf %dot_general3A_421, %add3A_425 : vector<256x512xf32>
      %max3A_427 = arith.constant 0.000000e+00 : f32
      %max3A_428 = vector.broadcast %max3A_427 : f32 to vector<256x512xf32>
      %max3A_429 = arith.maximumf %add3A_426, %max3A_428 : vector<256x512xf32>
      %get3A_430 = arith.constant 0 : index
      %get3A_431 = arith.constant 0 : index
      %get3A_432 = vector.load %arg12[%get3A_430, %get3A_431] : memref<256x256xf32, #tpu.memory_space<vmem>>, vector<256x256xf32>
      %dot_general3A_433 = arith.constant dense<0.000000e+00> : vector<256x512xf32>
      %dot_general3A_434 = tpu.matmul %get3A_432, %max3A_429, %dot_general3A_433 {dimension_numbers = #tpu.dot_dimension_numbers<[1], [0], [0], [1], [0, 0, 1, 1], [], []>, transpose_lhs_hint = false} : vector<256x256xf32>, vector<256x512xf32>, vector<256x512xf32> -> vector<256x512xf32>
      %get3A_435 = arith.constant 0 : index
      %get3A_436 = arith.constant 0 : index
      %get3A_437 = vector.load %arg13[%get3A_435, %get3A_436] : memref<256x1xf32, #tpu.memory_space<vmem>>, vector<256x1xf32>
      %add3A_438 = vector.broadcast %get3A_437 : vector<256x1xf32> to vector<256x512xf32>
      %add3A_439 = arith.addf %dot_general3A_434, %add3A_438 : vector<256x512xf32>
      %max3A_440 = arith.constant 0.000000e+00 : f32
      %max3A_441 = vector.broadcast %max3A_440 : f32 to vector<256x512xf32>
      %max3A_442 = arith.maximumf %add3A_439, %max3A_441 : vector<256x512xf32>
      %get3A_443 = arith.constant 0 : index
      %get3A_444 = arith.constant 0 : index
      %get3A_445 = vector.load %arg14[%get3A_443, %get3A_444] : memref<9x256xf32, #tpu.memory_space<vmem>>, vector<9x256xf32>
      %dot_general3A_446 = arith.constant dense<0.000000e+00> : vector<9x512xf32>
      %dot_general3A_447 = tpu.matmul %get3A_445, %max3A_442, %dot_general3A_446 {dimension_numbers = #tpu.dot_dimension_numbers<[1], [0], [0], [1], [0, 0, 1, 1], [], []>, transpose_lhs_hint = false} : vector<9x256xf32>, vector<256x512xf32>, vector<9x512xf32> -> vector<9x512xf32>
      %get3A_448 = arith.constant 0 : index
      %get3A_449 = arith.constant 0 : index
      %get3A_450 = vector.load %arg15[%get3A_448, %get3A_449] : memref<9x1xf32, #tpu.memory_space<vmem>>, vector<9x1xf32>
      %add3A_451 = vector.broadcast %get3A_450 : vector<9x1xf32> to vector<9x512xf32>
      %add3A_452 = arith.addf %dot_general3A_447, %add3A_451 : vector<9x512xf32>
      %swap3A_453 = arith.constant 0 : index
      %swap3A_454 = arith.constant 2560 : index
      %swap3A_455 = vector.load %arg19[%swap3A_453, %swap3A_454] : memref<9x8192xf32, #tpu.memory_space<vmem>>, vector<9x512xf32>
      tpu.vector_store %arg19[%swap3A_453, %swap3A_454], %add3A_452 {strides = array<i32>} : memref<9x8192xf32, #tpu.memory_space<vmem>>, vector<9x512xf32>,
    } else {
    }
    %get3A_50 = arith.index_cast %arg0 : i32 to index
    %get3A_51 = arith.constant 3 : index
    %get3A_52 = arith.constant 0 : index
    %get3A_53 = memref.load %arg1[%get3A_50, %get3A_51, %get3A_52] : memref<4x8x16xi32, #tpu.memory_space<smem>>
    %gt3A_54 = arith.constant 0 : i32
    %gt3A_55 = arith.cmpi sgt, %get3A_53, %gt3A_54 : i32
    %convert_element_type3A_56 = arith.extui %gt3A_55 : i1 to i32
    %cond3A_57 = arith.constant 0 : i32
    %cond3A_58 = arith.cmpi ne, %convert_element_type3A_56, %cond3A_57 : i32
    scf.if %cond3A_58 {
      %get3A_374 = arith.constant 0 : index
      %get3A_375 = arith.constant 0 : index
      %get3A_376 = arith.constant 3072 : index
      %get3A_377 = vector.load %arg3[%get3A_374, %get3A_375, %get3A_376] : memref<1x3x8192xf32, #tpu.memory_space<vmem>>, vector<1x3x512xf32>
      %get3A_378 = vector.shape_cast %get3A_377 : vector<1x3x512xf32> to vector<3x512xf32>
      %get3A_379 = arith.constant 0 : index
      %get3A_380 = arith.constant 0 : index
      %get3A_381 = vector.load %arg4[%get3A_379, %get3A_380] : memref<256x3xf32, #tpu.memory_space<vmem>>, vector<256x3xf32>
      %dot_general3A = arith.constant dense<0.000000e+00> : vector<256x512xf32>
      %dot_general3A_382 = tpu.matmul %get3A_381, %get3A_378, %dot_general3A {dimension_numbers = #tpu.dot_dimension_numbers<[1], [0], [0], [1], [0, 0, 1, 1], [], []>, transpose_lhs_hint = false} : vector<256x3xf32>, vector<3x512xf32>, vector<256x512xf32> -> vector<256x512xf32>
      %get3A_383 = arith.constant 0 : index
      %get3A_384 = arith.constant 0 : index
      %get3A_385 = vector.load %arg5[%get3A_383, %get3A_384] : memref<256x1xf32, #tpu.memory_space<vmem>>, vector<256x1xf32>
      %add3A_386 = vector.broadcast %get3A_385 : vector<256x1xf32> to vector<256x512xf32>
      %add3A_387 = arith.addf %dot_general3A_382, %add3A_386 : vector<256x512xf32>
      %max3A_388 = arith.constant 0.000000e+00 : f32
      %max3A_389 = vector.broadcast %max3A_388 : f32 to vector<256x512xf32>
      %max3A_390 = arith.maximumf %add3A_387, %max3A_389 : vector<256x512xf32>
      %get3A_391 = arith.constant 0 : index
      %get3A_392 = arith.constant 0 : index
      %get3A_393 = vector.load %arg6[%get3A_391, %get3A_392] : memref<256x256xf32, #tpu.memory_space<vmem>>, vector<256x256xf32>
      %dot_general3A_394 = arith.constant dense<0.000000e+00> : vector<256x512xf32>
      %dot_general3A_395 = tpu.matmul %get3A_393, %max3A_390, %dot_general3A_394 {dimension_numbers = #tpu.dot_dimension_numbers<[1], [0], [0], [1], [0, 0, 1, 1], [], []>, transpose_lhs_hint = false} : vector<256x256xf32>, vector<256x512xf32>, vector<256x512xf32> -> vector<256x512xf32>
      %get3A_396 = arith.constant 0 : index
      %get3A_397 = arith.constant 0 : index
      %get3A_398 = vector.load %arg7[%get3A_396, %get3A_397] : memref<256x1xf32, #tpu.memory_space<vmem>>, vector<256x1xf32>
      %add3A_399 = vector.broadcast %get3A_398 : vector<256x1xf32> to vector<256x512xf32>
      %add3A_400 = arith.addf %dot_general3A_395, %add3A_399 : vector<256x512xf32>
      %max3A_401 = arith.constant 0.000000e+00 : f32
      %max3A_402 = vector.broadcast %max3A_401 : f32 to vector<256x512xf32>
      %max3A_403 = arith.maximumf %add3A_400, %max3A_402 : vector<256x512xf32>
      %get3A_404 = arith.constant 0 : index
      %get3A_405 = arith.constant 0 : index
      %get3A_406 = vector.load %arg8[%get3A_404, %get3A_405] : memref<1x256xf32, #tpu.memory_space<vmem>>, vector<1x256xf32>
      %dot_general3A_407 = arith.constant dense<0.000000e+00> : vector<1x512xf32>
      %dot_general3A_408 = tpu.matmul %get3A_406, %max3A_403, %dot_general3A_407 {dimension_numbers = #tpu.dot_dimension_numbers<[1], [0], [0], [1], [0, 0, 1, 1], [], []>, transpose_lhs_hint = false} : vector<1x256xf32>, vector<256x512xf32>, vector<1x512xf32> -> vector<1x512xf32>
      %get3A_409 = arith.constant 0 : index
      %get3A_410 = arith.constant 0 : index
      %get3A_411 = vector.load %arg9[%get3A_409, %get3A_410] : memref<1x1xf32, #tpu.memory_space<vmem>>, vector<1x1xf32>
      %add3A_412 = vector.broadcast %get3A_411 : vector<1x1xf32> to vector<1x512xf32>
      %add3A_413 = arith.addf %dot_general3A_408, %add3A_412 : vector<1x512xf32>
      %swap3A_414 = arith.constant 0 : index
      %swap3A_415 = arith.constant 3072 : index
      %swap3A_416 = vector.load %arg18[%swap3A_414, %swap3A_415] : memref<1x8192xf32, #tpu.memory_space<vmem>>, vector<1x512xf32>
      tpu.vector_store %arg18[%swap3A_414, %swap3A_415], %add3A_413 {strides = array<i32>} : memref<1x8192xf32, #tpu.memory_space<vmem>>, vector<1x512xf32>,
      %get3A_417 = arith.constant 0 : index
      %get3A_418 = arith.constant 0 : index
      %get3A_419 = vector.load %arg10[%get3A_417, %get3A_418] : memref<256x3xf32, #tpu.memory_space<vmem>>, vector<256x3xf32>
      %dot_general3A_420 = arith.constant dense<0.000000e+00> : vector<256x512xf32>
      %dot_general3A_421 = tpu.matmul %get3A_419, %get3A_378, %dot_general3A_420 {dimension_numbers = #tpu.dot_dimension_numbers<[1], [0], [0], [1], [0, 0, 1, 1], [], []>, transpose_lhs_hint = false} : vector<256x3xf32>, vector<3x512xf32>, vector<256x512xf32> -> vector<256x512xf32>
      %get3A_422 = arith.constant 0 : index
      %get3A_423 = arith.constant 0 : index
      %get3A_424 = vector.load %arg11[%get3A_422, %get3A_423] : memref<256x1xf32, #tpu.memory_space<vmem>>, vector<256x1xf32>
      %add3A_425 = vector.broadcast %get3A_424 : vector<256x1xf32> to vector<256x512xf32>
      %add3A_426 = arith.addf %dot_general3A_421, %add3A_425 : vector<256x512xf32>
      %max3A_427 = arith.constant 0.000000e+00 : f32
      %max3A_428 = vector.broadcast %max3A_427 : f32 to vector<256x512xf32>
      %max3A_429 = arith.maximumf %add3A_426, %max3A_428 : vector<256x512xf32>
      %get3A_430 = arith.constant 0 : index
      %get3A_431 = arith.constant 0 : index
      %get3A_432 = vector.load %arg12[%get3A_430, %get3A_431] : memref<256x256xf32, #tpu.memory_space<vmem>>, vector<256x256xf32>
      %dot_general3A_433 = arith.constant dense<0.000000e+00> : vector<256x512xf32>
      %dot_general3A_434 = tpu.matmul %get3A_432, %max3A_429, %dot_general3A_433 {dimension_numbers = #tpu.dot_dimension_numbers<[1], [0], [0], [1], [0, 0, 1, 1], [], []>, transpose_lhs_hint = false} : vector<256x256xf32>, vector<256x512xf32>, vector<256x512xf32> -> vector<256x512xf32>
      %get3A_435 = arith.constant 0 : index
      %get3A_436 = arith.constant 0 : index
      %get3A_437 = vector.load %arg13[%get3A_435, %get3A_436] : memref<256x1xf32, #tpu.memory_space<vmem>>, vector<256x1xf32>
      %add3A_438 = vector.broadcast %get3A_437 : vector<256x1xf32> to vector<256x512xf32>
      %add3A_439 = arith.addf %dot_general3A_434, %add3A_438 : vector<256x512xf32>
      %max3A_440 = arith.constant 0.000000e+00 : f32
      %max3A_441 = vector.broadcast %max3A_440 : f32 to vector<256x512xf32>
      %max3A_442 = arith.maximumf %add3A_439, %max3A_441 : vector<256x512xf32>
      %get3A_443 = arith.constant 0 : index
      %get3A_444 = arith.constant 0 : index
      %get3A_445 = vector.load %arg14[%get3A_443, %get3A_444] : memref<9x256xf32, #tpu.memory_space<vmem>>, vector<9x256xf32>
      %dot_general3A_446 = arith.constant dense<0.000000e+00> : vector<9x512xf32>
      %dot_general3A_447 = tpu.matmul %get3A_445, %max3A_442, %dot_general3A_446 {dimension_numbers = #tpu.dot_dimension_numbers<[1], [0], [0], [1], [0, 0, 1, 1], [], []>, transpose_lhs_hint = false} : vector<9x256xf32>, vector<256x512xf32>, vector<9x512xf32> -> vector<9x512xf32>
      %get3A_448 = arith.constant 0 : index
      %get3A_449 = arith.constant 0 : index
      %get3A_450 = vector.load %arg15[%get3A_448, %get3A_449] : memref<9x1xf32, #tpu.memory_space<vmem>>, vector<9x1xf32>
      %add3A_451 = vector.broadcast %get3A_450 : vector<9x1xf32> to vector<9x512xf32>
      %add3A_452 = arith.addf %dot_general3A_447, %add3A_451 : vector<9x512xf32>
      %swap3A_453 = arith.constant 0 : index
      %swap3A_454 = arith.constant 3072 : index
      %swap3A_455 = vector.load %arg19[%swap3A_453, %swap3A_454] : memref<9x8192xf32, #tpu.memory_space<vmem>>, vector<9x512xf32>
      tpu.vector_store %arg19[%swap3A_453, %swap3A_454], %add3A_452 {strides = array<i32>} : memref<9x8192xf32, #tpu.memory_space<vmem>>, vector<9x512xf32>,
    } else {
    }
    %get3A_59 = arith.index_cast %arg0 : i32 to index
    %get3A_60 = arith.constant 3 : index
    %get3A_61 = arith.constant 0 : index
    %get3A_62 = memref.load %arg1[%get3A_59, %get3A_60, %get3A_61] : memref<4x8x16xi32, #tpu.memory_space<smem>>
    %gt3A_63 = arith.constant 512 : i32
    %gt3A_64 = arith.cmpi sgt, %get3A_62, %gt3A_63 : i32
    %convert_element_type3A_65 = arith.extui %gt3A_64 : i1 to i32
    %cond3A_66 = arith.constant 0 : i32
    %cond3A_67 = arith.cmpi ne, %convert_element_type3A_65, %cond3A_66 : i32
    scf.if %cond3A_67 {
      %get3A_374 = arith.constant 0 : index
      %get3A_375 = arith.constant 0 : index
      %get3A_376 = arith.constant 3584 : index
      %get3A_377 = vector.load %arg3[%get3A_374, %get3A_375, %get3A_376] : memref<1x3x8192xf32, #tpu.memory_space<vmem>>, vector<1x3x512xf32>
      %get3A_378 = vector.shape_cast %get3A_377 : vector<1x3x512xf32> to vector<3x512xf32>
      %get3A_379 = arith.constant 0 : index
      %get3A_380 = arith.constant 0 : index
      %get3A_381 = vector.load %arg4[%get3A_379, %get3A_380] : memref<256x3xf32, #tpu.memory_space<vmem>>, vector<256x3xf32>
      %dot_general3A = arith.constant dense<0.000000e+00> : vector<256x512xf32>
      %dot_general3A_382 = tpu.matmul %get3A_381, %get3A_378, %dot_general3A {dimension_numbers = #tpu.dot_dimension_numbers<[1], [0], [0], [1], [0, 0, 1, 1], [], []>, transpose_lhs_hint = false} : vector<256x3xf32>, vector<3x512xf32>, vector<256x512xf32> -> vector<256x512xf32>
      %get3A_383 = arith.constant 0 : index
      %get3A_384 = arith.constant 0 : index
      %get3A_385 = vector.load %arg5[%get3A_383, %get3A_384] : memref<256x1xf32, #tpu.memory_space<vmem>>, vector<256x1xf32>
      %add3A_386 = vector.broadcast %get3A_385 : vector<256x1xf32> to vector<256x512xf32>
      %add3A_387 = arith.addf %dot_general3A_382, %add3A_386 : vector<256x512xf32>
      %max3A_388 = arith.constant 0.000000e+00 : f32
      %max3A_389 = vector.broadcast %max3A_388 : f32 to vector<256x512xf32>
      %max3A_390 = arith.maximumf %add3A_387, %max3A_389 : vector<256x512xf32>
      %get3A_391 = arith.constant 0 : index
      %get3A_392 = arith.constant 0 : index
      %get3A_393 = vector.load %arg6[%get3A_391, %get3A_392] : memref<256x256xf32, #tpu.memory_space<vmem>>, vector<256x256xf32>
      %dot_general3A_394 = arith.constant dense<0.000000e+00> : vector<256x512xf32>
      %dot_general3A_395 = tpu.matmul %get3A_393, %max3A_390, %dot_general3A_394 {dimension_numbers = #tpu.dot_dimension_numbers<[1], [0], [0], [1], [0, 0, 1, 1], [], []>, transpose_lhs_hint = false} : vector<256x256xf32>, vector<256x512xf32>, vector<256x512xf32> -> vector<256x512xf32>
      %get3A_396 = arith.constant 0 : index
      %get3A_397 = arith.constant 0 : index
      %get3A_398 = vector.load %arg7[%get3A_396, %get3A_397] : memref<256x1xf32, #tpu.memory_space<vmem>>, vector<256x1xf32>
      %add3A_399 = vector.broadcast %get3A_398 : vector<256x1xf32> to vector<256x512xf32>
      %add3A_400 = arith.addf %dot_general3A_395, %add3A_399 : vector<256x512xf32>
      %max3A_401 = arith.constant 0.000000e+00 : f32
      %max3A_402 = vector.broadcast %max3A_401 : f32 to vector<256x512xf32>
      %max3A_403 = arith.maximumf %add3A_400, %max3A_402 : vector<256x512xf32>
      %get3A_404 = arith.constant 0 : index
      %get3A_405 = arith.constant 0 : index
      %get3A_406 = vector.load %arg8[%get3A_404, %get3A_405] : memref<1x256xf32, #tpu.memory_space<vmem>>, vector<1x256xf32>
      %dot_general3A_407 = arith.constant dense<0.000000e+00> : vector<1x512xf32>
      %dot_general3A_408 = tpu.matmul %get3A_406, %max3A_403, %dot_general3A_407 {dimension_numbers = #tpu.dot_dimension_numbers<[1], [0], [0], [1], [0, 0, 1, 1], [], []>, transpose_lhs_hint = false} : vector<1x256xf32>, vector<256x512xf32>, vector<1x512xf32> -> vector<1x512xf32>
      %get3A_409 = arith.constant 0 : index
      %get3A_410 = arith.constant 0 : index
      %get3A_411 = vector.load %arg9[%get3A_409, %get3A_410] : memref<1x1xf32, #tpu.memory_space<vmem>>, vector<1x1xf32>
      %add3A_412 = vector.broadcast %get3A_411 : vector<1x1xf32> to vector<1x512xf32>
      %add3A_413 = arith.addf %dot_general3A_408, %add3A_412 : vector<1x512xf32>
      %swap3A_414 = arith.constant 0 : index
      %swap3A_415 = arith.constant 3584 : index
      %swap3A_416 = vector.load %arg18[%swap3A_414, %swap3A_415] : memref<1x8192xf32, #tpu.memory_space<vmem>>, vector<1x512xf32>
      tpu.vector_store %arg18[%swap3A_414, %swap3A_415], %add3A_413 {strides = array<i32>} : memref<1x8192xf32, #tpu.memory_space<vmem>>, vector<1x512xf32>,
      %get3A_417 = arith.constant 0 : index
      %get3A_418 = arith.constant 0 : index
      %get3A_419 = vector.load %arg10[%get3A_417, %get3A_418] : memref<256x3xf32, #tpu.memory_space<vmem>>, vector<256x3xf32>
      %dot_general3A_420 = arith.constant dense<0.000000e+00> : vector<256x512xf32>
      %dot_general3A_421 = tpu.matmul %get3A_419, %get3A_378, %dot_general3A_420 {dimension_numbers = #tpu.dot_dimension_numbers<[1], [0], [0], [1], [0, 0, 1, 1], [], []>, transpose_lhs_hint = false} : vector<256x3xf32>, vector<3x512xf32>, vector<256x512xf32> -> vector<256x512xf32>
      %get3A_422 = arith.constant 0 : index
      %get3A_423 = arith.constant 0 : index
      %get3A_424 = vector.load %arg11[%get3A_422, %get3A_423] : memref<256x1xf32, #tpu.memory_space<vmem>>, vector<256x1xf32>
      %add3A_425 = vector.broadcast %get3A_424 : vector<256x1xf32> to vector<256x512xf32>
      %add3A_426 = arith.addf %dot_general3A_421, %add3A_425 : vector<256x512xf32>
      %max3A_427 = arith.constant 0.000000e+00 : f32
      %max3A_428 = vector.broadcast %max3A_427 : f32 to vector<256x512xf32>
      %max3A_429 = arith.maximumf %add3A_426, %max3A_428 : vector<256x512xf32>
      %get3A_430 = arith.constant 0 : index
      %get3A_431 = arith.constant 0 : index
      %get3A_432 = vector.load %arg12[%get3A_430, %get3A_431] : memref<256x256xf32, #tpu.memory_space<vmem>>, vector<256x256xf32>
      %dot_general3A_433 = arith.constant dense<0.000000e+00> : vector<256x512xf32>
      %dot_general3A_434 = tpu.matmul %get3A_432, %max3A_429, %dot_general3A_433 {dimension_numbers = #tpu.dot_dimension_numbers<[1], [0], [0], [1], [0, 0, 1, 1], [], []>, transpose_lhs_hint = false} : vector<256x256xf32>, vector<256x512xf32>, vector<256x512xf32> -> vector<256x512xf32>
      %get3A_435 = arith.constant 0 : index
      %get3A_436 = arith.constant 0 : index
      %get3A_437 = vector.load %arg13[%get3A_435, %get3A_436] : memref<256x1xf32, #tpu.memory_space<vmem>>, vector<256x1xf32>
      %add3A_438 = vector.broadcast %get3A_437 : vector<256x1xf32> to vector<256x512xf32>
      %add3A_439 = arith.addf %dot_general3A_434, %add3A_438 : vector<256x512xf32>
      %max3A_440 = arith.constant 0.000000e+00 : f32
      %max3A_441 = vector.broadcast %max3A_440 : f32 to vector<256x512xf32>
      %max3A_442 = arith.maximumf %add3A_439, %max3A_441 : vector<256x512xf32>
      %get3A_443 = arith.constant 0 : index
      %get3A_444 = arith.constant 0 : index
      %get3A_445 = vector.load %arg14[%get3A_443, %get3A_444] : memref<9x256xf32, #tpu.memory_space<vmem>>, vector<9x256xf32>
      %dot_general3A_446 = arith.constant dense<0.000000e+00> : vector<9x512xf32>
      %dot_general3A_447 = tpu.matmul %get3A_445, %max3A_442, %dot_general3A_446 {dimension_numbers = #tpu.dot_dimension_numbers<[1], [0], [0], [1], [0, 0, 1, 1], [], []>, transpose_lhs_hint = false} : vector<9x256xf32>, vector<256x512xf32>, vector<9x512xf32> -> vector<9x512xf32>
      %get3A_448 = arith.constant 0 : index
      %get3A_449 = arith.constant 0 : index
      %get3A_450 = vector.load %arg15[%get3A_448, %get3A_449] : memref<9x1xf32, #tpu.memory_space<vmem>>, vector<9x1xf32>
      %add3A_451 = vector.broadcast %get3A_450 : vector<9x1xf32> to vector<9x512xf32>
      %add3A_452 = arith.addf %dot_general3A_447, %add3A_451 : vector<9x512xf32>
      %swap3A_453 = arith.constant 0 : index
      %swap3A_454 = arith.constant 3584 : index
      %swap3A_455 = vector.load %arg19[%swap3A_453, %swap3A_454] : memref<9x8192xf32, #tpu.memory_space<vmem>>, vector<9x512xf32>
      tpu.vector_store %arg19[%swap3A_453, %swap3A_454], %add3A_452 {strides = array<i32>} : memref<9x8192xf32, #tpu.memory_space<vmem>>, vector<9x512xf32>,
    } else {
    }
    %get3A_68 = arith.index_cast %arg0 : i32 to index
    %get3A_69 = arith.constant 4 : index
    %get3A_70 = arith.constant 0 : index
    %get3A_71 = memref.load %arg1[%get3A_68, %get3A_69, %get3A_70] : memref<4x8x16xi32, #tpu.memory_space<smem>>
    %gt3A_72 = arith.constant 0 : i32
    %gt3A_73 = arith.cmpi sgt, %get3A_71, %gt3A_72 : i32
    %convert_element_type3A_74 = arith.extui %gt3A_73 : i1 to i32
    %cond3A_75 = arith.constant 0 : i32
    %cond3A_76 = arith.cmpi ne, %convert_element_type3A_74, %cond3A_75 : i32
    scf.if %cond3A_76 {
      %get3A_374 = arith.constant 0 : index
      %get3A_375 = arith.constant 0 : index
      %get3A_376 = arith.constant 4096 : index
      %get3A_377 = vector.load %arg3[%get3A_374, %get3A_375, %get3A_376] : memref<1x3x8192xf32, #tpu.memory_space<vmem>>, vector<1x3x512xf32>
      %get3A_378 = vector.shape_cast %get3A_377 : vector<1x3x512xf32> to vector<3x512xf32>
      %get3A_379 = arith.constant 0 : index
      %get3A_380 = arith.constant 0 : index
      %get3A_381 = vector.load %arg4[%get3A_379, %get3A_380] : memref<256x3xf32, #tpu.memory_space<vmem>>, vector<256x3xf32>
      %dot_general3A = arith.constant dense<0.000000e+00> : vector<256x512xf32>
      %dot_general3A_382 = tpu.matmul %get3A_381, %get3A_378, %dot_general3A {dimension_numbers = #tpu.dot_dimension_numbers<[1], [0], [0], [1], [0, 0, 1, 1], [], []>, transpose_lhs_hint = false} : vector<256x3xf32>, vector<3x512xf32>, vector<256x512xf32> -> vector<256x512xf32>
      %get3A_383 = arith.constant 0 : index
      %get3A_384 = arith.constant 0 : index
      %get3A_385 = vector.load %arg5[%get3A_383, %get3A_384] : memref<256x1xf32, #tpu.memory_space<vmem>>, vector<256x1xf32>
      %add3A_386 = vector.broadcast %get3A_385 : vector<256x1xf32> to vector<256x512xf32>
      %add3A_387 = arith.addf %dot_general3A_382, %add3A_386 : vector<256x512xf32>
      %max3A_388 = arith.constant 0.000000e+00 : f32
      %max3A_389 = vector.broadcast %max3A_388 : f32 to vector<256x512xf32>
      %max3A_390 = arith.maximumf %add3A_387, %max3A_389 : vector<256x512xf32>
      %get3A_391 = arith.constant 0 : index
      %get3A_392 = arith.constant 0 : index
      %get3A_393 = vector.load %arg6[%get3A_391, %get3A_392] : memref<256x256xf32, #tpu.memory_space<vmem>>, vector<256x256xf32>
      %dot_general3A_394 = arith.constant dense<0.000000e+00> : vector<256x512xf32>
      %dot_general3A_395 = tpu.matmul %get3A_393, %max3A_390, %dot_general3A_394 {dimension_numbers = #tpu.dot_dimension_numbers<[1], [0], [0], [1], [0, 0, 1, 1], [], []>, transpose_lhs_hint = false} : vector<256x256xf32>, vector<256x512xf32>, vector<256x512xf32> -> vector<256x512xf32>
      %get3A_396 = arith.constant 0 : index
      %get3A_397 = arith.constant 0 : index
      %get3A_398 = vector.load %arg7[%get3A_396, %get3A_397] : memref<256x1xf32, #tpu.memory_space<vmem>>, vector<256x1xf32>
      %add3A_399 = vector.broadcast %get3A_398 : vector<256x1xf32> to vector<256x512xf32>
      %add3A_400 = arith.addf %dot_general3A_395, %add3A_399 : vector<256x512xf32>
      %max3A_401 = arith.constant 0.000000e+00 : f32
      %max3A_402 = vector.broadcast %max3A_401 : f32 to vector<256x512xf32>
      %max3A_403 = arith.maximumf %add3A_400, %max3A_402 : vector<256x512xf32>
      %get3A_404 = arith.constant 0 : index
      %get3A_405 = arith.constant 0 : index
      %get3A_406 = vector.load %arg8[%get3A_404, %get3A_405] : memref<1x256xf32, #tpu.memory_space<vmem>>, vector<1x256xf32>
      %dot_general3A_407 = arith.constant dense<0.000000e+00> : vector<1x512xf32>
      %dot_general3A_408 = tpu.matmul %get3A_406, %max3A_403, %dot_general3A_407 {dimension_numbers = #tpu.dot_dimension_numbers<[1], [0], [0], [1], [0, 0, 1, 1], [], []>, transpose_lhs_hint = false} : vector<1x256xf32>, vector<256x512xf32>, vector<1x512xf32> -> vector<1x512xf32>
      %get3A_409 = arith.constant 0 : index
      %get3A_410 = arith.constant 0 : index
      %get3A_411 = vector.load %arg9[%get3A_409, %get3A_410] : memref<1x1xf32, #tpu.memory_space<vmem>>, vector<1x1xf32>
      %add3A_412 = vector.broadcast %get3A_411 : vector<1x1xf32> to vector<1x512xf32>
      %add3A_413 = arith.addf %dot_general3A_408, %add3A_412 : vector<1x512xf32>
      %swap3A_414 = arith.constant 0 : index
      %swap3A_415 = arith.constant 4096 : index
      %swap3A_416 = vector.load %arg18[%swap3A_414, %swap3A_415] : memref<1x8192xf32, #tpu.memory_space<vmem>>, vector<1x512xf32>
      tpu.vector_store %arg18[%swap3A_414, %swap3A_415], %add3A_413 {strides = array<i32>} : memref<1x8192xf32, #tpu.memory_space<vmem>>, vector<1x512xf32>,
      %get3A_417 = arith.constant 0 : index
      %get3A_418 = arith.constant 0 : index
      %get3A_419 = vector.load %arg10[%get3A_417, %get3A_418] : memref<256x3xf32, #tpu.memory_space<vmem>>, vector<256x3xf32>
      %dot_general3A_420 = arith.constant dense<0.000000e+00> : vector<256x512xf32>
      %dot_general3A_421 = tpu.matmul %get3A_419, %get3A_378, %dot_general3A_420 {dimension_numbers = #tpu.dot_dimension_numbers<[1], [0], [0], [1], [0, 0, 1, 1], [], []>, transpose_lhs_hint = false} : vector<256x3xf32>, vector<3x512xf32>, vector<256x512xf32> -> vector<256x512xf32>
      %get3A_422 = arith.constant 0 : index
      %get3A_423 = arith.constant 0 : index
      %get3A_424 = vector.load %arg11[%get3A_422, %get3A_423] : memref<256x1xf32, #tpu.memory_space<vmem>>, vector<256x1xf32>
      %add3A_425 = vector.broadcast %get3A_424 : vector<256x1xf32> to vector<256x512xf32>
      %add3A_426 = arith.addf %dot_general3A_421, %add3A_425 : vector<256x512xf32>
      %max3A_427 = arith.constant 0.000000e+00 : f32
      %max3A_428 = vector.broadcast %max3A_427 : f32 to vector<256x512xf32>
      %max3A_429 = arith.maximumf %add3A_426, %max3A_428 : vector<256x512xf32>
      %get3A_430 = arith.constant 0 : index
      %get3A_431 = arith.constant 0 : index
      %get3A_432 = vector.load %arg12[%get3A_430, %get3A_431] : memref<256x256xf32, #tpu.memory_space<vmem>>, vector<256x256xf32>
      %dot_general3A_433 = arith.constant dense<0.000000e+00> : vector<256x512xf32>
      %dot_general3A_434 = tpu.matmul %get3A_432, %max3A_429, %dot_general3A_433 {dimension_numbers = #tpu.dot_dimension_numbers<[1], [0], [0], [1], [0, 0, 1, 1], [], []>, transpose_lhs_hint = false} : vector<256x256xf32>, vector<256x512xf32>, vector<256x512xf32> -> vector<256x512xf32>
      %get3A_435 = arith.constant 0 : index
      %get3A_436 = arith.constant 0 : index
      %get3A_437 = vector.load %arg13[%get3A_435, %get3A_436] : memref<256x1xf32, #tpu.memory_space<vmem>>, vector<256x1xf32>
      %add3A_438 = vector.broadcast %get3A_437 : vector<256x1xf32> to vector<256x512xf32>
      %add3A_439 = arith.addf %dot_general3A_434, %add3A_438 : vector<256x512xf32>
      %max3A_440 = arith.constant 0.000000e+00 : f32
      %max3A_441 = vector.broadcast %max3A_440 : f32 to vector<256x512xf32>
      %max3A_442 = arith.maximumf %add3A_439, %max3A_441 : vector<256x512xf32>
      %get3A_443 = arith.constant 0 : index
      %get3A_444 = arith.constant 0 : index
      %get3A_445 = vector.load %arg14[%get3A_443, %get3A_444] : memref<9x256xf32, #tpu.memory_space<vmem>>, vector<9x256xf32>
      %dot_general3A_446 = arith.constant dense<0.000000e+00> : vector<9x512xf32>
      %dot_general3A_447 = tpu.matmul %get3A_445, %max3A_442, %dot_general3A_446 {dimension_numbers = #tpu.dot_dimension_numbers<[1], [0], [0], [1], [0, 0, 1, 1], [], []>, transpose_lhs_hint = false} : vector<9x256xf32>, vector<256x512xf32>, vector<9x512xf32> -> vector<9x512xf32>
      %get3A_448 = arith.constant 0 : index
      %get3A_449 = arith.constant 0 : index
      %get3A_450 = vector.load %arg15[%get3A_448, %get3A_449] : memref<9x1xf32, #tpu.memory_space<vmem>>, vector<9x1xf32>
      %add3A_451 = vector.broadcast %get3A_450 : vector<9x1xf32> to vector<9x512xf32>
      %add3A_452 = arith.addf %dot_general3A_447, %add3A_451 : vector<9x512xf32>
      %swap3A_453 = arith.constant 0 : index
      %swap3A_454 = arith.constant 4096 : index
      %swap3A_455 = vector.load %arg19[%swap3A_453, %swap3A_454] : memref<9x8192xf32, #tpu.memory_space<vmem>>, vector<9x512xf32>
      tpu.vector_store %arg19[%swap3A_453, %swap3A_454], %add3A_452 {strides = array<i32>} : memref<9x8192xf32, #tpu.memory_space<vmem>>, vector<9x512xf32>,
    } else {
    }
    %get3A_77 = arith.index_cast %arg0 : i32 to index
    %get3A_78 = arith.constant 4 : index
    %get3A_79 = arith.constant 0 : index
    %get3A_80 = memref.load %arg1[%get3A_77, %get3A_78, %get3A_79] : memref<4x8x16xi32, #tpu.memory_space<smem>>
    %gt3A_81 = arith.constant 512 : i32
    %gt3A_82 = arith.cmpi sgt, %get3A_80, %gt3A_81 : i32
    %convert_element_type3A_83 = arith.extui %gt3A_82 : i1 to i32
    %cond3A_84 = arith.constant 0 : i32
    %cond3A_85 = arith.cmpi ne, %convert_element_type3A_83, %cond3A_84 : i32
    scf.if %cond3A_85 {
      %get3A_374 = arith.constant 0 : index
      %get3A_375 = arith.constant 0 : index
      %get3A_376 = arith.constant 4608 : index
      %get3A_377 = vector.load %arg3[%get3A_374, %get3A_375, %get3A_376] : memref<1x3x8192xf32, #tpu.memory_space<vmem>>, vector<1x3x512xf32>
      %get3A_378 = vector.shape_cast %get3A_377 : vector<1x3x512xf32> to vector<3x512xf32>
      %get3A_379 = arith.constant 0 : index
      %get3A_380 = arith.constant 0 : index
      %get3A_381 = vector.load %arg4[%get3A_379, %get3A_380] : memref<256x3xf32, #tpu.memory_space<vmem>>, vector<256x3xf32>
      %dot_general3A = arith.constant dense<0.000000e+00> : vector<256x512xf32>
      %dot_general3A_382 = tpu.matmul %get3A_381, %get3A_378, %dot_general3A {dimension_numbers = #tpu.dot_dimension_numbers<[1], [0], [0], [1], [0, 0, 1, 1], [], []>, transpose_lhs_hint = false} : vector<256x3xf32>, vector<3x512xf32>, vector<256x512xf32> -> vector<256x512xf32>
      %get3A_383 = arith.constant 0 : index
      %get3A_384 = arith.constant 0 : index
      %get3A_385 = vector.load %arg5[%get3A_383, %get3A_384] : memref<256x1xf32, #tpu.memory_space<vmem>>, vector<256x1xf32>
      %add3A_386 = vector.broadcast %get3A_385 : vector<256x1xf32> to vector<256x512xf32>
      %add3A_387 = arith.addf %dot_general3A_382, %add3A_386 : vector<256x512xf32>
      %max3A_388 = arith.constant 0.000000e+00 : f32
      %max3A_389 = vector.broadcast %max3A_388 : f32 to vector<256x512xf32>
      %max3A_390 = arith.maximumf %add3A_387, %max3A_389 : vector<256x512xf32>
      %get3A_391 = arith.constant 0 : index
      %get3A_392 = arith.constant 0 : index
      %get3A_393 = vector.load %arg6[%get3A_391, %get3A_392] : memref<256x256xf32, #tpu.memory_space<vmem>>, vector<256x256xf32>
      %dot_general3A_394 = arith.constant dense<0.000000e+00> : vector<256x512xf32>
      %dot_general3A_395 = tpu.matmul %get3A_393, %max3A_390, %dot_general3A_394 {dimension_numbers = #tpu.dot_dimension_numbers<[1], [0], [0], [1], [0, 0, 1, 1], [], []>, transpose_lhs_hint = false} : vector<256x256xf32>, vector<256x512xf32>, vector<256x512xf32> -> vector<256x512xf32>
      %get3A_396 = arith.constant 0 : index
      %get3A_397 = arith.constant 0 : index
      %get3A_398 = vector.load %arg7[%get3A_396, %get3A_397] : memref<256x1xf32, #tpu.memory_space<vmem>>, vector<256x1xf32>
      %add3A_399 = vector.broadcast %get3A_398 : vector<256x1xf32> to vector<256x512xf32>
      %add3A_400 = arith.addf %dot_general3A_395, %add3A_399 : vector<256x512xf32>
      %max3A_401 = arith.constant 0.000000e+00 : f32
      %max3A_402 = vector.broadcast %max3A_401 : f32 to vector<256x512xf32>
      %max3A_403 = arith.maximumf %add3A_400, %max3A_402 : vector<256x512xf32>
      %get3A_404 = arith.constant 0 : index
      %get3A_405 = arith.constant 0 : index
      %get3A_406 = vector.load %arg8[%get3A_404, %get3A_405] : memref<1x256xf32, #tpu.memory_space<vmem>>, vector<1x256xf32>
      %dot_general3A_407 = arith.constant dense<0.000000e+00> : vector<1x512xf32>
      %dot_general3A_408 = tpu.matmul %get3A_406, %max3A_403, %dot_general3A_407 {dimension_numbers = #tpu.dot_dimension_numbers<[1], [0], [0], [1], [0, 0, 1, 1], [], []>, transpose_lhs_hint = false} : vector<1x256xf32>, vector<256x512xf32>, vector<1x512xf32> -> vector<1x512xf32>
      %get3A_409 = arith.constant 0 : index
      %get3A_410 = arith.constant 0 : index
      %get3A_411 = vector.load %arg9[%get3A_409, %get3A_410] : memref<1x1xf32, #tpu.memory_space<vmem>>, vector<1x1xf32>
      %add3A_412 = vector.broadcast %get3A_411 : vector<1x1xf32> to vector<1x512xf32>
      %add3A_413 = arith.addf %dot_general3A_408, %add3A_412 : vector<1x512xf32>
      %swap3A_414 = arith.constant 0 : index
      %swap3A_415 = arith.constant 4608 : index
      %swap3A_416 = vector.load %arg18[%swap3A_414, %swap3A_415] : memref<1x8192xf32, #tpu.memory_space<vmem>>, vector<1x512xf32>
      tpu.vector_store %arg18[%swap3A_414, %swap3A_415], %add3A_413 {strides = array<i32>} : memref<1x8192xf32, #tpu.memory_space<vmem>>, vector<1x512xf32>,
      %get3A_417 = arith.constant 0 : index
      %get3A_418 = arith.constant 0 : index
      %get3A_419 = vector.load %arg10[%get3A_417, %get3A_418] : memref<256x3xf32, #tpu.memory_space<vmem>>, vector<256x3xf32>
      %dot_general3A_420 = arith.constant dense<0.000000e+00> : vector<256x512xf32>
      %dot_general3A_421 = tpu.matmul %get3A_419, %get3A_378, %dot_general3A_420 {dimension_numbers = #tpu.dot_dimension_numbers<[1], [0], [0], [1], [0, 0, 1, 1], [], []>, transpose_lhs_hint = false} : vector<256x3xf32>, vector<3x512xf32>, vector<256x512xf32> -> vector<256x512xf32>
      %get3A_422 = arith.constant 0 : index
      %get3A_423 = arith.constant 0 : index
      %get3A_424 = vector.load %arg11[%get3A_422, %get3A_423] : memref<256x1xf32, #tpu.memory_space<vmem>>, vector<256x1xf32>
      %add3A_425 = vector.broadcast %get3A_424 : vector<256x1xf32> to vector<256x512xf32>
      %add3A_426 = arith.addf %dot_general3A_421, %add3A_425 : vector<256x512xf32>
      %max3A_427 = arith.constant 0.000000e+00 : f32
      %max3A_428 = vector.broadcast %max3A_427 : f32 to vector<256x512xf32>
      %max3A_429 = arith.maximumf %add3A_426, %max3A_428 : vector<256x512xf32>
      %get3A_430 = arith.constant 0 : index
      %get3A_431 = arith.constant 0 : index
      %get3A_432 = vector.load %arg12[%get3A_430, %get3A_431] : memref<256x256xf32, #tpu.memory_space<vmem>>, vector<256x256xf32>
      %dot_general3A_433 = arith.constant dense<0.000000e+00> : vector<256x512xf32>
      %dot_general3A_434 = tpu.matmul %get3A_432, %max3A_429, %dot_general3A_433 {dimension_numbers = #tpu.dot_dimension_numbers<[1], [0], [0], [1], [0, 0, 1, 1], [], []>, transpose_lhs_hint = false} : vector<256x256xf32>, vector<256x512xf32>, vector<256x512xf32> -> vector<256x512xf32>
      %get3A_435 = arith.constant 0 : index
      %get3A_436 = arith.constant 0 : index
      %get3A_437 = vector.load %arg13[%get3A_435, %get3A_436] : memref<256x1xf32, #tpu.memory_space<vmem>>, vector<256x1xf32>
      %add3A_438 = vector.broadcast %get3A_437 : vector<256x1xf32> to vector<256x512xf32>
      %add3A_439 = arith.addf %dot_general3A_434, %add3A_438 : vector<256x512xf32>
      %max3A_440 = arith.constant 0.000000e+00 : f32
      %max3A_441 = vector.broadcast %max3A_440 : f32 to vector<256x512xf32>
      %max3A_442 = arith.maximumf %add3A_439, %max3A_441 : vector<256x512xf32>
      %get3A_443 = arith.constant 0 : index
      %get3A_444 = arith.constant 0 : index
      %get3A_445 = vector.load %arg14[%get3A_443, %get3A_444] : memref<9x256xf32, #tpu.memory_space<vmem>>, vector<9x256xf32>
      %dot_general3A_446 = arith.constant dense<0.000000e+00> : vector<9x512xf32>
      %dot_general3A_447 = tpu.matmul %get3A_445, %max3A_442, %dot_general3A_446 {dimension_numbers = #tpu.dot_dimension_numbers<[1], [0], [0], [1], [0, 0, 1, 1], [], []>, transpose_lhs_hint = false} : vector<9x256xf32>, vector<256x512xf32>, vector<9x512xf32> -> vector<9x512xf32>
      %get3A_448 = arith.constant 0 : index
      %get3A_449 = arith.constant 0 : index
      %get3A_450 = vector.load %arg15[%get3A_448, %get3A_449] : memref<9x1xf32, #tpu.memory_space<vmem>>, vector<9x1xf32>
      %add3A_451 = vector.broadcast %get3A_450 : vector<9x1xf32> to vector<9x512xf32>
      %add3A_452 = arith.addf %dot_general3A_447, %add3A_451 : vector<9x512xf32>
      %swap3A_453 = arith.constant 0 : index
      %swap3A_454 = arith.constant 4608 : index
      %swap3A_455 = vector.load %arg19[%swap3A_453, %swap3A_454] : memref<9x8192xf32, #tpu.memory_space<vmem>>, vector<9x512xf32>
      tpu.vector_store %arg19[%swap3A_453, %swap3A_454], %add3A_452 {strides = array<i32>} : memref<9x8192xf32, #tpu.memory_space<vmem>>, vector<9x512xf32>,
    } else {
    }
    %get3A_86 = arith.index_cast %arg0 : i32 to index
    %get3A_87 = arith.constant 5 : index
    %get3A_88 = arith.constant 0 : index
    %get3A_89 = memref.load %arg1[%get3A_86, %get3A_87, %get3A_88] : memref<4x8x16xi32, #tpu.memory_space<smem>>
    %gt3A_90 = arith.constant 0 : i32
    %gt3A_91 = arith.cmpi sgt, %get3A_89, %gt3A_90 : i32
    %convert_element_type3A_92 = arith.extui %gt3A_91 : i1 to i32
    %cond3A_93 = arith.constant 0 : i32
    %cond3A_94 = arith.cmpi ne, %convert_element_type3A_92, %cond3A_93 : i32
    scf.if %cond3A_94 {
      %get3A_374 = arith.constant 0 : index
      %get3A_375 = arith.constant 0 : index
      %get3A_376 = arith.constant 5120 : index
      %get3A_377 = vector.load %arg3[%get3A_374, %get3A_375, %get3A_376] : memref<1x3x8192xf32, #tpu.memory_space<vmem>>, vector<1x3x512xf32>
      %get3A_378 = vector.shape_cast %get3A_377 : vector<1x3x512xf32> to vector<3x512xf32>
      %get3A_379 = arith.constant 0 : index
      %get3A_380 = arith.constant 0 : index
      %get3A_381 = vector.load %arg4[%get3A_379, %get3A_380] : memref<256x3xf32, #tpu.memory_space<vmem>>, vector<256x3xf32>
      %dot_general3A = arith.constant dense<0.000000e+00> : vector<256x512xf32>
      %dot_general3A_382 = tpu.matmul %get3A_381, %get3A_378, %dot_general3A {dimension_numbers = #tpu.dot_dimension_numbers<[1], [0], [0], [1], [0, 0, 1, 1], [], []>, transpose_lhs_hint = false} : vector<256x3xf32>, vector<3x512xf32>, vector<256x512xf32> -> vector<256x512xf32>
      %get3A_383 = arith.constant 0 : index
      %get3A_384 = arith.constant 0 : index
      %get3A_385 = vector.load %arg5[%get3A_383, %get3A_384] : memref<256x1xf32, #tpu.memory_space<vmem>>, vector<256x1xf32>
      %add3A_386 = vector.broadcast %get3A_385 : vector<256x1xf32> to vector<256x512xf32>
      %add3A_387 = arith.addf %dot_general3A_382, %add3A_386 : vector<256x512xf32>
      %max3A_388 = arith.constant 0.000000e+00 : f32
      %max3A_389 = vector.broadcast %max3A_388 : f32 to vector<256x512xf32>
      %max3A_390 = arith.maximumf %add3A_387, %max3A_389 : vector<256x512xf32>
      %get3A_391 = arith.constant 0 : index
      %get3A_392 = arith.constant 0 : index
      %get3A_393 = vector.load %arg6[%get3A_391, %get3A_392] : memref<256x256xf32, #tpu.memory_space<vmem>>, vector<256x256xf32>
      %dot_general3A_394 = arith.constant dense<0.000000e+00> : vector<256x512xf32>
      %dot_general3A_395 = tpu.matmul %get3A_393, %max3A_390, %dot_general3A_394 {dimension_numbers = #tpu.dot_dimension_numbers<[1], [0], [0], [1], [0, 0, 1, 1], [], []>, transpose_lhs_hint = false} : vector<256x256xf32>, vector<256x512xf32>, vector<256x512xf32> -> vector<256x512xf32>
      %get3A_396 = arith.constant 0 : index
      %get3A_397 = arith.constant 0 : index
      %get3A_398 = vector.load %arg7[%get3A_396, %get3A_397] : memref<256x1xf32, #tpu.memory_space<vmem>>, vector<256x1xf32>
      %add3A_399 = vector.broadcast %get3A_398 : vector<256x1xf32> to vector<256x512xf32>
      %add3A_400 = arith.addf %dot_general3A_395, %add3A_399 : vector<256x512xf32>
      %max3A_401 = arith.constant 0.000000e+00 : f32
      %max3A_402 = vector.broadcast %max3A_401 : f32 to vector<256x512xf32>
      %max3A_403 = arith.maximumf %add3A_400, %max3A_402 : vector<256x512xf32>
      %get3A_404 = arith.constant 0 : index
      %get3A_405 = arith.constant 0 : index
      %get3A_406 = vector.load %arg8[%get3A_404, %get3A_405] : memref<1x256xf32, #tpu.memory_space<vmem>>, vector<1x256xf32>
      %dot_general3A_407 = arith.constant dense<0.000000e+00> : vector<1x512xf32>
      %dot_general3A_408 = tpu.matmul %get3A_406, %max3A_403, %dot_general3A_407 {dimension_numbers = #tpu.dot_dimension_numbers<[1], [0], [0], [1], [0, 0, 1, 1], [], []>, transpose_lhs_hint = false} : vector<1x256xf32>, vector<256x512xf32>, vector<1x512xf32> -> vector<1x512xf32>
      %get3A_409 = arith.constant 0 : index
      %get3A_410 = arith.constant 0 : index
      %get3A_411 = vector.load %arg9[%get3A_409, %get3A_410] : memref<1x1xf32, #tpu.memory_space<vmem>>, vector<1x1xf32>
      %add3A_412 = vector.broadcast %get3A_411 : vector<1x1xf32> to vector<1x512xf32>
      %add3A_413 = arith.addf %dot_general3A_408, %add3A_412 : vector<1x512xf32>
      %swap3A_414 = arith.constant 0 : index
      %swap3A_415 = arith.constant 5120 : index
      %swap3A_416 = vector.load %arg18[%swap3A_414, %swap3A_415] : memref<1x8192xf32, #tpu.memory_space<vmem>>, vector<1x512xf32>
      tpu.vector_store %arg18[%swap3A_414, %swap3A_415], %add3A_413 {strides = array<i32>} : memref<1x8192xf32, #tpu.memory_space<vmem>>, vector<1x512xf32>,
      %get3A_417 = arith.constant 0 : index
      %get3A_418 = arith.constant 0 : index
      %get3A_419 = vector.load %arg10[%get3A_417, %get3A_418] : memref<256x3xf32, #tpu.memory_space<vmem>>, vector<256x3xf32>
      %dot_general3A_420 = arith.constant dense<0.000000e+00> : vector<256x512xf32>
      %dot_general3A_421 = tpu.matmul %get3A_419, %get3A_378, %dot_general3A_420 {dimension_numbers = #tpu.dot_dimension_numbers<[1], [0], [0], [1], [0, 0, 1, 1], [], []>, transpose_lhs_hint = false} : vector<256x3xf32>, vector<3x512xf32>, vector<256x512xf32> -> vector<256x512xf32>
      %get3A_422 = arith.constant 0 : index
      %get3A_423 = arith.constant 0 : index
      %get3A_424 = vector.load %arg11[%get3A_422, %get3A_423] : memref<256x1xf32, #tpu.memory_space<vmem>>, vector<256x1xf32>
      %add3A_425 = vector.broadcast %get3A_424 : vector<256x1xf32> to vector<256x512xf32>
      %add3A_426 = arith.addf %dot_general3A_421, %add3A_425 : vector<256x512xf32>
      %max3A_427 = arith.constant 0.000000e+00 : f32
      %max3A_428 = vector.broadcast %max3A_427 : f32 to vector<256x512xf32>
      %max3A_429 = arith.maximumf %add3A_426, %max3A_428 : vector<256x512xf32>
      %get3A_430 = arith.constant 0 : index
      %get3A_431 = arith.constant 0 : index
      %get3A_432 = vector.load %arg12[%get3A_430, %get3A_431] : memref<256x256xf32, #tpu.memory_space<vmem>>, vector<256x256xf32>
      %dot_general3A_433 = arith.constant dense<0.000000e+00> : vector<256x512xf32>
      %dot_general3A_434 = tpu.matmul %get3A_432, %max3A_429, %dot_general3A_433 {dimension_numbers = #tpu.dot_dimension_numbers<[1], [0], [0], [1], [0, 0, 1, 1], [], []>, transpose_lhs_hint = false} : vector<256x256xf32>, vector<256x512xf32>, vector<256x512xf32> -> vector<256x512xf32>
      %get3A_435 = arith.constant 0 : index
      %get3A_436 = arith.constant 0 : index
      %get3A_437 = vector.load %arg13[%get3A_435, %get3A_436] : memref<256x1xf32, #tpu.memory_space<vmem>>, vector<256x1xf32>
      %add3A_438 = vector.broadcast %get3A_437 : vector<256x1xf32> to vector<256x512xf32>
      %add3A_439 = arith.addf %dot_general3A_434, %add3A_438 : vector<256x512xf32>
      %max3A_440 = arith.constant 0.000000e+00 : f32
      %max3A_441 = vector.broadcast %max3A_440 : f32 to vector<256x512xf32>
      %max3A_442 = arith.maximumf %add3A_439, %max3A_441 : vector<256x512xf32>
      %get3A_443 = arith.constant 0 : index
      %get3A_444 = arith.constant 0 : index
      %get3A_445 = vector.load %arg14[%get3A_443, %get3A_444] : memref<9x256xf32, #tpu.memory_space<vmem>>, vector<9x256xf32>
      %dot_general3A_446 = arith.constant dense<0.000000e+00> : vector<9x512xf32>
      %dot_general3A_447 = tpu.matmul %get3A_445, %max3A_442, %dot_general3A_446 {dimension_numbers = #tpu.dot_dimension_numbers<[1], [0], [0], [1], [0, 0, 1, 1], [], []>, transpose_lhs_hint = false} : vector<9x256xf32>, vector<256x512xf32>, vector<9x512xf32> -> vector<9x512xf32>
      %get3A_448 = arith.constant 0 : index
      %get3A_449 = arith.constant 0 : index
      %get3A_450 = vector.load %arg15[%get3A_448, %get3A_449] : memref<9x1xf32, #tpu.memory_space<vmem>>, vector<9x1xf32>
      %add3A_451 = vector.broadcast %get3A_450 : vector<9x1xf32> to vector<9x512xf32>
      %add3A_452 = arith.addf %dot_general3A_447, %add3A_451 : vector<9x512xf32>
      %swap3A_453 = arith.constant 0 : index
      %swap3A_454 = arith.constant 5120 : index
      %swap3A_455 = vector.load %arg19[%swap3A_453, %swap3A_454] : memref<9x8192xf32, #tpu.memory_space<vmem>>, vector<9x512xf32>
      tpu.vector_store %arg19[%swap3A_453, %swap3A_454], %add3A_452 {strides = array<i32>} : memref<9x8192xf32, #tpu.memory_space<vmem>>, vector<9x512xf32>,
    } else {
    }
    %get3A_95 = arith.index_cast %arg0 : i32 to index
    %get3A_96 = arith.constant 5 : index
    %get3A_97 = arith.constant 0 : index
    %get3A_98 = memref.load %arg1[%get3A_95, %get3A_96, %get3A_97] : memref<4x8x16xi32, #tpu.memory_space<smem>>
    %gt3A_99 = arith.constant 512 : i32
    %gt3A_100 = arith.cmpi sgt, %get3A_98, %gt3A_99 : i32
    %convert_element_type3A_101 = arith.extui %gt3A_100 : i1 to i32
    %cond3A_102 = arith.constant 0 : i32
    %cond3A_103 = arith.cmpi ne, %convert_element_type3A_101, %cond3A_102 : i32
    scf.if %cond3A_103 {
      %get3A_374 = arith.constant 0 : index
      %get3A_375 = arith.constant 0 : index
      %get3A_376 = arith.constant 5632 : index
      %get3A_377 = vector.load %arg3[%get3A_374, %get3A_375, %get3A_376] : memref<1x3x8192xf32, #tpu.memory_space<vmem>>, vector<1x3x512xf32>
      %get3A_378 = vector.shape_cast %get3A_377 : vector<1x3x512xf32> to vector<3x512xf32>
      %get3A_379 = arith.constant 0 : index
      %get3A_380 = arith.constant 0 : index
      %get3A_381 = vector.load %arg4[%get3A_379, %get3A_380] : memref<256x3xf32, #tpu.memory_space<vmem>>, vector<256x3xf32>
      %dot_general3A = arith.constant dense<0.000000e+00> : vector<256x512xf32>
      %dot_general3A_382 = tpu.matmul %get3A_381, %get3A_378, %dot_general3A {dimension_numbers = #tpu.dot_dimension_numbers<[1], [0], [0], [1], [0, 0, 1, 1], [], []>, transpose_lhs_hint = false} : vector<256x3xf32>, vector<3x512xf32>, vector<256x512xf32> -> vector<256x512xf32>
      %get3A_383 = arith.constant 0 : index
      %get3A_384 = arith.constant 0 : index
      %get3A_385 = vector.load %arg5[%get3A_383, %get3A_384] : memref<256x1xf32, #tpu.memory_space<vmem>>, vector<256x1xf32>
      %add3A_386 = vector.broadcast %get3A_385 : vector<256x1xf32> to vector<256x512xf32>
      %add3A_387 = arith.addf %dot_general3A_382, %add3A_386 : vector<256x512xf32>
      %max3A_388 = arith.constant 0.000000e+00 : f32
      %max3A_389 = vector.broadcast %max3A_388 : f32 to vector<256x512xf32>
      %max3A_390 = arith.maximumf %add3A_387, %max3A_389 : vector<256x512xf32>
      %get3A_391 = arith.constant 0 : index
      %get3A_392 = arith.constant 0 : index
      %get3A_393 = vector.load %arg6[%get3A_391, %get3A_392] : memref<256x256xf32, #tpu.memory_space<vmem>>, vector<256x256xf32>
      %dot_general3A_394 = arith.constant dense<0.000000e+00> : vector<256x512xf32>
      %dot_general3A_395 = tpu.matmul %get3A_393, %max3A_390, %dot_general3A_394 {dimension_numbers = #tpu.dot_dimension_numbers<[1], [0], [0], [1], [0, 0, 1, 1], [], []>, transpose_lhs_hint = false} : vector<256x256xf32>, vector<256x512xf32>, vector<256x512xf32> -> vector<256x512xf32>
      %get3A_396 = arith.constant 0 : index
      %get3A_397 = arith.constant 0 : index
      %get3A_398 = vector.load %arg7[%get3A_396, %get3A_397] : memref<256x1xf32, #tpu.memory_space<vmem>>, vector<256x1xf32>
      %add3A_399 = vector.broadcast %get3A_398 : vector<256x1xf32> to vector<256x512xf32>
      %add3A_400 = arith.addf %dot_general3A_395, %add3A_399 : vector<256x512xf32>
      %max3A_401 = arith.constant 0.000000e+00 : f32
      %max3A_402 = vector.broadcast %max3A_401 : f32 to vector<256x512xf32>
      %max3A_403 = arith.maximumf %add3A_400, %max3A_402 : vector<256x512xf32>
      %get3A_404 = arith.constant 0 : index
      %get3A_405 = arith.constant 0 : index
      %get3A_406 = vector.load %arg8[%get3A_404, %get3A_405] : memref<1x256xf32, #tpu.memory_space<vmem>>, vector<1x256xf32>
      %dot_general3A_407 = arith.constant dense<0.000000e+00> : vector<1x512xf32>
      %dot_general3A_408 = tpu.matmul %get3A_406, %max3A_403, %dot_general3A_407 {dimension_numbers = #tpu.dot_dimension_numbers<[1], [0], [0], [1], [0, 0, 1, 1], [], []>, transpose_lhs_hint = false} : vector<1x256xf32>, vector<256x512xf32>, vector<1x512xf32> -> vector<1x512xf32>
      %get3A_409 = arith.constant 0 : index
      %get3A_410 = arith.constant 0 : index
      %get3A_411 = vector.load %arg9[%get3A_409, %get3A_410] : memref<1x1xf32, #tpu.memory_space<vmem>>, vector<1x1xf32>
      %add3A_412 = vector.broadcast %get3A_411 : vector<1x1xf32> to vector<1x512xf32>
      %add3A_413 = arith.addf %dot_general3A_408, %add3A_412 : vector<1x512xf32>
      %swap3A_414 = arith.constant 0 : index
      %swap3A_415 = arith.constant 5632 : index
      %swap3A_416 = vector.load %arg18[%swap3A_414, %swap3A_415] : memref<1x8192xf32, #tpu.memory_space<vmem>>, vector<1x512xf32>
      tpu.vector_store %arg18[%swap3A_414, %swap3A_415], %add3A_413 {strides = array<i32>} : memref<1x8192xf32, #tpu.memory_space<vmem>>, vector<1x512xf32>,
      %get3A_417 = arith.constant 0 : index
      %get3A_418 = arith.constant 0 : index
      %get3A_419 = vector.load %arg10[%get3A_417, %get3A_418] : memref<256x3xf32, #tpu.memory_space<vmem>>, vector<256x3xf32>
      %dot_general3A_420 = arith.constant dense<0.000000e+00> : vector<256x512xf32>
      %dot_general3A_421 = tpu.matmul %get3A_419, %get3A_378, %dot_general3A_420 {dimension_numbers = #tpu.dot_dimension_numbers<[1], [0], [0], [1], [0, 0, 1, 1], [], []>, transpose_lhs_hint = false} : vector<256x3xf32>, vector<3x512xf32>, vector<256x512xf32> -> vector<256x512xf32>
      %get3A_422 = arith.constant 0 : index
      %get3A_423 = arith.constant 0 : index
      %get3A_424 = vector.load %arg11[%get3A_422, %get3A_423] : memref<256x1xf32, #tpu.memory_space<vmem>>, vector<256x1xf32>
      %add3A_425 = vector.broadcast %get3A_424 : vector<256x1xf32> to vector<256x512xf32>
      %add3A_426 = arith.addf %dot_general3A_421, %add3A_425 : vector<256x512xf32>
      %max3A_427 = arith.constant 0.000000e+00 : f32
      %max3A_428 = vector.broadcast %max3A_427 : f32 to vector<256x512xf32>
      %max3A_429 = arith.maximumf %add3A_426, %max3A_428 : vector<256x512xf32>
      %get3A_430 = arith.constant 0 : index
      %get3A_431 = arith.constant 0 : index
      %get3A_432 = vector.load %arg12[%get3A_430, %get3A_431] : memref<256x256xf32, #tpu.memory_space<vmem>>, vector<256x256xf32>
      %dot_general3A_433 = arith.constant dense<0.000000e+00> : vector<256x512xf32>
      %dot_general3A_434 = tpu.matmul %get3A_432, %max3A_429, %dot_general3A_433 {dimension_numbers = #tpu.dot_dimension_numbers<[1], [0], [0], [1], [0, 0, 1, 1], [], []>, transpose_lhs_hint = false} : vector<256x256xf32>, vector<256x512xf32>, vector<256x512xf32> -> vector<256x512xf32>
      %get3A_435 = arith.constant 0 : index
      %get3A_436 = arith.constant 0 : index
      %get3A_437 = vector.load %arg13[%get3A_435, %get3A_436] : memref<256x1xf32, #tpu.memory_space<vmem>>, vector<256x1xf32>
      %add3A_438 = vector.broadcast %get3A_437 : vector<256x1xf32> to vector<256x512xf32>
      %add3A_439 = arith.addf %dot_general3A_434, %add3A_438 : vector<256x512xf32>
      %max3A_440 = arith.constant 0.000000e+00 : f32
      %max3A_441 = vector.broadcast %max3A_440 : f32 to vector<256x512xf32>
      %max3A_442 = arith.maximumf %add3A_439, %max3A_441 : vector<256x512xf32>
      %get3A_443 = arith.constant 0 : index
      %get3A_444 = arith.constant 0 : index
      %get3A_445 = vector.load %arg14[%get3A_443, %get3A_444] : memref<9x256xf32, #tpu.memory_space<vmem>>, vector<9x256xf32>
      %dot_general3A_446 = arith.constant dense<0.000000e+00> : vector<9x512xf32>
      %dot_general3A_447 = tpu.matmul %get3A_445, %max3A_442, %dot_general3A_446 {dimension_numbers = #tpu.dot_dimension_numbers<[1], [0], [0], [1], [0, 0, 1, 1], [], []>, transpose_lhs_hint = false} : vector<9x256xf32>, vector<256x512xf32>, vector<9x512xf32> -> vector<9x512xf32>
      %get3A_448 = arith.constant 0 : index
      %get3A_449 = arith.constant 0 : index
      %get3A_450 = vector.load %arg15[%get3A_448, %get3A_449] : memref<9x1xf32, #tpu.memory_space<vmem>>, vector<9x1xf32>
      %add3A_451 = vector.broadcast %get3A_450 : vector<9x1xf32> to vector<9x512xf32>
      %add3A_452 = arith.addf %dot_general3A_447, %add3A_451 : vector<9x512xf32>
      %swap3A_453 = arith.constant 0 : index
      %swap3A_454 = arith.constant 5632 : index
      %swap3A_455 = vector.load %arg19[%swap3A_453, %swap3A_454] : memref<9x8192xf32, #tpu.memory_space<vmem>>, vector<9x512xf32>
      tpu.vector_store %arg19[%swap3A_453, %swap3A_454], %add3A_452 {strides = array<i32>} : memref<9x8192xf32, #tpu.memory_space<vmem>>, vector<9x512xf32>,
    } else {
    }
    %get3A_104 = arith.index_cast %arg0 : i32 to index
    %get3A_105 = arith.constant 6 : index
    %get3A_106 = arith.constant 0 : index
    %get3A_107 = memref.load %arg1[%get3A_104, %get3A_105, %get3A_106] : memref<4x8x16xi32, #tpu.memory_space<smem>>
    %gt3A_108 = arith.constant 0 : i32
    %gt3A_109 = arith.cmpi sgt, %get3A_107, %gt3A_108 : i32
    %convert_element_type3A_110 = arith.extui %gt3A_109 : i1 to i32
    %cond3A_111 = arith.constant 0 : i32
    %cond3A_112 = arith.cmpi ne, %convert_element_type3A_110, %cond3A_111 : i32
    scf.if %cond3A_112 {
      %get3A_374 = arith.constant 0 : index
      %get3A_375 = arith.constant 0 : index
      %get3A_376 = arith.constant 6144 : index
      %get3A_377 = vector.load %arg3[%get3A_374, %get3A_375, %get3A_376] : memref<1x3x8192xf32, #tpu.memory_space<vmem>>, vector<1x3x512xf32>
      %get3A_378 = vector.shape_cast %get3A_377 : vector<1x3x512xf32> to vector<3x512xf32>
      %get3A_379 = arith.constant 0 : index
      %get3A_380 = arith.constant 0 : index
      %get3A_381 = vector.load %arg4[%get3A_379, %get3A_380] : memref<256x3xf32, #tpu.memory_space<vmem>>, vector<256x3xf32>
      %dot_general3A = arith.constant dense<0.000000e+00> : vector<256x512xf32>
      %dot_general3A_382 = tpu.matmul %get3A_381, %get3A_378, %dot_general3A {dimension_numbers = #tpu.dot_dimension_numbers<[1], [0], [0], [1], [0, 0, 1, 1], [], []>, transpose_lhs_hint = false} : vector<256x3xf32>, vector<3x512xf32>, vector<256x512xf32> -> vector<256x512xf32>
      %get3A_383 = arith.constant 0 : index
      %get3A_384 = arith.constant 0 : index
      %get3A_385 = vector.load %arg5[%get3A_383, %get3A_384] : memref<256x1xf32, #tpu.memory_space<vmem>>, vector<256x1xf32>
      %add3A_386 = vector.broadcast %get3A_385 : vector<256x1xf32> to vector<256x512xf32>
      %add3A_387 = arith.addf %dot_general3A_382, %add3A_386 : vector<256x512xf32>
      %max3A_388 = arith.constant 0.000000e+00 : f32
      %max3A_389 = vector.broadcast %max3A_388 : f32 to vector<256x512xf32>
      %max3A_390 = arith.maximumf %add3A_387, %max3A_389 : vector<256x512xf32>
      %get3A_391 = arith.constant 0 : index
      %get3A_392 = arith.constant 0 : index
      %get3A_393 = vector.load %arg6[%get3A_391, %get3A_392] : memref<256x256xf32, #tpu.memory_space<vmem>>, vector<256x256xf32>
      %dot_general3A_394 = arith.constant dense<0.000000e+00> : vector<256x512xf32>
      %dot_general3A_395 = tpu.matmul %get3A_393, %max3A_390, %dot_general3A_394 {dimension_numbers = #tpu.dot_dimension_numbers<[1], [0], [0], [1], [0, 0, 1, 1], [], []>, transpose_lhs_hint = false} : vector<256x256xf32>, vector<256x512xf32>, vector<256x512xf32> -> vector<256x512xf32>
      %get3A_396 = arith.constant 0 : index
      %get3A_397 = arith.constant 0 : index
      %get3A_398 = vector.load %arg7[%get3A_396, %get3A_397] : memref<256x1xf32, #tpu.memory_space<vmem>>, vector<256x1xf32>
      %add3A_399 = vector.broadcast %get3A_398 : vector<256x1xf32> to vector<256x512xf32>
      %add3A_400 = arith.addf %dot_general3A_395, %add3A_399 : vector<256x512xf32>
      %max3A_401 = arith.constant 0.000000e+00 : f32
      %max3A_402 = vector.broadcast %max3A_401 : f32 to vector<256x512xf32>
      %max3A_403 = arith.maximumf %add3A_400, %max3A_402 : vector<256x512xf32>
      %get3A_404 = arith.constant 0 : index
      %get3A_405 = arith.constant 0 : index
      %get3A_406 = vector.load %arg8[%get3A_404, %get3A_405] : memref<1x256xf32, #tpu.memory_space<vmem>>, vector<1x256xf32>
      %dot_general3A_407 = arith.constant dense<0.000000e+00> : vector<1x512xf32>
      %dot_general3A_408 = tpu.matmul %get3A_406, %max3A_403, %dot_general3A_407 {dimension_numbers = #tpu.dot_dimension_numbers<[1], [0], [0], [1], [0, 0, 1, 1], [], []>, transpose_lhs_hint = false} : vector<1x256xf32>, vector<256x512xf32>, vector<1x512xf32> -> vector<1x512xf32>
      %get3A_409 = arith.constant 0 : index
      %get3A_410 = arith.constant 0 : index
      %get3A_411 = vector.load %arg9[%get3A_409, %get3A_410] : memref<1x1xf32, #tpu.memory_space<vmem>>, vector<1x1xf32>
      %add3A_412 = vector.broadcast %get3A_411 : vector<1x1xf32> to vector<1x512xf32>
      %add3A_413 = arith.addf %dot_general3A_408, %add3A_412 : vector<1x512xf32>
      %swap3A_414 = arith.constant 0 : index
      %swap3A_415 = arith.constant 6144 : index
      %swap3A_416 = vector.load %arg18[%swap3A_414, %swap3A_415] : memref<1x8192xf32, #tpu.memory_space<vmem>>, vector<1x512xf32>
      tpu.vector_store %arg18[%swap3A_414, %swap3A_415], %add3A_413 {strides = array<i32>} : memref<1x8192xf32, #tpu.memory_space<vmem>>, vector<1x512xf32>,
      %get3A_417 = arith.constant 0 : index
      %get3A_418 = arith.constant 0 : index
      %get3A_419 = vector.load %arg10[%get3A_417, %get3A_418] : memref<256x3xf32, #tpu.memory_space<vmem>>, vector<256x3xf32>
      %dot_general3A_420 = arith.constant dense<0.000000e+00> : vector<256x512xf32>
      %dot_general3A_421 = tpu.matmul %get3A_419, %get3A_378, %dot_general3A_420 {dimension_numbers = #tpu.dot_dimension_numbers<[1], [0], [0], [1], [0, 0, 1, 1], [], []>, transpose_lhs_hint = false} : vector<256x3xf32>, vector<3x512xf32>, vector<256x512xf32> -> vector<256x512xf32>
      %get3A_422 = arith.constant 0 : index
      %get3A_423 = arith.constant 0 : index
      %get3A_424 = vector.load %arg11[%get3A_422, %get3A_423] : memref<256x1xf32, #tpu.memory_space<vmem>>, vector<256x1xf32>
      %add3A_425 = vector.broadcast %get3A_424 : vector<256x1xf32> to vector<256x512xf32>
      %add3A_426 = arith.addf %dot_general3A_421, %add3A_425 : vector<256x512xf32>
      %max3A_427 = arith.constant 0.000000e+00 : f32
      %max3A_428 = vector.broadcast %max3A_427 : f32 to vector<256x512xf32>
      %max3A_429 = arith.maximumf %add3A_426, %max3A_428 : vector<256x512xf32>
      %get3A_430 = arith.constant 0 : index
      %get3A_431 = arith.constant 0 : index
      %get3A_432 = vector.load %arg12[%get3A_430, %get3A_431] : memref<256x256xf32, #tpu.memory_space<vmem>>, vector<256x256xf32>
      %dot_general3A_433 = arith.constant dense<0.000000e+00> : vector<256x512xf32>
      %dot_general3A_434 = tpu.matmul %get3A_432, %max3A_429, %dot_general3A_433 {dimension_numbers = #tpu.dot_dimension_numbers<[1], [0], [0], [1], [0, 0, 1, 1], [], []>, transpose_lhs_hint = false} : vector<256x256xf32>, vector<256x512xf32>, vector<256x512xf32> -> vector<256x512xf32>
      %get3A_435 = arith.constant 0 : index
      %get3A_436 = arith.constant 0 : index
      %get3A_437 = vector.load %arg13[%get3A_435, %get3A_436] : memref<256x1xf32, #tpu.memory_space<vmem>>, vector<256x1xf32>
      %add3A_438 = vector.broadcast %get3A_437 : vector<256x1xf32> to vector<256x512xf32>
      %add3A_439 = arith.addf %dot_general3A_434, %add3A_438 : vector<256x512xf32>
      %max3A_440 = arith.constant 0.000000e+00 : f32
      %max3A_441 = vector.broadcast %max3A_440 : f32 to vector<256x512xf32>
      %max3A_442 = arith.maximumf %add3A_439, %max3A_441 : vector<256x512xf32>
      %get3A_443 = arith.constant 0 : index
      %get3A_444 = arith.constant 0 : index
      %get3A_445 = vector.load %arg14[%get3A_443, %get3A_444] : memref<9x256xf32, #tpu.memory_space<vmem>>, vector<9x256xf32>
      %dot_general3A_446 = arith.constant dense<0.000000e+00> : vector<9x512xf32>
      %dot_general3A_447 = tpu.matmul %get3A_445, %max3A_442, %dot_general3A_446 {dimension_numbers = #tpu.dot_dimension_numbers<[1], [0], [0], [1], [0, 0, 1, 1], [], []>, transpose_lhs_hint = false} : vector<9x256xf32>, vector<256x512xf32>, vector<9x512xf32> -> vector<9x512xf32>
      %get3A_448 = arith.constant 0 : index
      %get3A_449 = arith.constant 0 : index
      %get3A_450 = vector.load %arg15[%get3A_448, %get3A_449] : memref<9x1xf32, #tpu.memory_space<vmem>>, vector<9x1xf32>
      %add3A_451 = vector.broadcast %get3A_450 : vector<9x1xf32> to vector<9x512xf32>
      %add3A_452 = arith.addf %dot_general3A_447, %add3A_451 : vector<9x512xf32>
      %swap3A_453 = arith.constant 0 : index
      %swap3A_454 = arith.constant 6144 : index
      %swap3A_455 = vector.load %arg19[%swap3A_453, %swap3A_454] : memref<9x8192xf32, #tpu.memory_space<vmem>>, vector<9x512xf32>
      tpu.vector_store %arg19[%swap3A_453, %swap3A_454], %add3A_452 {strides = array<i32>} : memref<9x8192xf32, #tpu.memory_space<vmem>>, vector<9x512xf32>,
    } else {
    }
    %get3A_113 = arith.index_cast %arg0 : i32 to index
    %get3A_114 = arith.constant 6 : index
    %get3A_115 = arith.constant 0 : index
    %get3A_116 = memref.load %arg1[%get3A_113, %get3A_114, %get3A_115] : memref<4x8x16xi32, #tpu.memory_space<smem>>
    %gt3A_117 = arith.constant 512 : i32
    %gt3A_118 = arith.cmpi sgt, %get3A_116, %gt3A_117 : i32
    %convert_element_type3A_119 = arith.extui %gt3A_118 : i1 to i32
    %cond3A_120 = arith.constant 0 : i32
    %cond3A_121 = arith.cmpi ne, %convert_element_type3A_119, %cond3A_120 : i32
    scf.if %cond3A_121 {
      %get3A_374 = arith.constant 0 : index
      %get3A_375 = arith.constant 0 : index
      %get3A_376 = arith.constant 6656 : index
      %get3A_377 = vector.load %arg3[%get3A_374, %get3A_375, %get3A_376] : memref<1x3x8192xf32, #tpu.memory_space<vmem>>, vector<1x3x512xf32>
      %get3A_378 = vector.shape_cast %get3A_377 : vector<1x3x512xf32> to vector<3x512xf32>
      %get3A_379 = arith.constant 0 : index
      %get3A_380 = arith.constant 0 : index
      %get3A_381 = vector.load %arg4[%get3A_379, %get3A_380] : memref<256x3xf32, #tpu.memory_space<vmem>>, vector<256x3xf32>
      %dot_general3A = arith.constant dense<0.000000e+00> : vector<256x512xf32>
      %dot_general3A_382 = tpu.matmul %get3A_381, %get3A_378, %dot_general3A {dimension_numbers = #tpu.dot_dimension_numbers<[1], [0], [0], [1], [0, 0, 1, 1], [], []>, transpose_lhs_hint = false} : vector<256x3xf32>, vector<3x512xf32>, vector<256x512xf32> -> vector<256x512xf32>
      %get3A_383 = arith.constant 0 : index
      %get3A_384 = arith.constant 0 : index
      %get3A_385 = vector.load %arg5[%get3A_383, %get3A_384] : memref<256x1xf32, #tpu.memory_space<vmem>>, vector<256x1xf32>
      %add3A_386 = vector.broadcast %get3A_385 : vector<256x1xf32> to vector<256x512xf32>
      %add3A_387 = arith.addf %dot_general3A_382, %add3A_386 : vector<256x512xf32>
      %max3A_388 = arith.constant 0.000000e+00 : f32
      %max3A_389 = vector.broadcast %max3A_388 : f32 to vector<256x512xf32>
      %max3A_390 = arith.maximumf %add3A_387, %max3A_389 : vector<256x512xf32>
      %get3A_391 = arith.constant 0 : index
      %get3A_392 = arith.constant 0 : index
      %get3A_393 = vector.load %arg6[%get3A_391, %get3A_392] : memref<256x256xf32, #tpu.memory_space<vmem>>, vector<256x256xf32>
      %dot_general3A_394 = arith.constant dense<0.000000e+00> : vector<256x512xf32>
      %dot_general3A_395 = tpu.matmul %get3A_393, %max3A_390, %dot_general3A_394 {dimension_numbers = #tpu.dot_dimension_numbers<[1], [0], [0], [1], [0, 0, 1, 1], [], []>, transpose_lhs_hint = false} : vector<256x256xf32>, vector<256x512xf32>, vector<256x512xf32> -> vector<256x512xf32>
      %get3A_396 = arith.constant 0 : index
      %get3A_397 = arith.constant 0 : index
      %get3A_398 = vector.load %arg7[%get3A_396, %get3A_397] : memref<256x1xf32, #tpu.memory_space<vmem>>, vector<256x1xf32>
      %add3A_399 = vector.broadcast %get3A_398 : vector<256x1xf32> to vector<256x512xf32>
      %add3A_400 = arith.addf %dot_general3A_395, %add3A_399 : vector<256x512xf32>
      %max3A_401 = arith.constant 0.000000e+00 : f32
      %max3A_402 = vector.broadcast %max3A_401 : f32 to vector<256x512xf32>
      %max3A_403 = arith.maximumf %add3A_400, %max3A_402 : vector<256x512xf32>
      %get3A_404 = arith.constant 0 : index
      %get3A_405 = arith.constant 0 : index
      %get3A_406 = vector.load %arg8[%get3A_404, %get3A_405] : memref<1x256xf32, #tpu.memory_space<vmem>>, vector<1x256xf32>
      %dot_general3A_407 = arith.constant dense<0.000000e+00> : vector<1x512xf32>
      %dot_general3A_408 = tpu.matmul %get3A_406, %max3A_403, %dot_general3A_407 {dimension_numbers = #tpu.dot_dimension_numbers<[1], [0], [0], [1], [0, 0, 1, 1], [], []>, transpose_lhs_hint = false} : vector<1x256xf32>, vector<256x512xf32>, vector<1x512xf32> -> vector<1x512xf32>
      %get3A_409 = arith.constant 0 : index
      %get3A_410 = arith.constant 0 : index
      %get3A_411 = vector.load %arg9[%get3A_409, %get3A_410] : memref<1x1xf32, #tpu.memory_space<vmem>>, vector<1x1xf32>
      %add3A_412 = vector.broadcast %get3A_411 : vector<1x1xf32> to vector<1x512xf32>
      %add3A_413 = arith.addf %dot_general3A_408, %add3A_412 : vector<1x512xf32>
      %swap3A_414 = arith.constant 0 : index
      %swap3A_415 = arith.constant 6656 : index
      %swap3A_416 = vector.load %arg18[%swap3A_414, %swap3A_415] : memref<1x8192xf32, #tpu.memory_space<vmem>>, vector<1x512xf32>
      tpu.vector_store %arg18[%swap3A_414, %swap3A_415], %add3A_413 {strides = array<i32>} : memref<1x8192xf32, #tpu.memory_space<vmem>>, vector<1x512xf32>,
      %get3A_417 = arith.constant 0 : index
      %get3A_418 = arith.constant 0 : index
      %get3A_419 = vector.load %arg10[%get3A_417, %get3A_418] : memref<256x3xf32, #tpu.memory_space<vmem>>, vector<256x3xf32>
      %dot_general3A_420 = arith.constant dense<0.000000e+00> : vector<256x512xf32>
      %dot_general3A_421 = tpu.matmul %get3A_419, %get3A_378, %dot_general3A_420 {dimension_numbers = #tpu.dot_dimension_numbers<[1], [0], [0], [1], [0, 0, 1, 1], [], []>, transpose_lhs_hint = false} : vector<256x3xf32>, vector<3x512xf32>, vector<256x512xf32> -> vector<256x512xf32>
      %get3A_422 = arith.constant 0 : index
      %get3A_423 = arith.constant 0 : index
      %get3A_424 = vector.load %arg11[%get3A_422, %get3A_423] : memref<256x1xf32, #tpu.memory_space<vmem>>, vector<256x1xf32>
      %add3A_425 = vector.broadcast %get3A_424 : vector<256x1xf32> to vector<256x512xf32>
      %add3A_426 = arith.addf %dot_general3A_421, %add3A_425 : vector<256x512xf32>
      %max3A_427 = arith.constant 0.000000e+00 : f32
      %max3A_428 = vector.broadcast %max3A_427 : f32 to vector<256x512xf32>
      %max3A_429 = arith.maximumf %add3A_426, %max3A_428 : vector<256x512xf32>
      %get3A_430 = arith.constant 0 : index
      %get3A_431 = arith.constant 0 : index
      %get3A_432 = vector.load %arg12[%get3A_430, %get3A_431] : memref<256x256xf32, #tpu.memory_space<vmem>>, vector<256x256xf32>
      %dot_general3A_433 = arith.constant dense<0.000000e+00> : vector<256x512xf32>
      %dot_general3A_434 = tpu.matmul %get3A_432, %max3A_429, %dot_general3A_433 {dimension_numbers = #tpu.dot_dimension_numbers<[1], [0], [0], [1], [0, 0, 1, 1], [], []>, transpose_lhs_hint = false} : vector<256x256xf32>, vector<256x512xf32>, vector<256x512xf32> -> vector<256x512xf32>
      %get3A_435 = arith.constant 0 : index
      %get3A_436 = arith.constant 0 : index
      %get3A_437 = vector.load %arg13[%get3A_435, %get3A_436] : memref<256x1xf32, #tpu.memory_space<vmem>>, vector<256x1xf32>
      %add3A_438 = vector.broadcast %get3A_437 : vector<256x1xf32> to vector<256x512xf32>
      %add3A_439 = arith.addf %dot_general3A_434, %add3A_438 : vector<256x512xf32>
      %max3A_440 = arith.constant 0.000000e+00 : f32
      %max3A_441 = vector.broadcast %max3A_440 : f32 to vector<256x512xf32>
      %max3A_442 = arith.maximumf %add3A_439, %max3A_441 : vector<256x512xf32>
      %get3A_443 = arith.constant 0 : index
      %get3A_444 = arith.constant 0 : index
      %get3A_445 = vector.load %arg14[%get3A_443, %get3A_444] : memref<9x256xf32, #tpu.memory_space<vmem>>, vector<9x256xf32>
      %dot_general3A_446 = arith.constant dense<0.000000e+00> : vector<9x512xf32>
      %dot_general3A_447 = tpu.matmul %get3A_445, %max3A_442, %dot_general3A_446 {dimension_numbers = #tpu.dot_dimension_numbers<[1], [0], [0], [1], [0, 0, 1, 1], [], []>, transpose_lhs_hint = false} : vector<9x256xf32>, vector<256x512xf32>, vector<9x512xf32> -> vector<9x512xf32>
      %get3A_448 = arith.constant 0 : index
      %get3A_449 = arith.constant 0 : index
      %get3A_450 = vector.load %arg15[%get3A_448, %get3A_449] : memref<9x1xf32, #tpu.memory_space<vmem>>, vector<9x1xf32>
      %add3A_451 = vector.broadcast %get3A_450 : vector<9x1xf32> to vector<9x512xf32>
      %add3A_452 = arith.addf %dot_general3A_447, %add3A_451 : vector<9x512xf32>
      %swap3A_453 = arith.constant 0 : index
      %swap3A_454 = arith.constant 6656 : index
      %swap3A_455 = vector.load %arg19[%swap3A_453, %swap3A_454] : memref<9x8192xf32, #tpu.memory_space<vmem>>, vector<9x512xf32>
      tpu.vector_store %arg19[%swap3A_453, %swap3A_454], %add3A_452 {strides = array<i32>} : memref<9x8192xf32, #tpu.memory_space<vmem>>, vector<9x512xf32>,
    } else {
    }
    %get3A_122 = arith.index_cast %arg0 : i32 to index
    %get3A_123 = arith.constant 7 : index
    %get3A_124 = arith.constant 0 : index
    %get3A_125 = memref.load %arg1[%get3A_122, %get3A_123, %get3A_124] : memref<4x8x16xi32, #tpu.memory_space<smem>>
    %gt3A_126 = arith.constant 0 : i32
    %gt3A_127 = arith.cmpi sgt, %get3A_125, %gt3A_126 : i32
    %convert_element_type3A_128 = arith.extui %gt3A_127 : i1 to i32
    %cond3A_129 = arith.constant 0 : i32
    %cond3A_130 = arith.cmpi ne, %convert_element_type3A_128, %cond3A_129 : i32
    scf.if %cond3A_130 {
      %get3A_374 = arith.constant 0 : index
      %get3A_375 = arith.constant 0 : index
      %get3A_376 = arith.constant 7168 : index
      %get3A_377 = vector.load %arg3[%get3A_374, %get3A_375, %get3A_376] : memref<1x3x8192xf32, #tpu.memory_space<vmem>>, vector<1x3x512xf32>
      %get3A_378 = vector.shape_cast %get3A_377 : vector<1x3x512xf32> to vector<3x512xf32>
      %get3A_379 = arith.constant 0 : index
      %get3A_380 = arith.constant 0 : index
      %get3A_381 = vector.load %arg4[%get3A_379, %get3A_380] : memref<256x3xf32, #tpu.memory_space<vmem>>, vector<256x3xf32>
      %dot_general3A = arith.constant dense<0.000000e+00> : vector<256x512xf32>
      %dot_general3A_382 = tpu.matmul %get3A_381, %get3A_378, %dot_general3A {dimension_numbers = #tpu.dot_dimension_numbers<[1], [0], [0], [1], [0, 0, 1, 1], [], []>, transpose_lhs_hint = false} : vector<256x3xf32>, vector<3x512xf32>, vector<256x512xf32> -> vector<256x512xf32>
      %get3A_383 = arith.constant 0 : index
      %get3A_384 = arith.constant 0 : index
      %get3A_385 = vector.load %arg5[%get3A_383, %get3A_384] : memref<256x1xf32, #tpu.memory_space<vmem>>, vector<256x1xf32>
      %add3A_386 = vector.broadcast %get3A_385 : vector<256x1xf32> to vector<256x512xf32>
      %add3A_387 = arith.addf %dot_general3A_382, %add3A_386 : vector<256x512xf32>
      %max3A_388 = arith.constant 0.000000e+00 : f32
      %max3A_389 = vector.broadcast %max3A_388 : f32 to vector<256x512xf32>
      %max3A_390 = arith.maximumf %add3A_387, %max3A_389 : vector<256x512xf32>
      %get3A_391 = arith.constant 0 : index
      %get3A_392 = arith.constant 0 : index
      %get3A_393 = vector.load %arg6[%get3A_391, %get3A_392] : memref<256x256xf32, #tpu.memory_space<vmem>>, vector<256x256xf32>
      %dot_general3A_394 = arith.constant dense<0.000000e+00> : vector<256x512xf32>
      %dot_general3A_395 = tpu.matmul %get3A_393, %max3A_390, %dot_general3A_394 {dimension_numbers = #tpu.dot_dimension_numbers<[1], [0], [0], [1], [0, 0, 1, 1], [], []>, transpose_lhs_hint = false} : vector<256x256xf32>, vector<256x512xf32>, vector<256x512xf32> -> vector<256x512xf32>
      %get3A_396 = arith.constant 0 : index
      %get3A_397 = arith.constant 0 : index
      %get3A_398 = vector.load %arg7[%get3A_396, %get3A_397] : memref<256x1xf32, #tpu.memory_space<vmem>>, vector<256x1xf32>
      %add3A_399 = vector.broadcast %get3A_398 : vector<256x1xf32> to vector<256x512xf32>
      %add3A_400 = arith.addf %dot_general3A_395, %add3A_399 : vector<256x512xf32>
      %max3A_401 = arith.constant 0.000000e+00 : f32
      %max3A_402 = vector.broadcast %max3A_401 : f32 to vector<256x512xf32>
      %max3A_403 = arith.maximumf %add3A_400, %max3A_402 : vector<256x512xf32>
      %get3A_404 = arith.constant 0 : index
      %get3A_405 = arith.constant 0 : index
      %get3A_406 = vector.load %arg8[%get3A_404, %get3A_405] : memref<1x256xf32, #tpu.memory_space<vmem>>, vector<1x256xf32>
      %dot_general3A_407 = arith.constant dense<0.000000e+00> : vector<1x512xf32>
      %dot_general3A_408 = tpu.matmul %get3A_406, %max3A_403, %dot_general3A_407 {dimension_numbers = #tpu.dot_dimension_numbers<[1], [0], [0], [1], [0, 0, 1, 1], [], []>, transpose_lhs_hint = false} : vector<1x256xf32>, vector<256x512xf32>, vector<1x512xf32> -> vector<1x512xf32>
      %get3A_409 = arith.constant 0 : index
      %get3A_410 = arith.constant 0 : index
      %get3A_411 = vector.load %arg9[%get3A_409, %get3A_410] : memref<1x1xf32, #tpu.memory_space<vmem>>, vector<1x1xf32>
      %add3A_412 = vector.broadcast %get3A_411 : vector<1x1xf32> to vector<1x512xf32>
      %add3A_413 = arith.addf %dot_general3A_408, %add3A_412 : vector<1x512xf32>
      %swap3A_414 = arith.constant 0 : index
      %swap3A_415 = arith.constant 7168 : index
      %swap3A_416 = vector.load %arg18[%swap3A_414, %swap3A_415] : memref<1x8192xf32, #tpu.memory_space<vmem>>, vector<1x512xf32>
      tpu.vector_store %arg18[%swap3A_414, %swap3A_415], %add3A_413 {strides = array<i32>} : memref<1x8192xf32, #tpu.memory_space<vmem>>, vector<1x512xf32>,
      %get3A_417 = arith.constant 0 : index
      %get3A_418 = arith.constant 0 : index
      %get3A_419 = vector.load %arg10[%get3A_417, %get3A_418] : memref<256x3xf32, #tpu.memory_space<vmem>>, vector<256x3xf32>
      %dot_general3A_420 = arith.constant dense<0.000000e+00> : vector<256x512xf32>
      %dot_general3A_421 = tpu.matmul %get3A_419, %get3A_378, %dot_general3A_420 {dimension_numbers = #tpu.dot_dimension_numbers<[1], [0], [0], [1], [0, 0, 1, 1], [], []>, transpose_lhs_hint = false} : vector<256x3xf32>, vector<3x512xf32>, vector<256x512xf32> -> vector<256x512xf32>
      %get3A_422 = arith.constant 0 : index
      %get3A_423 = arith.constant 0 : index
      %get3A_424 = vector.load %arg11[%get3A_422, %get3A_423] : memref<256x1xf32, #tpu.memory_space<vmem>>, vector<256x1xf32>
      %add3A_425 = vector.broadcast %get3A_424 : vector<256x1xf32> to vector<256x512xf32>
      %add3A_426 = arith.addf %dot_general3A_421, %add3A_425 : vector<256x512xf32>
      %max3A_427 = arith.constant 0.000000e+00 : f32
      %max3A_428 = vector.broadcast %max3A_427 : f32 to vector<256x512xf32>
      %max3A_429 = arith.maximumf %add3A_426, %max3A_428 : vector<256x512xf32>
      %get3A_430 = arith.constant 0 : index
      %get3A_431 = arith.constant 0 : index
      %get3A_432 = vector.load %arg12[%get3A_430, %get3A_431] : memref<256x256xf32, #tpu.memory_space<vmem>>, vector<256x256xf32>
      %dot_general3A_433 = arith.constant dense<0.000000e+00> : vector<256x512xf32>
      %dot_general3A_434 = tpu.matmul %get3A_432, %max3A_429, %dot_general3A_433 {dimension_numbers = #tpu.dot_dimension_numbers<[1], [0], [0], [1], [0, 0, 1, 1], [], []>, transpose_lhs_hint = false} : vector<256x256xf32>, vector<256x512xf32>, vector<256x512xf32> -> vector<256x512xf32>
      %get3A_435 = arith.constant 0 : index
      %get3A_436 = arith.constant 0 : index
      %get3A_437 = vector.load %arg13[%get3A_435, %get3A_436] : memref<256x1xf32, #tpu.memory_space<vmem>>, vector<256x1xf32>
      %add3A_438 = vector.broadcast %get3A_437 : vector<256x1xf32> to vector<256x512xf32>
      %add3A_439 = arith.addf %dot_general3A_434, %add3A_438 : vector<256x512xf32>
      %max3A_440 = arith.constant 0.000000e+00 : f32
      %max3A_441 = vector.broadcast %max3A_440 : f32 to vector<256x512xf32>
      %max3A_442 = arith.maximumf %add3A_439, %max3A_441 : vector<256x512xf32>
      %get3A_443 = arith.constant 0 : index
      %get3A_444 = arith.constant 0 : index
      %get3A_445 = vector.load %arg14[%get3A_443, %get3A_444] : memref<9x256xf32, #tpu.memory_space<vmem>>, vector<9x256xf32>
      %dot_general3A_446 = arith.constant dense<0.000000e+00> : vector<9x512xf32>
      %dot_general3A_447 = tpu.matmul %get3A_445, %max3A_442, %dot_general3A_446 {dimension_numbers = #tpu.dot_dimension_numbers<[1], [0], [0], [1], [0, 0, 1, 1], [], []>, transpose_lhs_hint = false} : vector<9x256xf32>, vector<256x512xf32>, vector<9x512xf32> -> vector<9x512xf32>
      %get3A_448 = arith.constant 0 : index
      %get3A_449 = arith.constant 0 : index
      %get3A_450 = vector.load %arg15[%get3A_448, %get3A_449] : memref<9x1xf32, #tpu.memory_space<vmem>>, vector<9x1xf32>
      %add3A_451 = vector.broadcast %get3A_450 : vector<9x1xf32> to vector<9x512xf32>
      %add3A_452 = arith.addf %dot_general3A_447, %add3A_451 : vector<9x512xf32>
      %swap3A_453 = arith.constant 0 : index
      %swap3A_454 = arith.constant 7168 : index
      %swap3A_455 = vector.load %arg19[%swap3A_453, %swap3A_454] : memref<9x8192xf32, #tpu.memory_space<vmem>>, vector<9x512xf32>
      tpu.vector_store %arg19[%swap3A_453, %swap3A_454], %add3A_452 {strides = array<i32>} : memref<9x8192xf32, #tpu.memory_space<vmem>>, vector<9x512xf32>,
    } else {
    }
    %get3A_131 = arith.index_cast %arg0 : i32 to index
    %get3A_132 = arith.constant 7 : index
    %get3A_133 = arith.constant 0 : index
    %get3A_134 = memref.load %arg1[%get3A_131, %get3A_132, %get3A_133] : memref<4x8x16xi32, #tpu.memory_space<smem>>
    %gt3A_135 = arith.constant 512 : i32
    %gt3A_136 = arith.cmpi sgt, %get3A_134, %gt3A_135 : i32
    %convert_element_type3A_137 = arith.extui %gt3A_136 : i1 to i32
    %cond3A_138 = arith.constant 0 : i32
    %cond3A_139 = arith.cmpi ne, %convert_element_type3A_137, %cond3A_138 : i32
    scf.if %cond3A_139 {
      %get3A_374 = arith.constant 0 : index
      %get3A_375 = arith.constant 0 : index
      %get3A_376 = arith.constant 7680 : index
      %get3A_377 = vector.load %arg3[%get3A_374, %get3A_375, %get3A_376] : memref<1x3x8192xf32, #tpu.memory_space<vmem>>, vector<1x3x512xf32>
      %get3A_378 = vector.shape_cast %get3A_377 : vector<1x3x512xf32> to vector<3x512xf32>
      %get3A_379 = arith.constant 0 : index
      %get3A_380 = arith.constant 0 : index
      %get3A_381 = vector.load %arg4[%get3A_379, %get3A_380] : memref<256x3xf32, #tpu.memory_space<vmem>>, vector<256x3xf32>
      %dot_general3A = arith.constant dense<0.000000e+00> : vector<256x512xf32>
      %dot_general3A_382 = tpu.matmul %get3A_381, %get3A_378, %dot_general3A {dimension_numbers = #tpu.dot_dimension_numbers<[1], [0], [0], [1], [0, 0, 1, 1], [], []>, transpose_lhs_hint = false} : vector<256x3xf32>, vector<3x512xf32>, vector<256x512xf32> -> vector<256x512xf32>
      %get3A_383 = arith.constant 0 : index
      %get3A_384 = arith.constant 0 : index
      %get3A_385 = vector.load %arg5[%get3A_383, %get3A_384] : memref<256x1xf32, #tpu.memory_space<vmem>>, vector<256x1xf32>
      %add3A_386 = vector.broadcast %get3A_385 : vector<256x1xf32> to vector<256x512xf32>
      %add3A_387 = arith.addf %dot_general3A_382, %add3A_386 : vector<256x512xf32>
      %max3A_388 = arith.constant 0.000000e+00 : f32
      %max3A_389 = vector.broadcast %max3A_388 : f32 to vector<256x512xf32>
      %max3A_390 = arith.maximumf %add3A_387, %max3A_389 : vector<256x512xf32>
      %get3A_391 = arith.constant 0 : index
      %get3A_392 = arith.constant 0 : index
      %get3A_393 = vector.load %arg6[%get3A_391, %get3A_392] : memref<256x256xf32, #tpu.memory_space<vmem>>, vector<256x256xf32>
      %dot_general3A_394 = arith.constant dense<0.000000e+00> : vector<256x512xf32>
      %dot_general3A_395 = tpu.matmul %get3A_393, %max3A_390, %dot_general3A_394 {dimension_numbers = #tpu.dot_dimension_numbers<[1], [0], [0], [1], [0, 0, 1, 1], [], []>, transpose_lhs_hint = false} : vector<256x256xf32>, vector<256x512xf32>, vector<256x512xf32> -> vector<256x512xf32>
      %get3A_396 = arith.constant 0 : index
      %get3A_397 = arith.constant 0 : index
      %get3A_398 = vector.load %arg7[%get3A_396, %get3A_397] : memref<256x1xf32, #tpu.memory_space<vmem>>, vector<256x1xf32>
      %add3A_399 = vector.broadcast %get3A_398 : vector<256x1xf32> to vector<256x512xf32>
      %add3A_400 = arith.addf %dot_general3A_395, %add3A_399 : vector<256x512xf32>
      %max3A_401 = arith.constant 0.000000e+00 : f32
      %max3A_402 = vector.broadcast %max3A_401 : f32 to vector<256x512xf32>
      %max3A_403 = arith.maximumf %add3A_400, %max3A_402 : vector<256x512xf32>
      %get3A_404 = arith.constant 0 : index
      %get3A_405 = arith.constant 0 : index
      %get3A_406 = vector.load %arg8[%get3A_404, %get3A_405] : memref<1x256xf32, #tpu.memory_space<vmem>>, vector<1x256xf32>
      %dot_general3A_407 = arith.constant dense<0.000000e+00> : vector<1x512xf32>
      %dot_general3A_408 = tpu.matmul %get3A_406, %max3A_403, %dot_general3A_407 {dimension_numbers = #tpu.dot_dimension_numbers<[1], [0], [0], [1], [0, 0, 1, 1], [], []>, transpose_lhs_hint = false} : vector<1x256xf32>, vector<256x512xf32>, vector<1x512xf32> -> vector<1x512xf32>
      %get3A_409 = arith.constant 0 : index
      %get3A_410 = arith.constant 0 : index
      %get3A_411 = vector.load %arg9[%get3A_409, %get3A_410] : memref<1x1xf32, #tpu.memory_space<vmem>>, vector<1x1xf32>
      %add3A_412 = vector.broadcast %get3A_411 : vector<1x1xf32> to vector<1x512xf32>
      %add3A_413 = arith.addf %dot_general3A_408, %add3A_412 : vector<1x512xf32>
      %swap3A_414 = arith.constant 0 : index
      %swap3A_415 = arith.constant 7680 : index
      %swap3A_416 = vector.load %arg18[%swap3A_414, %swap3A_415] : memref<1x8192xf32, #tpu.memory_space<vmem>>, vector<1x512xf32>
      tpu.vector_store %arg18[%swap3A_414, %swap3A_415], %add3A_413 {strides = array<i32>} : memref<1x8192xf32, #tpu.memory_space<vmem>>, vector<1x512xf32>,
      %get3A_417 = arith.constant 0 : index
      %get3A_418 = arith.constant 0 : index
      %get3A_419 = vector.load %arg10[%get3A_417, %get3A_418] : memref<256x3xf32, #tpu.memory_space<vmem>>, vector<256x3xf32>
      %dot_general3A_420 = arith.constant dense<0.000000e+00> : vector<256x512xf32>
      %dot_general3A_421 = tpu.matmul %get3A_419, %get3A_378, %dot_general3A_420 {dimension_numbers = #tpu.dot_dimension_numbers<[1], [0], [0], [1], [0, 0, 1, 1], [], []>, transpose_lhs_hint = false} : vector<256x3xf32>, vector<3x512xf32>, vector<256x512xf32> -> vector<256x512xf32>
      %get3A_422 = arith.constant 0 : index
      %get3A_423 = arith.constant 0 : index
      %get3A_424 = vector.load %arg11[%get3A_422, %get3A_423] : memref<256x1xf32, #tpu.memory_space<vmem>>, vector<256x1xf32>
      %add3A_425 = vector.broadcast %get3A_424 : vector<256x1xf32> to vector<256x512xf32>
      %add3A_426 = arith.addf %dot_general3A_421, %add3A_425 : vector<256x512xf32>
      %max3A_427 = arith.constant 0.000000e+00 : f32
      %max3A_428 = vector.broadcast %max3A_427 : f32 to vector<256x512xf32>
      %max3A_429 = arith.maximumf %add3A_426, %max3A_428 : vector<256x512xf32>
      %get3A_430 = arith.constant 0 : index
      %get3A_431 = arith.constant 0 : index
      %get3A_432 = vector.load %arg12[%get3A_430, %get3A_431] : memref<256x256xf32, #tpu.memory_space<vmem>>, vector<256x256xf32>
      %dot_general3A_433 = arith.constant dense<0.000000e+00> : vector<256x512xf32>
      %dot_general3A_434 = tpu.matmul %get3A_432, %max3A_429, %dot_general3A_433 {dimension_numbers = #tpu.dot_dimension_numbers<[1], [0], [0], [1], [0, 0, 1, 1], [], []>, transpose_lhs_hint = false} : vector<256x256xf32>, vector<256x512xf32>, vector<256x512xf32> -> vector<256x512xf32>
      %get3A_435 = arith.constant 0 : index
      %get3A_436 = arith.constant 0 : index
      %get3A_437 = vector.load %arg13[%get3A_435, %get3A_436] : memref<256x1xf32, #tpu.memory_space<vmem>>, vector<256x1xf32>
      %add3A_438 = vector.broadcast %get3A_437 : vector<256x1xf32> to vector<256x512xf32>
      %add3A_439 = arith.addf %dot_general3A_434, %add3A_438 : vector<256x512xf32>
      %max3A_440 = arith.constant 0.000000e+00 : f32
      %max3A_441 = vector.broadcast %max3A_440 : f32 to vector<256x512xf32>
      %max3A_442 = arith.maximumf %add3A_439, %max3A_441 : vector<256x512xf32>
      %get3A_443 = arith.constant 0 : index
      %get3A_444 = arith.constant 0 : index
      %get3A_445 = vector.load %arg14[%get3A_443, %get3A_444] : memref<9x256xf32, #tpu.memory_space<vmem>>, vector<9x256xf32>
      %dot_general3A_446 = arith.constant dense<0.000000e+00> : vector<9x512xf32>
      %dot_general3A_447 = tpu.matmul %get3A_445, %max3A_442, %dot_general3A_446 {dimension_numbers = #tpu.dot_dimension_numbers<[1], [0], [0], [1], [0, 0, 1, 1], [], []>, transpose_lhs_hint = false} : vector<9x256xf32>, vector<256x512xf32>, vector<9x512xf32> -> vector<9x512xf32>
      %get3A_448 = arith.constant 0 : index
      %get3A_449 = arith.constant 0 : index
      %get3A_450 = vector.load %arg15[%get3A_448, %get3A_449] : memref<9x1xf32, #tpu.memory_space<vmem>>, vector<9x1xf32>
      %add3A_451 = vector.broadcast %get3A_450 : vector<9x1xf32> to vector<9x512xf32>
      %add3A_452 = arith.addf %dot_general3A_447, %add3A_451 : vector<9x512xf32>
      %swap3A_453 = arith.constant 0 : index
      %swap3A_454 = arith.constant 7680 : index
      %swap3A_455 = vector.load %arg19[%swap3A_453, %swap3A_454] : memref<9x8192xf32, #tpu.memory_space<vmem>>, vector<9x512xf32>
      tpu.vector_store %arg19[%swap3A_453, %swap3A_454], %add3A_452 {strides = array<i32>} : memref<9x8192xf32, #tpu.memory_space<vmem>>, vector<9x512xf32>,
    } else {
    }
    %get3A_140 = arith.constant 0 : index
    %get3A_141 = arith.constant 0 : index
    %get3A_142 = arith.constant 0 : index
    %get3A_143 = vector.load %arg2[%get3A_140, %get3A_141, %get3A_142] : memref<1x3x8192xf32, #tpu.memory_space<vmem>>, vector<1x3x8192xf32>
    %get3A_144 = vector.shape_cast %get3A_143 : vector<1x3x8192xf32> to vector<3x8192xf32>
    %iota3A = tpu.iota {dimensions = array<i32: 1>} : vector<1x8192xi32>
    %ge3A = arith.constant 0 : i32
    %ge3A_145 = vector.broadcast %ge3A : i32 to vector<1x8192xi32>
    %ge3A_146 = arith.cmpi sge, %iota3A, %ge3A_145 : vector<1x8192xi32>
    %get3A_147 = arith.index_cast %arg0 : i32 to index
    %get3A_148 = arith.constant 0 : index
    %get3A_149 = arith.constant 0 : index
    %get3A_150 = memref.load %arg1[%get3A_147, %get3A_148, %get3A_149] : memref<4x8x16xi32, #tpu.memory_space<smem>>
    %add3A = arith.constant 0 : i32
    %add3A_151 = arith.addi %add3A, %get3A_150 : i32
    %lt3A = vector.broadcast %add3A_151 : i32 to vector<1x8192xi32>
    %lt3A_152 = arith.cmpi slt, %iota3A, %lt3A : vector<1x8192xi32>
    %and3A = arith.andi %ge3A_146, %lt3A_152 : vector<1x8192xi1>
    %ge3A_153 = arith.constant 1024 : i32
    %ge3A_154 = vector.broadcast %ge3A_153 : i32 to vector<1x8192xi32>
    %ge3A_155 = arith.cmpi sge, %iota3A, %ge3A_154 : vector<1x8192xi32>
    %get3A_156 = arith.index_cast %arg0 : i32 to index
    %get3A_157 = arith.constant 1 : index
    %get3A_158 = arith.constant 0 : index
    %get3A_159 = memref.load %arg1[%get3A_156, %get3A_157, %get3A_158] : memref<4x8x16xi32, #tpu.memory_space<smem>>
    %add3A_160 = arith.constant 1024 : i32
    %add3A_161 = arith.addi %add3A_160, %get3A_159 : i32
    %lt3A_162 = vector.broadcast %add3A_161 : i32 to vector<1x8192xi32>
    %lt3A_163 = arith.cmpi slt, %iota3A, %lt3A_162 : vector<1x8192xi32>
    %and3A_164 = arith.andi %ge3A_155, %lt3A_163 : vector<1x8192xi1>
    %or3A = arith.ori %and3A, %and3A_164 : vector<1x8192xi1>
    %ge3A_165 = arith.constant 2048 : i32
    %ge3A_166 = vector.broadcast %ge3A_165 : i32 to vector<1x8192xi32>
    %ge3A_167 = arith.cmpi sge, %iota3A, %ge3A_166 : vector<1x8192xi32>
    %get3A_168 = arith.index_cast %arg0 : i32 to index
    %get3A_169 = arith.constant 2 : index
    %get3A_170 = arith.constant 0 : index
    %get3A_171 = memref.load %arg1[%get3A_168, %get3A_169, %get3A_170] : memref<4x8x16xi32, #tpu.memory_space<smem>>
    %add3A_172 = arith.constant 2048 : i32
    %add3A_173 = arith.addi %add3A_172, %get3A_171 : i32
    %lt3A_174 = vector.broadcast %add3A_173 : i32 to vector<1x8192xi32>
    %lt3A_175 = arith.cmpi slt, %iota3A, %lt3A_174 : vector<1x8192xi32>
    %and3A_176 = arith.andi %ge3A_167, %lt3A_175 : vector<1x8192xi1>
    %or3A_177 = arith.ori %or3A, %and3A_176 : vector<1x8192xi1>
    %ge3A_178 = arith.constant 3072 : i32
    %ge3A_179 = vector.broadcast %ge3A_178 : i32 to vector<1x8192xi32>
    %ge3A_180 = arith.cmpi sge, %iota3A, %ge3A_179 : vector<1x8192xi32>
    %get3A_181 = arith.index_cast %arg0 : i32 to index
    %get3A_182 = arith.constant 3 : index
    %get3A_183 = arith.constant 0 : index
    %get3A_184 = memref.load %arg1[%get3A_181, %get3A_182, %get3A_183] : memref<4x8x16xi32, #tpu.memory_space<smem>>
    %add3A_185 = arith.constant 3072 : i32
    %add3A_186 = arith.addi %add3A_185, %get3A_184 : i32
    %lt3A_187 = vector.broadcast %add3A_186 : i32 to vector<1x8192xi32>
    %lt3A_188 = arith.cmpi slt, %iota3A, %lt3A_187 : vector<1x8192xi32>
    %and3A_189 = arith.andi %ge3A_180, %lt3A_188 : vector<1x8192xi1>
    %or3A_190 = arith.ori %or3A_177, %and3A_189 : vector<1x8192xi1>
    %ge3A_191 = arith.constant 4096 : i32
    %ge3A_192 = vector.broadcast %ge3A_191 : i32 to vector<1x8192xi32>
    %ge3A_193 = arith.cmpi sge, %iota3A, %ge3A_192 : vector<1x8192xi32>
    %get3A_194 = arith.index_cast %arg0 : i32 to index
    %get3A_195 = arith.constant 4 : index
    %get3A_196 = arith.constant 0 : index
    %get3A_197 = memref.load %arg1[%get3A_194, %get3A_195, %get3A_196] : memref<4x8x16xi32, #tpu.memory_space<smem>>
    %add3A_198 = arith.constant 4096 : i32
    %add3A_199 = arith.addi %add3A_198, %get3A_197 : i32
    %lt3A_200 = vector.broadcast %add3A_199 : i32 to vector<1x8192xi32>
    %lt3A_201 = arith.cmpi slt, %iota3A, %lt3A_200 : vector<1x8192xi32>
    %and3A_202 = arith.andi %ge3A_193, %lt3A_201 : vector<1x8192xi1>
    %or3A_203 = arith.ori %or3A_190, %and3A_202 : vector<1x8192xi1>
    %ge3A_204 = arith.constant 5120 : i32
    %ge3A_205 = vector.broadcast %ge3A_204 : i32 to vector<1x8192xi32>
    %ge3A_206 = arith.cmpi sge, %iota3A, %ge3A_205 : vector<1x8192xi32>
    %get3A_207 = arith.index_cast %arg0 : i32 to index
    %get3A_208 = arith.constant 5 : index
    %get3A_209 = arith.constant 0 : index
    %get3A_210 = memref.load %arg1[%get3A_207, %get3A_208, %get3A_209] : memref<4x8x16xi32, #tpu.memory_space<smem>>
    %add3A_211 = arith.constant 5120 : i32
    %add3A_212 = arith.addi %add3A_211, %get3A_210 : i32
    %lt3A_213 = vector.broadcast %add3A_212 : i32 to vector<1x8192xi32>
    %lt3A_214 = arith.cmpi slt, %iota3A, %lt3A_213 : vector<1x8192xi32>
    %and3A_215 = arith.andi %ge3A_206, %lt3A_214 : vector<1x8192xi1>
    %or3A_216 = arith.ori %or3A_203, %and3A_215 : vector<1x8192xi1>
    %ge3A_217 = arith.constant 6144 : i32
    %ge3A_218 = vector.broadcast %ge3A_217 : i32 to vector<1x8192xi32>
    %ge3A_219 = arith.cmpi sge, %iota3A, %ge3A_218 : vector<1x8192xi32>
    %get3A_220 = arith.index_cast %arg0 : i32 to index
    %get3A_221 = arith.constant 6 : index
    %get3A_222 = arith.constant 0 : index
    %get3A_223 = memref.load %arg1[%get3A_220, %get3A_221, %get3A_222] : memref<4x8x16xi32, #tpu.memory_space<smem>>
    %add3A_224 = arith.constant 6144 : i32
    %add3A_225 = arith.addi %add3A_224, %get3A_223 : i32
    %lt3A_226 = vector.broadcast %add3A_225 : i32 to vector<1x8192xi32>
    %lt3A_227 = arith.cmpi slt, %iota3A, %lt3A_226 : vector<1x8192xi32>
    %and3A_228 = arith.andi %ge3A_219, %lt3A_227 : vector<1x8192xi1>
    %or3A_229 = arith.ori %or3A_216, %and3A_228 : vector<1x8192xi1>
    %ge3A_230 = arith.constant 7168 : i32
    %ge3A_231 = vector.broadcast %ge3A_230 : i32 to vector<1x8192xi32>
    %ge3A_232 = arith.cmpi sge, %iota3A, %ge3A_231 : vector<1x8192xi32>
    %get3A_233 = arith.index_cast %arg0 : i32 to index
    %get3A_234 = arith.constant 7 : index
    %get3A_235 = arith.constant 0 : index
    %get3A_236 = memref.load %arg1[%get3A_233, %get3A_234, %get3A_235] : memref<4x8x16xi32, #tpu.memory_space<smem>>
    %add3A_237 = arith.constant 7168 : i32
    %add3A_238 = arith.addi %add3A_237, %get3A_236 : i32
    %lt3A_239 = vector.broadcast %add3A_238 : i32 to vector<1x8192xi32>
    %lt3A_240 = arith.cmpi slt, %iota3A, %lt3A_239 : vector<1x8192xi32>
    %and3A_241 = arith.andi %ge3A_232, %lt3A_240 : vector<1x8192xi1>
    %or3A_242 = arith.ori %or3A_229, %and3A_241 : vector<1x8192xi1>
    %get3A_243 = arith.constant 0 : index
    %get3A_244 = arith.constant 0 : index
    %get3A_245 = vector.load %arg18[%get3A_243, %get3A_244] : memref<1x8192xf32, #tpu.memory_space<vmem>>, vector<1x8192xf32>
    %get3A_246 = arith.constant 0 : index
    %get3A_247 = arith.constant 0 : index
    %get3A_248 = vector.load %arg19[%get3A_246, %get3A_247] : memref<9x8192xf32, #tpu.memory_space<vmem>>, vector<9x8192xf32>
    %jit3A = arith.constant 0.000000e+00 : f32
    %broadcast_in_dim3A = vector.shape_cast %or3A_242 : vector<1x8192xi1> to vector<1x8192xi1>
    %broadcast_in_dim3A_249 = vector.broadcast %broadcast_in_dim3A : vector<1x8192xi1> to vector<9x8192xi1>
    %broadcast_in_dim3A_250 = vector.broadcast %jit3A : f32 to vector<9x8192xf32>
    %select_n3A = arith.select %broadcast_in_dim3A_249, %get3A_248, %broadcast_in_dim3A_250 : vector<9x8192xi1>, vector<9x8192xf32>
    %jit3A_251 = arith.constant -1.000000e+09 : f32
    %broadcast_in_dim3A_252 = vector.broadcast %jit3A_251 : f32 to vector<1x8192xf32>
    %select_n3A_253 = arith.select %or3A_242, %get3A_245, %broadcast_in_dim3A_252 : vector<1x8192xi1>, vector<1x8192xf32>
    %reduce_max3A = vector.shape_cast %select_n3A_253 : vector<1x8192xf32> to vector<1x1x8192xf32>
    %reduce_max3A_254 = arith.constant dense<0xFF800000> : vector<1xf32>
    %reduce_max3A_255 = vector.multi_reduction <maximumf>, %reduce_max3A, %reduce_max3A_254 [1, 2] : vector<1x1x8192xf32> to vector<1xf32>
    %reduce_max3A_256 = vector.shape_cast %reduce_max3A_255 : vector<1xf32> to vector<1x1x1xf32>
    %reduce_max3A_257 = vector.extract %reduce_max3A_256[0, 0, 0] : f32 from vector<1x1x1xf32>
    %sub3A = vector.broadcast %reduce_max3A_257 : f32 to vector<1x8192xf32>
    %sub3A_258 = arith.subf %select_n3A_253, %sub3A : vector<1x8192xf32>
    %exp3A = math.exp %sub3A_258 : vector<1x8192xf32>
    %jit3A_259 = arith.constant 0.000000e+00 : f32
    %broadcast_in_dim3A_260 = vector.broadcast %jit3A_259 : f32 to vector<1x8192xf32>
    %select_n3A_261 = arith.select %or3A_242, %exp3A, %broadcast_in_dim3A_260 : vector<1x8192xi1>, vector<1x8192xf32>
    %reduce_sum3A = vector.shape_cast %select_n3A_261 : vector<1x8192xf32> to vector<1x1x8192xf32>
    %reduce_sum3A_262 = arith.constant dense<0.000000e+00> : vector<1xf32>
    %reduce_sum3A_263 = vector.multi_reduction <add>, %reduce_sum3A, %reduce_sum3A_262 [1, 2] : vector<1x1x8192xf32> to vector<1xf32>
    %reduce_sum3A_264 = vector.shape_cast %reduce_sum3A_263 : vector<1xf32> to vector<1x1x1xf32>
    %reduce_sum3A_265 = vector.extract %reduce_sum3A_264[0, 0, 0] : f32 from vector<1x1x1xf32>
    %div3A = vector.broadcast %reduce_sum3A_265 : f32 to vector<1x8192xf32>
    %div3A_266 = arith.divf %select_n3A_261, %div3A : vector<1x8192xf32>
    %mul3A = vector.broadcast %div3A_266 : vector<1x8192xf32> to vector<3x8192xf32>
    %mul3A_267 = arith.mulf %get3A_144, %mul3A : vector<3x8192xf32>
    %reduce_sum3A_268 = arith.constant dense<0.000000e+00> : vector<3xf32>
    %reduce_sum3A_269 = vector.multi_reduction <add>, %mul3A_267, %reduce_sum3A_268 [1] : vector<3x8192xf32> to vector<3xf32>
    %broadcast_in_dim3A_270 = vector.shape_cast %reduce_sum3A_269 : vector<3xf32> to vector<3x1xf32>
    %swap3A = arith.constant 0 : index
    %swap3A_271 = arith.constant 0 : index
    %swap3A_272 = arith.constant 0 : index
    %swap3A_273 = vector.load %arg16[%swap3A, %swap3A_271, %swap3A_272] : memref<1x3x1xf32, #tpu.memory_space<vmem>>, vector<1x3x1xf32>
    %swap3A_274 = vector.shape_cast %swap3A_273 : vector<1x3x1xf32> to vector<3x1xf32>
    %swap3A_275 = vector.shape_cast %broadcast_in_dim3A_270 : vector<3x1xf32> to vector<1x3x1xf32>
    tpu.vector_store %arg16[%swap3A, %swap3A_271, %swap3A_272], %swap3A_275 {strides = array<i32>} : memref<1x3x1xf32, #tpu.memory_space<vmem>>, vector<1x3x1xf32>,
    %sub3A_276 = vector.broadcast %broadcast_in_dim3A_270 : vector<3x1xf32> to vector<3x8192xf32>
    %sub3A_277 = arith.subf %get3A_144, %sub3A_276 : vector<3x8192xf32>
    %integer_pow3A = arith.mulf %sub3A_277, %sub3A_277 : vector<3x8192xf32>
    %slice3A = vector.extract_strided_slice %integer_pow3A {offsets = [0, 0], sizes = [1, 8192], strides = [1, 1]} : vector<3x8192xf32> to vector<1x8192xf32>
    %slice3A_278 = vector.extract_strided_slice %integer_pow3A {offsets = [1, 0], sizes = [1, 8192], strides = [1, 1]} : vector<3x8192xf32> to vector<1x8192xf32>
    %add3A_279 = arith.addf %slice3A, %slice3A_278 : vector<1x8192xf32>
    %slice3A_280 = vector.extract_strided_slice %integer_pow3A {offsets = [2, 0], sizes = [1, 8192], strides = [1, 1]} : vector<3x8192xf32> to vector<1x8192xf32>
    %add3A_281 = arith.addf %add3A_279, %slice3A_280 : vector<1x8192xf32>
    %sqrt3A = math.sqrt %add3A_281 : vector<1x8192xf32>
    %le3A = arith.constant 2.000000e-02 : f32
    %le3A_282 = vector.broadcast %le3A : f32 to vector<1x8192xf32>
    %le3A_283 = arith.cmpf ole, %sqrt3A, %le3A_282 : vector<1x8192xf32>
    %and3A_284 = arith.andi %or3A_242, %le3A_283 : vector<1x8192xi1>
    %convert_element_type3A_285 = arith.extui %and3A_284 : vector<1x8192xi1> to vector<1x8192xi32>
    %convert_element_type3A_286 = arith.sitofp %convert_element_type3A_285 : vector<1x8192xi32> to vector<1x8192xf32>
    %reduce_sum3A_287 = vector.shape_cast %convert_element_type3A_286 : vector<1x8192xf32> to vector<1x1x8192xf32>
    %reduce_sum3A_288 = arith.constant dense<0.000000e+00> : vector<1xf32>
    %reduce_sum3A_289 = vector.multi_reduction <add>, %reduce_sum3A_287, %reduce_sum3A_288 [1, 2] : vector<1x1x8192xf32> to vector<1xf32>
    %reduce_sum3A_290 = vector.shape_cast %reduce_sum3A_289 : vector<1xf32> to vector<1x1x1xf32>
    %reduce_sum3A_291 = vector.extract %reduce_sum3A_290[0, 0, 0] : f32 from vector<1x1x1xf32>
    %jit3A_292 = arith.constant 0.000000e+00 : f32
    %broadcast_in_dim3A_293 = vector.shape_cast %and3A_284 : vector<1x8192xi1> to vector<1x8192xi1>
    %broadcast_in_dim3A_294 = vector.broadcast %broadcast_in_dim3A_293 : vector<1x8192xi1> to vector<9x8192xi1>
    %broadcast_in_dim3A_295 = vector.broadcast %jit3A_292 : f32 to vector<9x8192xf32>
    %select_n3A_296 = arith.select %broadcast_in_dim3A_294, %select_n3A, %broadcast_in_dim3A_295 : vector<9x8192xi1>, vector<9x8192xf32>
    %reduce_sum3A_297 = arith.constant dense<0.000000e+00> : vector<9xf32>
    %reduce_sum3A_298 = vector.multi_reduction <add>, %select_n3A_296, %reduce_sum3A_297 [1] : vector<9x8192xf32> to vector<9xf32>
    %broadcast_in_dim3A_299 = vector.shape_cast %reduce_sum3A_298 : vector<9xf32> to vector<9x1xf32>
    %max3A = arith.constant 1.000000e+00 : f32
    %max3A_300 = arith.maximumf %reduce_sum3A_291, %max3A : f32
    %div3A_301 = vector.broadcast %max3A_300 : f32 to vector<9x1xf32>
    %div3A_302 = arith.divf %broadcast_in_dim3A_299, %div3A_301 : vector<9x1xf32>
    %mul3A_303 = vector.broadcast %div3A_266 : vector<1x8192xf32> to vector<9x8192xf32>
    %mul3A_304 = arith.mulf %select_n3A, %mul3A_303 : vector<9x8192xf32>
    %reduce_sum3A_305 = arith.constant dense<0.000000e+00> : vector<9xf32>
    %reduce_sum3A_306 = vector.multi_reduction <add>, %mul3A_304, %reduce_sum3A_305 [1] : vector<9x8192xf32> to vector<9xf32>
    %broadcast_in_dim3A_307 = vector.shape_cast %reduce_sum3A_306 : vector<9xf32> to vector<9x1xf32>
    %gt3A_308 = arith.constant 0.000000e+00 : f32
    %gt3A_309 = arith.cmpf ogt, %reduce_sum3A_291, %gt3A_308 : f32
    %select_n3A_310 = arith.select %gt3A_309, %div3A_302, %broadcast_in_dim3A_307 : vector<9x1xf32>
    %iota3A_311 = tpu.iota {dimensions = array<i32: 0>} : vector<9x1xi32>
    %lt3A_312 = arith.constant 3 : i32
    %lt3A_313 = vector.broadcast %lt3A_312 : i32 to vector<9x1xi32>
    %lt3A_314 = arith.cmpi slt, %iota3A_311, %lt3A_313 : vector<9x1xi32>
    %convert_element_type3A_315 = arith.extui %lt3A_314 : vector<9x1xi1> to vector<9x1xi32>
    %convert_element_type3A_316 = arith.sitofp %convert_element_type3A_315 : vector<9x1xi32> to vector<9x1xf32>
    %ge3A_317 = arith.constant 3 : i32
    %ge3A_318 = vector.broadcast %ge3A_317 : i32 to vector<9x1xi32>
    %ge3A_319 = arith.cmpi sge, %iota3A_311, %ge3A_318 : vector<9x1xi32>
    %lt3A_320 = arith.constant 6 : i32
    %lt3A_321 = vector.broadcast %lt3A_320 : i32 to vector<9x1xi32>
    %lt3A_322 = arith.cmpi slt, %iota3A_311, %lt3A_321 : vector<9x1xi32>
    %and3A_323 = arith.andi %ge3A_319, %lt3A_322 : vector<9x1xi1>
    %convert_element_type3A_324 = arith.extui %and3A_323 : vector<9x1xi1> to vector<9x1xi32>
    %convert_element_type3A_325 = arith.sitofp %convert_element_type3A_324 : vector<9x1xi32> to vector<9x1xf32>
    %ge3A_326 = arith.constant 6 : i32
    %ge3A_327 = vector.broadcast %ge3A_326 : i32 to vector<9x1xi32>
    %ge3A_328 = arith.cmpi sge, %iota3A_311, %ge3A_327 : vector<9x1xi32>
    %convert_element_type3A_329 = arith.extui %ge3A_328 : vector<9x1xi1> to vector<9x1xi32>
    %convert_element_type3A_330 = arith.sitofp %convert_element_type3A_329 : vector<9x1xi32> to vector<9x1xf32>
    %mul3A_331 = arith.mulf %select_n3A_310, %select_n3A_310 : vector<9x1xf32>
    %mul3A_332 = arith.mulf %mul3A_331, %convert_element_type3A_316 : vector<9x1xf32>
    %reduce_sum3A_333 = vector.shape_cast %mul3A_332 : vector<9x1xf32> to vector<1x9x1xf32>
    %reduce_sum3A_334 = arith.constant dense<0.000000e+00> : vector<1xf32>
    %reduce_sum3A_335 = vector.multi_reduction <add>, %reduce_sum3A_333, %reduce_sum3A_334 [1, 2] : vector<1x9x1xf32> to vector<1xf32>
    %reduce_sum3A_336 = vector.shape_cast %reduce_sum3A_335 : vector<1xf32> to vector<1x1x1xf32>
    %reduce_sum3A_337 = vector.extract %reduce_sum3A_336[0, 0, 0] : f32 from vector<1x1x1xf32>
    %sqrt3A_338 = math.sqrt %reduce_sum3A_337 : f32
    %add3A_339 = arith.constant 9.99999993E-9 : f32
    %add3A_340 = arith.addf %sqrt3A_338, %add3A_339 : f32
    %mul3A_341 = arith.mulf %mul3A_331, %convert_element_type3A_325 : vector<9x1xf32>
    %reduce_sum3A_342 = vector.shape_cast %mul3A_341 : vector<9x1xf32> to vector<1x9x1xf32>
    %reduce_sum3A_343 = arith.constant dense<0.000000e+00> : vector<1xf32>
    %reduce_sum3A_344 = vector.multi_reduction <add>, %reduce_sum3A_342, %reduce_sum3A_343 [1, 2] : vector<1x9x1xf32> to vector<1xf32>
    %reduce_sum3A_345 = vector.shape_cast %reduce_sum3A_344 : vector<1xf32> to vector<1x1x1xf32>
    %reduce_sum3A_346 = vector.extract %reduce_sum3A_345[0, 0, 0] : f32 from vector<1x1x1xf32>
    %sqrt3A_347 = math.sqrt %reduce_sum3A_346 : f32
    %add3A_348 = arith.constant 9.99999993E-9 : f32
    %add3A_349 = arith.addf %sqrt3A_347, %add3A_348 : f32
    %mul3A_350 = arith.mulf %mul3A_331, %convert_element_type3A_330 : vector<9x1xf32>
    %reduce_sum3A_351 = vector.shape_cast %mul3A_350 : vector<9x1xf32> to vector<1x9x1xf32>
    %reduce_sum3A_352 = arith.constant dense<0.000000e+00> : vector<1xf32>
    %reduce_sum3A_353 = vector.multi_reduction <add>, %reduce_sum3A_351, %reduce_sum3A_352 [1, 2] : vector<1x9x1xf32> to vector<1xf32>
    %reduce_sum3A_354 = vector.shape_cast %reduce_sum3A_353 : vector<1xf32> to vector<1x1x1xf32>
    %reduce_sum3A_355 = vector.extract %reduce_sum3A_354[0, 0, 0] : f32 from vector<1x1x1xf32>
    %sqrt3A_356 = math.sqrt %reduce_sum3A_355 : f32
    %add3A_357 = arith.constant 9.99999993E-9 : f32
    %add3A_358 = arith.addf %sqrt3A_356, %add3A_357 : f32
    %mul3A_359 = vector.broadcast %add3A_340 : f32 to vector<9x1xf32>
    %mul3A_360 = arith.mulf %mul3A_359, %convert_element_type3A_316 : vector<9x1xf32>
    %mul3A_361 = vector.broadcast %add3A_349 : f32 to vector<9x1xf32>
    %mul3A_362 = arith.mulf %mul3A_361, %convert_element_type3A_325 : vector<9x1xf32>
    %add3A_363 = arith.addf %mul3A_360, %mul3A_362 : vector<9x1xf32>
    %mul3A_364 = vector.broadcast %add3A_358 : f32 to vector<9x1xf32>
    %mul3A_365 = arith.mulf %mul3A_364, %convert_element_type3A_330 : vector<9x1xf32>
    %add3A_366 = arith.addf %add3A_363, %mul3A_365 : vector<9x1xf32>
    %div3A_367 = arith.divf %select_n3A_310, %add3A_366 : vector<9x1xf32>
    %swap3A_368 = arith.constant 0 : index
    %swap3A_369 = arith.constant 0 : index
    %swap3A_370 = arith.constant 0 : index
    %swap3A_371 = vector.load %arg17[%swap3A_368, %swap3A_369, %swap3A_370] : memref<1x9x1xf32, #tpu.memory_space<vmem>>, vector<1x9x1xf32>
    %swap3A_372 = vector.shape_cast %swap3A_371 : vector<1x9x1xf32> to vector<9x1xf32>
    %swap3A_373 = vector.shape_cast %div3A_367 : vector<9x1xf32> to vector<1x9x1xf32>
    tpu.vector_store %arg17[%swap3A_368, %swap3A_369, %swap3A_370], %swap3A_373 {strides = array<i32>} : memref<1x9x1xf32, #tpu.memory_space<vmem>>, vector<1x9x1xf32>,
    return
  }
  func.func @transform_0(%arg0: i32) -> (i32, i32, i32) {
    %c0_i32 = arith.constant 0 : i32
    %c0_i32_0 = arith.constant 0 : i32
    %c0_i32_1 = arith.constant 0 : i32
    %c0_i32_2 = arith.constant 0 : i32
    return %c0_i32, %c0_i32_0, %c0_i32_1 : i32, i32, i32
  }
  func.func @transform_1(%arg0: i32) -> (i32, i32, i32) {
    %c0_i32 = arith.constant 0 : i32
    %c0_i32_0 = arith.constant 0 : i32
    %c0_i32_1 = arith.constant 0 : i32
    return %arg0, %c0_i32, %c0_i32_0 : i32, i32, i32
  }
  func.func @transform_2(%arg0: i32) -> (i32, i32, i32) {
    %c0_i32 = arith.constant 0 : i32
    %c0_i32_0 = arith.constant 0 : i32
    %c0_i32_1 = arith.constant 0 : i32
    return %arg0, %c0_i32, %c0_i32_0 : i32, i32, i32
  }
  func.func @transform_3(%arg0: i32) -> (i32, i32) {
    %c0_i32 = arith.constant 0 : i32
    %c0_i32_0 = arith.constant 0 : i32
    %c0_i32_1 = arith.constant 0 : i32
    return %c0_i32, %c0_i32_0 : i32, i32
  }
  func.func @transform_4(%arg0: i32) -> (i32, i32) {
    %c0_i32 = arith.constant 0 : i32
    %c0_i32_0 = arith.constant 0 : i32
    %c0_i32_1 = arith.constant 0 : i32
    return %c0_i32, %c0_i32_0 : i32, i32
  }
  func.func @transform_5(%arg0: i32) -> (i32, i32) {
    %c0_i32 = arith.constant 0 : i32
    %c0_i32_0 = arith.constant 0 : i32
    %c0_i32_1 = arith.constant 0 : i32
    return %c0_i32, %c0_i32_0 : i32, i32
  }
  func.func @transform_6(%arg0: i32) -> (i32, i32) {
    %c0_i32 = arith.constant 0 : i32
    %c0_i32_0 = arith.constant 0 : i32
    %c0_i32_1 = arith.constant 0 : i32
    return %c0_i32, %c0_i32_0 : i32, i32
  }
  func.func @transform_7(%arg0: i32) -> (i32, i32) {
    %c0_i32 = arith.constant 0 : i32
    %c0_i32_0 = arith.constant 0 : i32
    %c0_i32_1 = arith.constant 0 : i32
    return %c0_i32, %c0_i32_0 : i32, i32
  }
  func.func @transform_8(%arg0: i32) -> (i32, i32) {
    %c0_i32 = arith.constant 0 : i32
    %c0_i32_0 = arith.constant 0 : i32
    %c0_i32_1 = arith.constant 0 : i32
    return %c0_i32, %c0_i32_0 : i32, i32
  }
  func.func @transform_9(%arg0: i32) -> (i32, i32) {
    %c0_i32 = arith.constant 0 : i32
    %c0_i32_0 = arith.constant 0 : i32
    %c0_i32_1 = arith.constant 0 : i32
    return %c0_i32, %c0_i32_0 : i32, i32
  }
  func.func @transform_10(%arg0: i32) -> (i32, i32) {
    %c0_i32 = arith.constant 0 : i32
    %c0_i32_0 = arith.constant 0 : i32
    %c0_i32_1 = arith.constant 0 : i32
    return %c0_i32, %c0_i32_0 : i32, i32
  }
  func.func @transform_11(%arg0: i32) -> (i32, i32) {
    %c0_i32 = arith.constant 0 : i32
    %c0_i32_0 = arith.constant 0 : i32
    %c0_i32_1 = arith.constant 0 : i32
    return %c0_i32, %c0_i32_0 : i32, i32
  }
  func.func @transform_12(%arg0: i32) -> (i32, i32) {
    %c0_i32 = arith.constant 0 : i32
    %c0_i32_0 = arith.constant 0 : i32
    %c0_i32_1 = arith.constant 0 : i32
    return %c0_i32, %c0_i32_0 : i32, i32
  }
  func.func @transform_13(%arg0: i32) -> (i32, i32) {
    %c0_i32 = arith.constant 0 : i32
    %c0_i32_0 = arith.constant 0 : i32
    %c0_i32_1 = arith.constant 0 : i32
    return %c0_i32, %c0_i32_0 : i32, i32
  }
  func.func @transform_14(%arg0: i32) -> (i32, i32) {
    %c0_i32 = arith.constant 0 : i32
    %c0_i32_0 = arith.constant 0 : i32
    %c0_i32_1 = arith.constant 0 : i32
    return %c0_i32, %c0_i32_0 : i32, i32
  }
  func.func @transform_15(%arg0: i32) -> (i32, i32, i32) {
    %c0_i32 = arith.constant 0 : i32
    %c0_i32_0 = arith.constant 0 : i32
    %c0_i32_1 = arith.constant 0 : i32
    return %arg0, %c0_i32, %c0_i32_0 : i32, i32, i32
  }
  func.func @transform_16(%arg0: i32) -> (i32, i32, i32) {
    %c0_i32 = arith.constant 0 : i32
    %c0_i32_0 = arith.constant 0 : i32
    %c0_i32_1 = arith.constant 0 : i32
    return %arg0, %c0_i32, %c0_i32_0 : i32, i32, i32
  }
}

</mosaic_0001>

<sc_bundles>
// kernel: kernel.4.cloned.1.call-start
scs
__scs_entry_jumppad:
0x0: {  	(pc) =	sbr.rel $0x88, $3  }
0x1: {  	(tag) =	ssettag $0x0;
	lr =	simm.s32 $0x1  }
0x2: {  	[smem:$0x3F92] =	sst lr;
	_ =	strace $0xD0000000  }
0x3: {  	_ = 	snop  }
0x4: {  	_ = 	snop  }
0x5: {  	_ = 	snop  }
0x6: {  	_ = 	snop  }
0x7: {  	_ = 	snop  }
__scs_overlays_trampoline_lowered:
0x8: {  	[smem:$0x3FA1] =	sst s0  }
0x9: {  	[smem:$0x3FA2] =	sst s1  }
0xa: {  	[smem:$0x3FA3] =	sst s2  }
0xb: {  	[smem:$0x3FA4] =	sst s3  }
0xc: {  	[smem:$0x3FA5] =	sst s4  }
0xd: {  	[smem:$0x3FA6] =	sst s5  }
0xe: {  	[smem:$0x3FA7] =	sst s6  }
0xf: {  	[smem:$0x3FA8] =	sst s7  }
0x10: {  	[smem:$0x3FA9] =	sst s8  }
0x11: {  	[smem:$0x3FAA] =	sst s9;
	s0 =	simm.s32 @!p0 $0x0  }
0x12: {  	s1 =	sld [smem:$0x3F90];
	s0 =	simm.s32 @p0 $0x1  }
0x13: {  	[smem:$0x3FAB] =	sst s0;
	s0 =	simm.s32 @!p1 $0x0  }
0x14: {  	s2 =	sld [smem:$0x3F8F];
	s0 =	simm.s32 @p1 $0x1  }
0x15: {  	[smem:$0x3FAC] =	sst s0;
	s0 =	simm.s32 @!p2 $0x0  }
0x16: {  	s3 =	sld [smem:$0x3FDB];
	s0 =	simm.s32 @p2 $0x1  }
0x17: {  	s4 =	simm.s32 $0x1BF5;
	[smem:$0x3FAE] =	sst s0  }
0x18: {  	s0 =	sld [smem:$0x3F91];
	_ =	swait.ge [sflag:s4], $0x0  }
0x19: {  	s7 =	sld [smem:$0x3F92]  }
0x1a: {  	s8 =	sadd.s32 $0xFFFFE003, lr  }
0x1b: {  	s9 =	sadd.s32 $0xFFFFFEF7, lr;
	s5 =	simm.s32 $0xFFFFFFFF;
	p2 =	slt.u32 s8, $0xFFFFF086  }
0x1c: {  	p1 =	slt.u32 s9, $0xF7A;
	s5 =	simm.s32 @!p2 $0x0  }
0x1d: {  	s5 =	simm.s32 @p1 $0x1;
	p0 =	seq.s32 s7, s2  }
0x1e: {  	s7 =	smul.u32 @!p0 $0xF7A, s2;
	p2 =	seq.s32 @!p0 s5, $0x0  }
0x1f: {  	s9 =	smul.u32 $0xF7A, s1;
	s8 =	simm.s32 @!p0 $0x1BF5;
	p2 =	por !p2, p0  }
0x20: {  	[sflag:s8] =	ssyncset.s32 @!p0 $0xFFFFF086;
	s6 =	sadd.s32 @!p0 s3, s7;
	s7 =	simm.s32 @!p0 $0x108  }
0x21: {  	s3 =	sadd.s32 s3, s9;
	s6 =	sadd.s32 @!p0 $0x88, s6;
	s7 =	simm.s32 @p2 $0x1082  }
0x22: {  	[simem:s7], [sflag:s8] =	dma.local @!p0 [hbm:s6], $0xF7A  }
0x23: {  	s9 =	sor.u32 $0xD0000000, s2;
	s6 =	simm.s32 $0x108;
	_ =	swait.ge @!p0 [sflag:s8], $0x0  }
0x24: {  	s3 =	sadd.s32 $0x88, s3;
	s6 =	simm.s32 @!p1 $0x1082;
	[sflag:s4] =	ssyncset.s32 $0xFFFFF086  }
0x25: {  	[simem:s6], [sflag:s4] =	dma.local [hbm:s3], $0xF7A  }
0x26: {  	[smem:$0x3F92] =	sst s1;
	(tag) =	ssettag s2;
	_ =	strace s9  }
0x27: {  	s1 =	sld [smem:$0x3FA2]  }
0x28: {  	s2 =	sld [smem:$0x3FA3]  }
0x29: {  	s4 =	sld [smem:$0x3FA5]  }
0x2a: {  	p0 =	seq.s32 s5, $0x0;
	s5 =	sld [smem:$0x3FA6]  }
0x2b: {  	s6 =	sld [smem:$0x3FA7]  }
0x2c: {  	s7 =	sld [smem:$0x3FA8]  }
0x2d: {  	s3 =	simm.s32 $0x108;
	s8 =	sld [smem:$0x3FA9]  }
0x2e: {  	s3 =	simm.s32 @!p0 $0x1082;
	s9 =	sld [smem:$0x3FAA]  }
0x2f: {  	lr =	sadd.s32 s0, s3;
	s0 =	sld [smem:$0x3FA1]  }
0x30: {  	s3 =	sld [smem:$0x3FA4]  }
0x31: {  	[smem:$0x3FAD] =	sst s10  }
0x32: {  	s10 =	sld [smem:$0x3FAB];
	_ =	sdelay $0x3  }
0x33: {  	p0 =	seq.s32 s10, $0x1;
	s10 =	sld [smem:$0x3FAD];
	_ =	sdelay $0x3  }
0x34: {  	[smem:$0x3FAD] =	sst s10  }
0x35: {  	s10 =	sld [smem:$0x3FAC];
	_ =	sdelay $0x3  }
0x36: {  	p1 =	seq.s32 s10, $0x1;
	s10 =	sld [smem:$0x3FAD];
	_ =	sdelay $0x3  }
0x37: {  	[smem:$0x3FAD] =	sst s10  }
0x38: {  	s10 =	sld [smem:$0x3FAE]  }
0x39: {  	_ = 	snop;
	(pc) =	sbr.ind lr, $3  }
0x3a: {  	_ = 	snop  }
0x3b: {  	_ = 	snop  }
0x3c: {  	p2 =	seq.s32 s10, $0x1;
	s10 =	sld [smem:$0x3FAD]  }
0x3d: {  	_ =	shalt  }
0x3e: {  	_ =	shalt  }
0x3f: {  	_ =	shalt  }
0x40: {  	_ =	shalt  }
0x41: {  	_ =	shalt  }
0x42: {  	_ =	shalt  }
0x43: {  	_ =	shalt  }
0x44: {  	_ =	shalt  }
0x45: {  	_ =	shalt  }
0x46: {  	_ =	shalt  }
0x47: {  	_ =	shalt  }
0x48: {  	_ =	shalt  }
0x49: {  	_ =	shalt  }
0x4a: {  	_ =	shalt  }
0x4b: {  	_ =	shalt  }
0x4c: {  	_ =	shalt  }
0x4d: {  	_ =	shalt  }
0x4e: {  	_ =	shalt  }
0x4f: {  	_ =	shalt  }
0x50: {  	_ =	shalt  }
0x51: {  	_ =	shalt  }
0x52: {  	_ =	shalt  }
0x53: {  	_ =	shalt  }
0x54: {  	_ =	shalt  }
0x55: {  	_ =	shalt  }
0x56: {  	_ =	shalt  }
0x57: {  	_ =	shalt  }
0x58: {  	_ =	shalt  }
0x59: {  	_ =	shalt  }
0x5a: {  	_ =	shalt  }
0x5b: {  	_ =	shalt  }
0x5c: {  	_ =	shalt  }
0x5d: {  	_ =	shalt  }
0x5e: {  	_ =	shalt  }
0x5f: {  	_ =	shalt  }
0x60: {  	_ =	shalt  }
0x61: {  	_ =	shalt  }
0x62: {  	_ =	shalt  }
0x63: {  	_ =	shalt  }
0x64: {  	_ =	shalt  }
0x65: {  	_ =	shalt  }
0x66: {  	_ =	shalt  }
0x67: {  	_ =	shalt  }
0x68: {  	_ =	shalt  }
0x69: {  	_ =	shalt  }
0x6a: {  	_ =	shalt  }
0x6b: {  	_ =	shalt  }
0x6c: {  	_ =	shalt  }
0x6d: {  	_ =	shalt  }
0x6e: {  	_ =	shalt  }
0x6f: {  	_ =	shalt  }
0x70: {  	_ =	shalt  }
0x71: {  	_ =	shalt  }
0x72: {  	_ =	shalt  }
0x73: {  	_ =	shalt  }
0x74: {  	_ =	shalt  }
0x75: {  	_ =	shalt  }
0x76: {  	_ =	shalt  }
0x77: {  	_ =	shalt  }
0x78: {  	_ =	shalt  }
0x79: {  	_ =	shalt  }
0x7a: {  	_ =	shalt  }
0x7b: {  	_ =	shalt  }
0x7c: {  	_ =	shalt  }
0x7d: {  	_ =	shalt  }
0x7e: {  	_ =	shalt  }
0x7f: {  	_ =	shalt  }
0x80: {  	_ =	shalt  }
0x81: {  	_ =	shalt  }
0x82: {  	_ =	shalt  }
0x83: {  	_ =	shalt  }
0x84: {  	_ =	shalt  }
0x85: {  	_ =	shalt  }
0x86: {  	_ =	shalt  }
0x87: {  	_ =	shalt  }
.Lfunc_end0:
.L_simem_size_0:
called_computation_lowered:
.L_overlay_start_0:
0x88: {  	s2 =	sld [smem:$0x3FD9]  }
0x89: {  	s3 =	sld [smem:$0x3FFE];
	_ =	sdelay $0x1  }
0x8a: {  	s1 =	srdreg.scid  }
0x8b: {  	s0 =	sand.u32 $0x1, s1  }
0x8c: {  	s14 =	sshll.u32 s0, $0xA;
	s2 =	sadd.s32 s3, s2  }
0x8d: {  	s2 =	sadd.s32 s2, s14  }
0x8e: {  	[smem:$0x3FB9] =	sst s2  }
0x8f: {  	_ = 	snop  }
0x90: {  	s2 =	sld [smem:$0x3FD0];
	_ =	sdelay $0x2  }
0x91: {  	s15 =	simm.s32 $0xA;
	s4 =	simm.s32 $0x10  }
0x92: {  	[smem:s4], [sflag:s15] =	dma.local [hbm:s2], $0x1  }
0x93: {  	_ =	swait.eq [sflag:s15], $0x1  }
0x94: {  	[sflag:s15] =	ssyncset.done $0x0  }
0x95: {  	s16 =	sld [smem:$0x10];
	[sflag:s15] =	ssyncadd.s32 $0xFFFFFFFF  }
0x96: {  	s17 =	sld [smem:$0x11];
	(tm) =	ssettm $0x1  }
0x97: {  	s18 =	sld [smem:$0x3FFB];
	_ =	sdelay $0x3  }
0x98: {  	_ =	strace s18  }
0x99: {  	s4 =	sld [smem:$0x3FFC];
	_ =	sdelay $0x3  }
0x9a: {  	_ =	strace s4  }
0x9b: {  	s4 =	sld [smem:$0x3FFD];
	_ =	sdelay $0x3  }
0x9c: {  	_ =	strace s4  }
0x9d: {  	_ =	strace $0x8FFFFFFF  }
0x9e: {  	s19 =	sld [smem:$0x3FDB];
	_ =	sdelay $0x1  }
0x9f: {  	s5 =	simm.s32 $_scs_section_size  }
0xa0: {  	s6 =	simm.s32 $_size__tile_overlayer_lowered;
	s7 =	simm.s32 $_tile_overlayer_lowered  }
0xa1: {  	s22 =	simm.s32 $0x1BFF;
	s21 =	sshll.u32 s7, $0x1;
	s4 =	sadd.s32 s5, s19  }
0xa2: {  	s8 =	simm.s32 $0x0;
	s20 =	sshll.u32 s6, $0x1;
	s6 =	sadd.s32 s21, s4  }
0xa3: {  	[timem:s8], [sflag:s22] =	dma.local [hbm:s6], s20  }
0xa4: {  	_ =	swait.ge [sflag:s22], s20  }
0xa5: {  	s5 =	ssub.s32 $0x0, s20;
	[sflag:s22] =	ssyncset.done $0x0  }
0xa6: {  	[sflag:s22] =	ssyncadd.s32 s5;
	_ =	sdelay $0x1  }
0xa7: {  	s23 =	simm.s32 $0x1B8B  }
0xa8: {  	_ =	swait.ge [sflag:s23], $0x1  }
0xa9: {  	[sflag:s23] =	ssyncset.done $0x0  }
0xaa: {  	s25 =	simm.s32 $0x1B8E;
	s24 =	sld [smem:$0x3FFE];
	[sflag:s23] =	ssyncadd.s32 $0xFFFFFFFF  }
0xab: {  	s26 =	simm.s32 $execute0_lowered;
	[smem:$0x3FD2] =	sst s25  }
0xac: {  	s6 =	sshll.u32 s26, $0x1;
	_ =	strace $0x80000046;
	[dreg:$0x1] =	wrdreg $0xFFFFFFFF  }
0xad: {  	s28 =	simm.s32 $_size_execute0_lowered;
	s4 =	sadd.s32 s4, s6;
	[dreg:$0x0] =	wrdreg $0x0  }
0xae: {  	s6 =	sshll.u32 s28, $0x1;
	[dreg:$0x2] =	wrdreg s4  }
0xaf: {  	[dreg:$0x3] =	wrdreg s6  }
0xb0: {  	[dreg:$0x4] =	wrdreg $0xC0  }
0xb1: {  	_ =	task [dreg:s8], $0x5FFFF  }
0xb2: {  	[dreg:$0x1] =	wrdreg $0xFFFFFFFF  }
0xb3: {  	[dreg:$0x0] =	wrdreg $0x60  }
0xb4: {  	[dreg:$0x2] =	wrdreg s24  }
0xb5: {  	[dreg:$0x3] =	wrdreg s16  }
0xb6: {  	[dreg:$0x4] =	wrdreg s17  }
0xb7: {  	[dreg:$0x5] =	wrdreg $0x9  }
0xb8: {  	_ =	task.clear_ibuf [dreg:s8], $0x6FFFF;
	_ =	strace $0x90000046  }
0xb9: {  	s29 =	simm.s32 $0x9;
	_ =	strace $0x80000048  }
0xba: {  	_ =	swait.ge [sflag:s29], $0x1  }
0xbb: {  	[sflag:s29] =	ssyncadd.s32 $0xFFFFFFFF  }
0xbc: {  	_ =	strace $0x90000048  }
0xbd: {  	_ =	sfence  }
0xbe: {  	s30 =	sld [smem:$0x0];
	_ =	sdelay $0x2  }
0xbf: {  	s31 =	sshll.u32 s1, $0xD;
	s1 =	sshrl.u32 s1, $0x2  }
0xc0: {  	s3 =	sand.u32 $0x4000, s31;
	s1 =	sadd.s32 s1, s30  }
0xc1: {  	s0 =	sor.u32 s3, s0;
	s1 =	sshll.u32 s1, $0x11  }
0xc2: {  	s0 =	sor.u32 s1, s0  }
0xc3: {  	s0 =	sadd.s32 $0x8F2B, s0  }
0xc4: {  	[sflag:s0] =	ssyncadd.remote.s32 $0x1  }
0xc5: {  	_ =	sfence.sel $0xFFFF  }
0xc6: {  	[dreg:$0x0] =	wrdreg $0xFFFFFFFF;
	(pc) =	sbr.abs _section_cstart, $3  }
0xc7: {  	[dreg:$0x1] =	wrdreg $0xFFFFFFFF  }
0xc8: {  	_ =	task.clear_ibuf [dreg:s8], $0x2FFFF;
	_ =	strace $0x9FFFFFFF  }
0xc9: {  	(tm) =	ssettm $0x7FFFFFFF  }
tec
execute0_lowered:
.L_overlay_start_1:
0x0: {  	(tag) =	ssettag $0x1  }
0x1: {  	s0 =	rddreg [dreg:$0x0]  }
0x2: {  	s2 =	rddreg [dreg:$0x1]  }
0x3: {  	s15 =	rddreg [dreg:$0x2];
	s1 =	simm.s32 $0x0  }
0x4: {  	s3 =	srdreg.scid;
	s5 =	stileid.u32;
	s28 =	simm.s32 $0x6900  }
0x5: {  	s29 =	simm.s32 $0x6D80;
	s30 =	simm.s32 $0x7200;
	s31 =	simm.s32 $0x7680  }
0x6: {  	[smem:$0x7FF] =	sst s1;
	s8 =	sadd.s32 $0x1C00, s0;
	s9 =	sadd.s32 $0xDC00, s0  }
0x7: {  	s14 =	sadd.s32 $0x19C00, s0;
	s3 =	sand.u32 $0x1, s3;
	s4 =	sshll.u32 s5, $0x1  }
0x8: {  	s16 =	sshrl.u32 s5, $0x2;
	s0 =	sadd.s32 $0x1CC00, s0;
	_ =	strace $0x80000047  }
0x9: {  	s25 =	ssub.s32 $0x2, s3;
	s4 =	sand.u32 $0x6, s4;
	s6 =	smul.u32 $0x18000, s16  }
0xa: {  	s10 =	smul.u32 $0x3, s16;
	s5 =	sshll.u32 s16, $0x1;
	s17 =	sor.u32 s3, s4  }
0xb: {  	s7 =	sshrl.u32 s25, $0x1;
	s3 =	sadd.s32 s2, s5;
	s26 =	sshll.u32 s17, $0xC  }
0xc: {  	s18 =	ssub.s32 s25, s7;
	s11 =	sadd.s32 $0x1, s10;
	s12 =	sor.u32 s6, s26  }
0xd: {  	s19 =	sshll.u32 s11, $0xF;
	s11 =	sshll.u32 s11, $0xD;
	s13 =	sshrl.u32 s12, $0x3  }
0xe: {  	s20 =	sor.u32 s26, s19;
	s12 =	sadd.s32 $0x2, s10;
	s19 =	sshll.u32 s17, $0xA  }
0xf: {  	s17 =	sshll.u32 s17, $0x1;
	s4 =	sadd.s32 s8, s13;
	s5 =	sadd.s32 s9, s13  }
0x10: {  	s21 =	sshrl.u32 s20, $0x3;
	s10 =	sshll.u32 s12, $0xF;
	s13 =	smul.u32 $0x6000, s16  }
0x11: {  	s11 =	sor.u32 s19, s11;
	s20 =	sshll.u32 s12, $0xD;
	s16 =	sshll.u32 s16, $0x4  }
0x12: {  	s6 =	sadd.s32 s8, s21;
	s10 =	sor.u32 s26, s10;
	s7 =	sadd.s32 s9, s21  }
0x13: {  	s25 =	sshrl.u32 s11, $0x3;
	s26 =	sor.u32 s19, s20;
	s16 =	sadd.s32 s15, s16  }
0x14: {  	s22 =	sshrl.u32 s10, $0x3;
	s23 =	sor.u32 s13, s19;
	s12 =	sadd.s32 s14, s25  }
0x15: {  	s13 =	sadd.s32 s0, s25;
	s2 =	sshrl.u32 s26, $0x3;
	s16 =	sadd.s32 s17, s16  }
0x16: {  	s17 =	smax.u32 s18, $0x1;
	s19 =	simm.s32 $0x1;
	s25 =	simm.s32 $0x6000  }
0x17: {  	s26 =	simm.s32 $0x6480;
	s8 =	sadd.s32 s8, s22;
	s9 =	sadd.s32 s9, s22  }
0x18: {  	s24 =	sshrl.u32 s23, $0x3;
	s15 =	sadd.s32 s0, s2;
	s23 =	simm.s32 $0x2000  }
0x19: {  	s10 =	sadd.s32 s14, s24;
	s11 =	sadd.s32 s0, s24;
	s14 =	sadd.s32 s14, s2  }
0x1a: {  	v0 =	vimm.f32 $0.0e+00;
	v1 =	vimm.s32 $0x0;
	s24 =	simm.s32 $0x5000;
	s0 =	simm.s32 $0x7B80;
	s2 =	simm.s32 $0x0  }
.LBB2_1:
0x1b: {  	s18 =	simm.s32 $0x7B00  }
0x1c: {  	[tilespmem:s18], [sflag:$0x1] =	stream.linear.gather [hbm4b:s3+s1], $0x10, $0x38;
	[tilespmem:$0x7C00] =	vst v63  }
0x1d: {  	_ =	swait.ge [sflag:s19], $0x10  }
0x1e: {  	[sflag:s19] =	ssyncset.done $0x0  }
0x1f: {  	[sflag:s19] =	ssyncadd.s32 $0xFFFFFFF0  }
0x20: {  	[tilespmem:s1], [sflag:$0x1] =	stream.linear.gather [hbm4b:s4+s1], $0x1000, $0x38;
	[tilespmem:$0x7C00] =	vst v63  }
0x21: {  	_ =	swait.ge [sflag:s19], $0x1000  }
0x22: {  	[sflag:s19] =	ssyncset.done $0x0  }
0x23: {  	s20 =	simm.s32 $0x3000;
	[sflag:s19] =	ssyncadd.s32 $0xFFFFF000  }
0x24: {  	[tilespmem:s20], [sflag:$0x1] =	stream.linear.gather [hbm4b:s5+s1], $0x1000, $0x38;
	[tilespmem:$0x7C00] =	vst v63  }
0x25: {  	_ =	swait.ge [sflag:s19], $0x1000  }
0x26: {  	[sflag:s19] =	ssyncset.done $0x0  }
0x27: {  	s21 =	simm.s32 $0x1000;
	[sflag:s19] =	ssyncadd.s32 $0xFFFFF000  }
0x28: {  	[tilespmem:s21], [sflag:$0x1] =	stream.linear.gather [hbm4b:s6+s1], $0x1000, $0x38;
	[tilespmem:$0x7C00] =	vst v63  }
0x29: {  	_ =	swait.ge [sflag:s19], $0x1000  }
0x2a: {  	[sflag:s19] =	ssyncset.done $0x0  }
0x2b: {  	s22 =	simm.s32 $0x4000;
	[sflag:s19] =	ssyncadd.s32 $0xFFFFF000  }
0x2c: {  	[tilespmem:s22], [sflag:$0x1] =	stream.linear.gather [hbm4b:s7+s1], $0x1000, $0x38;
	[tilespmem:$0x7C00] =	vst v63  }
0x2d: {  	_ =	swait.ge [sflag:s19], $0x1000  }
0x2e: {  	[sflag:s19] =	ssyncset.done $0x0  }
0x2f: {  	[sflag:s19] =	ssyncadd.s32 $0xFFFFF000  }
0x30: {  	[tilespmem:s23], [sflag:$0x1] =	stream.linear.gather [hbm4b:s8+s1], $0x1000, $0x38;
	[tilespmem:$0x7C00] =	vst v63  }
0x31: {  	_ =	swait.ge [sflag:s19], $0x1000  }
0x32: {  	[sflag:s19] =	ssyncset.done $0x0  }
0x33: {  	[sflag:s19] =	ssyncadd.s32 $0xFFFFF000  }
0x34: {  	[tilespmem:s24], [sflag:$0x1] =	stream.linear.gather [hbm4b:s9+s1], $0x1000, $0x38;
	[tilespmem:$0x7C00] =	vst v63  }
0x35: {  	_ =	swait.ge [sflag:s19], $0x1000  }
0x36: {  	[sflag:s19] =	ssyncset.done $0x0  }
0x37: {  	s18 =	simm.s32 $0x0;
	[sflag:s19] =	ssyncadd.s32 $0xFFFFF000  }
0x38: {  	[tilespmem:s18+$0x7680] =	vst v0  }
0x39: {  	[tilespmem:s18+$0x6000] =	vst v0  }
0x3a: {  	[tilespmem:s18+$0x6480] =	vst v0  }
0x3b: {  	[tilespmem:s18+$0x6900] =	vst v0  }
0x3c: {  	s20 =	simm.s32 $0x40;
	[tilespmem:s18+$0x6D80] =	vst v0  }
.LBB2_2:
0x3d: {  	p0 =	sne.s32 s20, $0x1000;
	[tilespmem:s18+$0x7200] =	vst v0;
	s18 =	sshra.s32 s20, $0x2;
	s20 =	sadd.s32 $0x40, s20  }
.Ltmp0:
0x3e: {  	[tilespmem:s18+$0x7680] =	vst v0;
	(pc) =	sbr.rel @p0 .LBB2_2-.Ltmp0, $4  }
0x3f: {  	[tilespmem:s18+$0x6000] =	vst v0  }
0x40: {  	[tilespmem:s18+$0x6480] =	vst v0  }
0x41: {  	[tilespmem:s18+$0x6900] =	vst v0  }
0x42: {  	[tilespmem:s18+$0x6D80] =	vst v0  }
0x43: {  	[tilespmem:s18+$0x7200] =	vst v0  }
0x44: {  	s21 =	simm.s32 $0x0;
	v4 =	vld [tilespmem:$0x7B00]  }
0x45: {  	v6 =	vld [tilespmem:s21+$0x0]  }
0x46: {  	v7 =	vld [tilespmem:s21+$0x1000];
	_ =	sdelay $0x1  }
0x47: {  	v8 =	vld [tilespmem:s21+$0x2000]  }
0x48: {  	v2 =	vbroadcast v4, $0x0;
	v3 =	vbroadcast v4, $0x1;
	_ =	sdelay $0x1  }
0x49: {  	v4 =	vbroadcast v4, $0x2;
	v5 =	vsub.f32 v6, v2;
	v9 =	vsub.f32 v7, v3;
	_ =	sdelay $0x1  }
0x4a: {  	v10 =	vsub.f32 v8, v4;
	v5 =	vmul.f32 v5, v5;
	v9 =	vmul.f32 v9, v9;
	_ =	sdelay $0x1  }
0x4b: {  	v10 =	vmul.f32 v10, v10;
	v5 =	vadd.f32 v9, v5;
	_ =	sdelay $0x1  }
0x4c: {  	v5 =	vadd.f32 v10, v5;
	_ =	sdelay $0x1  }
0x4d: {  	vm0 =	vle.f32 v5, $9.000001100e-02  }
0x4e: {  	v5 =	vsel vm0, $0x1, v1  }
0x4f: {  	(xrf0) =	vadd.scan.msk.s32 $0xffff, v5;
	_ =	sdelay $0x4  }
0x50: {  	s20 =	simm.s32 $0x0;
	v5 =	vsel vm0, $0xFFFFFFFF, v1  }
0x51: {  	v5 =	vadd.s32 s20, v5;
	v63, _, _ =	vpop (xrf0)  }
0x52: {  	v5 =	vadd.s32 v63, v5  }
0x53: {  	vm1 =	vlt.s32 v5, $0x40F  }
0x54: {  	v5 =	vnsel vm1, $0x40F, v5;
	_ =	sdelay $0x3  }
0x55: {  	(v2sf) =	vpush v63, $0xF  }
0x56: {  	[tilespmem:v5+s25+$0x0] =	vst.idx.msk vm0, v6  }
0x57: {  	[tilespmem:v5+s26+$0x0] =	vst.idx.msk vm0, v7  }
0x58: {  	[tilespmem:v5+s28+$0x0] =	vst.idx.msk vm0, v8  }
0x59: {  	v6 =	vld [tilespmem:s21+$0x3000];
	_ =	sdelay $0x4  }
0x5a: {  	[tilespmem:v5+s29+$0x0] =	vst.idx.msk vm0, v6  }
0x5b: {  	v6 =	vld [tilespmem:s21+$0x4000];
	_ =	sdelay $0x4  }
0x5c: {  	s22 =	spop (v2sf);
	[tilespmem:v5+s30+$0x0] =	vst.idx.msk vm0, v6  }
0x5d: {  	s20 =	simm.s32 $0x40;
	s18 =	sadd.s32 $0x0, s22;
	v6 =	vld [tilespmem:s21+$0x5000]  }
.LBB2_4:
0x5e: {  	_ =	sdelay $0x2  }
0x5f: {  	p0 =	sne.s32 s20, $0x3FC0;
	s21 =	smov.u32 s20;
	s20 =	sadd.s32 $0x40, s20  }
0x60: {  	s21 =	sshra.s32 s21, $0x2;
	[tilespmem:v5+s31+$0x0] =	vst.idx.msk vm0, v6  }
0x61: {  	v6 =	vld [tilespmem:s21+$0x0]  }
0x62: {  	v7 =	vld [tilespmem:s21+$0x1000]  }
0x63: {  	v8 =	vld [tilespmem:s21+$0x2000];
	_ =	sdelay $0x2  }
0x64: {  	v5 =	vsub.f32 v6, v2  }
0x65: {  	v9 =	vsub.f32 v7, v3  }
0x66: {  	v10 =	vsub.f32 v8, v4;
	v5 =	vmul.f32 v5, v5  }
0x67: {  	v9 =	vmul.f32 v9, v9  }
0x68: {  	v10 =	vmul.f32 v10, v10  }
0x69: {  	v5 =	vadd.f32 v9, v5;
	_ =	sdelay $0x1  }
0x6a: {  	v5 =	vadd.f32 v10, v5;
	_ =	sdelay $0x1  }
0x6b: {  	vm0 =	vle.f32 v5, $9.000001100e-02  }
0x6c: {  	v5 =	vsel vm0, $0xFFFFFFFF, v1;
	v9 =	vsel vm0, $0x1, v1  }
0x6d: {  	(xrf0) =	vadd.scan.msk.s32 $0xffff, v9;
	_ =	sdelay $0x4  }
0x6e: {  	v5 =	vadd.s32 s18, v5  }
0x6f: {  	v9, _, _ =	vpop (xrf0)  }
0x70: {  	v5 =	vadd.s32 v9, v5;
	(v2sf) =	vpush v9, $0xF  }
0x71: {  	vm1 =	vlt.s32 v5, $0x40F  }
0x72: {  	v5 =	vnsel vm1, $0x40F, v5;
	_ =	sdelay $0x4  }
0x73: {  	[tilespmem:v5+s25+$0x0] =	vst.idx.msk vm0, v6  }
0x74: {  	[tilespmem:v5+s26+$0x0] =	vst.idx.msk vm0, v7  }
0x75: {  	[tilespmem:v5+s28+$0x0] =	vst.idx.msk vm0, v8  }
0x76: {  	v6 =	vld [tilespmem:s21+$0x3000];
	_ =	sdelay $0x4  }
0x77: {  	[tilespmem:v5+s29+$0x0] =	vst.idx.msk vm0, v6;
	s22 =	spop (v2sf)  }
0x78: {  	v6 =	vld [tilespmem:s21+$0x4000];
	s18 =	sadd.s32 s18, s22;
	_ =	sdelay $0x1  }
.Ltmp1:
0x79: {  	(pc) =	sbr.rel @p0 .LBB2_4-.Ltmp1, $3  }
0x7a: {  	_ =	sdelay $0x1  }
0x7b: {  	[tilespmem:v5+s30+$0x0] =	vst.idx.msk vm0, v6  }
0x7c: {  	v6 =	vld [tilespmem:s21+$0x5000]  }
0x7d: {  	_ =	sdelay $0x2  }
0x7e: {  	p0 =	slt.s32 s18, $0x400  }
0x7f: {  	s18 =	simm.s32 @!p0 $0x400  }
0x80: {  	v2 =	vmov s18;
	[tilespmem:v5+s31+$0x0] =	vst.idx.msk vm0, v6  }
0x81: {  	[tilespmem:$0x7B80] =	vst v2  }
0x82: {  	[hbm4b:s10+s1] =	stream.linear.scatter [tilespmem:s25], [sflag:$0x1], $0x400, $0x38;
	[tilespmem:$0x7C00] =	vst v63  }
0x83: {  	_ =	swait.ge [sflag:s19], $0x400  }
0x84: {  	[sflag:s19] =	ssyncset.done $0x0  }
0x85: {  	[sflag:s19] =	ssyncadd.s32 $0xFFFFFC00  }
0x86: {  	[hbm4b:s11+s1] =	stream.linear.scatter [tilespmem:s29], [sflag:$0x1], $0x400, $0x38;
	[tilespmem:$0x7C00] =	vst v63  }
0x87: {  	_ =	swait.ge [sflag:s19], $0x400  }
0x88: {  	[sflag:s19] =	ssyncset.done $0x0  }
0x89: {  	[sflag:s19] =	ssyncadd.s32 $0xFFFFFC00  }
0x8a: {  	[hbm4b:s12+s1] =	stream.linear.scatter [tilespmem:s26], [sflag:$0x1], $0x400, $0x38;
	[tilespmem:$0x7C00] =	vst v63  }
0x8b: {  	_ =	swait.ge [sflag:s19], $0x400  }
0x8c: {  	[sflag:s19] =	ssyncset.done $0x0  }
0x8d: {  	[sflag:s19] =	ssyncadd.s32 $0xFFFFFC00  }
0x8e: {  	[hbm4b:s13+s1] =	stream.linear.scatter [tilespmem:s30], [sflag:$0x1], $0x400, $0x38;
	[tilespmem:$0x7C00] =	vst v63  }
0x8f: {  	_ =	swait.ge [sflag:s19], $0x400  }
0x90: {  	[sflag:s19] =	ssyncset.done $0x0  }
0x91: {  	[sflag:s19] =	ssyncadd.s32 $0xFFFFFC00  }
0x92: {  	[hbm4b:s14+s1] =	stream.linear.scatter [tilespmem:s28], [sflag:$0x1], $0x400, $0x38;
	[tilespmem:$0x7C00] =	vst v63  }
0x93: {  	_ =	swait.ge [sflag:s19], $0x400  }
0x94: {  	[sflag:s19] =	ssyncset.done $0x0  }
0x95: {  	[sflag:s19] =	ssyncadd.s32 $0xFFFFFC00  }
0x96: {  	[hbm4b:s15+s1] =	stream.linear.scatter [tilespmem:s31], [sflag:$0x1], $0x400, $0x38;
	[tilespmem:$0x7C00] =	vst v63  }
0x97: {  	s2 =	sadd.s32 $0x1, s2;
	_ =	swait.ge [sflag:s19], $0x400  }
0x98: {  	p0 =	sne.s32 s2, s17;
	[sflag:s19] =	ssyncset.done $0x0  }
.Ltmp2:
0x99: {  	[sflag:s19] =	ssyncadd.s32 $0xFFFFFC00;
	(pc) =	sbr.rel @p0 .LBB2_1-.Ltmp2, $4  }
0x9a: {  	[hbm4b:s16+s1] =	stream.linear.scatter [tilespmem:s0], [sflag:$0x1], $0x10, $0x38;
	[tilespmem:$0x7C00] =	vst v63  }
0x9b: {  	_ =	swait.ge [sflag:s19], $0x10  }
0x9c: {  	[sflag:s19] =	ssyncset.done $0x0  }
0x9d: {  	[sflag:s19] =	ssyncadd.s32 $0xFFFFFFF0  }
0x9e: {  	_ =	sfence.sel $0x180000  }
0x9f: {  	[bflag:$0x0] =	sbarrier.arrive $0xFFFF  }
0xa0: {  	_ =	strace $0x90000047  }
0xa1: {  	s0 =	stileid.u32;
	[bflag:$0x2] =	sbarrier.arrive $0xFFFF  }
0xa2: {  	p0 =	sne.s32 s0, $0x0;
	s0 =	rddreg [dreg:$0x3]  }
0xa3: {  	s0 =	sadd.s32 @!p0 $0x100000, s0  }
0xa4: {  	[sflag:s0] =	ssyncadd.tile.s32 @!p0 $0x1;
	_ =	shalt  }
.Lfunc_end2:
_tile_overlayer_lowered:
.L_overlay_start_2:
0xa5: {  	(tag) =	ssettag $0x2  }
0xa6: {  	s0 =	rddreg [dreg:$0x0];
	s2 =	stileid.u32  }
0xa7: {  	s1 =	rddreg [dreg:$0x1];
	p0 =	sne.s32 s2, $0x0  }
0xa8: {  	s3 =	rddreg [dreg:$0x2];
	[bflag:$0x3] =	sbarrier.arrive $0xFFFF;
	s2 =	simm.s32 @!p0 $0x1C01  }
0xa9: {  	[timem:s3], [sflag:s2] =	dma.local @!p0 [hbm:s0], s1  }
0xaa: {  	s0 =	simm.s32 @!p0 $0x1  }
0xab: {  	_ =	swait.ge @!p0 [sflag:s0], s1  }
0xac: {  	s1 =	ssub.s32 @!p0 $0x0, s1;
	[sflag:s0] =	ssyncset.done @!p0 $0x0  }
0xad: {  	[sflag:s0] =	ssyncadd.s32 @!p0 s1  }
0xae: {  	[bflag:$0x3] =	sbarrier.arrive $0xFFFF  }
0xaf: {  	_ =	shalt  }

</sc_bundles>
